<compile_context>
chip_gen: v7x
topology: tpu7x:2x2x1
jax: 0.10.2.dev20260603
libtpu: 0.0.44.dev20260713+nightly
codegen_flags: <defaults>
</compile_context>

<pallas_src>
import jax
import jax.numpy as jnp
from jax import lax
from jax.experimental import pallas as pl
from jax.experimental.pallas import tpu as pltpu
from jax.experimental.pallas import tpu_sc as plsc

_C = 21
_B = 2048
_NBINS = 2 * _C * _B
_SENT = _NBINS
_HROWS = _NBINS // 128 + 8
_NW = 32
_BH = 16
_BHK = 8


def _binning_body(logits_ref, targets_ref, idx_ref, kidx_ref):
    x = logits_ref[0]
    t = targets_ref[...]
    e = jnp.exp(x)
    p = e * (1.0 / jnp.sum(e, axis=0, keepdims=True))
    c_iota = lax.broadcasted_iota(jnp.int32, x.shape, 0)
    fg = c_iota == t
    err = jnp.where(fg, 1.0 - p, p)
    b = jnp.minimum((err * _B).astype(jnp.int32), _B - 1)
    pad = jnp.zeros((3,) + x.shape[1:], jnp.int16)
    idx_ref[...] = jnp.concatenate([b.astype(jnp.int16), pad], axis=0)
    kbin = jnp.sum(jnp.where(fg, b, 0), axis=0, keepdims=True)
    kidx_ref[...] = _C * _B + t * _B + kbin


def _binning(logits, targets3, half, n_halves):
    n, c, hh, ww = logits.shape
    hsz = hh // n_halves
    off = half * (hsz // _BH)
    grid = (n, hsz // _BH)
    return pl.pallas_call(
        _binning_body,
        grid=grid,
        in_specs=[
            pl.BlockSpec((1, _C, _BH, ww), lambda i, j: (i, 0, j + off, 0)),
            pl.BlockSpec((1, _BH, ww), lambda i, j: (i, j + off, 0)),
        ],
        out_specs=[
            pl.BlockSpec((_C + 3, _BH, ww), lambda i, j: (i, j, 0)),
            pl.BlockSpec((1, _BH, ww), lambda i, j: (i, j, 0)),
        ],
        out_shape=[
            jax.ShapeDtypeStruct((n * (_C + 3), hsz, ww), jnp.int16),
            jax.ShapeDtypeStruct((n, hsz, ww), jnp.int32),
        ],
    )(logits, targets3)


def _hist_body(idx1_hbm, idx2_hbm, out_hbm, buf, bufk, hist, sems):
    wid = lax.axis_index("s") * 2 + lax.axis_index("c")

    @plsc.parallel_loop(0, (_HROWS * 128) // 16, unroll=8)
    def zero_body(i):
        hist[i // 8, pl.ds((i % 8) * 16, 16)] = jnp.zeros((16,), jnp.int32)

    def scat(v, off):
        full = v + off
        row = lax.shift_right_logical(full, 7)
        col = full & 127
        cnt, last = plsc.scan_count(full)
        plsc.addupdate_scatter(hist, [row, col], cnt, mask=last)

    def consume1(slot, off):
        @plsc.parallel_loop(0, (_BH * 512) // 32, unroll=8)
        def body(g):
            v16 = buf[slot, g // 16, pl.ds((g % 16) * 32, 32)]
            v32 = plsc.bitcast(v16, jnp.int32)
            scat(v32 & 0xFFFF, off)
            scat(lax.shift_right_logical(v32, 16), off)

    def consume2(slot):
        @plsc.parallel_loop(0, (_BHK * 512) // 16, unroll=8)
        def body(g):
            v = bufk[slot, g // 32, pl.ds((g % 32) * 16, 16)]
            scat(v, 0)

    n_img = idx1_hbm.shape[0] // _NW
    stripes = idx1_hbm.shape[1] // _BH
    nch1 = n_img * stripes

    def src1(k):
        img = wid * n_img + k // stripes
        h0 = (k % stripes) * _BH
        return idx1_hbm.at[img, pl.ds(h0, _BH), :]

    def start1(k, slot):
        pltpu.async_copy(src1(k), buf.at[slot], sems.at[slot])

    def wait1(slot):
        pltpu.make_async_copy(src1(0), buf.at[slot], sems.at[slot]).wait()

    start1(0, 0)
    start1(1, 1)

    def chunk1(k, carry):
        slot = lax.rem(k, 2)
        wait1(slot)
        img = wid * n_img + k // stripes
        c = lax.rem(img, _C + 3)
        off = jnp.where(c < _C, c * _B, _SENT)
        consume1(slot, off)

        @pl.when(k + 2 < nch1)
        def _():
            start1(k + 2, slot)

        return carry

    lax.fori_loop(0, nch1, chunk1, 0)

    kim = _NW // idx2_hbm.shape[0]
    krows = idx2_hbm.shape[1] // kim

    def src2(k):
        n = wid // kim
        h0 = (wid % kim) * krows + k * _BHK
        return idx2_hbm.at[n, pl.ds(h0, _BHK), :]

    def start2(k, slot):
        pltpu.async_copy(src2(k), bufk.at[slot], sems.at[slot])

    def wait2(slot):
        pltpu.make_async_copy(src2(0), bufk.at[slot], sems.at[slot]).wait()

    start2(0, 0)
    start2(1, 1)

    def chunk2(k, carry):
        slot = lax.rem(k, 2)
        wait2(slot)
        consume2(slot)

        @pl.when(k + 2 < krows // _BHK)
        def _():
            start2(k + 2, slot)

        return carry

    lax.fori_loop(0, krows // _BHK, chunk2, 0)

    pltpu.sync_copy(hist.at[pl.ds(0, _NBINS // 128), :], out_hbm.at[wid])


def _hist(idx1, idx2):
    mesh = plsc.VectorSubcoreMesh(core_axis_name="c", subcore_axis_name="s")
    return pl.kernel(
        _hist_body,
        out_type=jax.ShapeDtypeStruct((_NW, _NBINS // 128, 128), jnp.int32),
        mesh=mesh,
        scratch_types=[
            pltpu.VMEM((2, _BH, 512), jnp.int16),
            pltpu.VMEM((2, _BHK, 512), jnp.int32),
            pltpu.VMEM((_HROWS, 128), jnp.int32),
            pltpu.SemaphoreType.DMA((2,)),
        ],
        compiler_params=pltpu.CompilerParams(
            needs_layout_passes=False, use_tc_tiling_on_sc=True),
    )(idx1, idx2)


def _loss_body(parts_a_ref, parts_b_ref, out_ref):
    h = (jnp.sum(parts_a_ref[...].astype(jnp.float32), axis=0)
         + jnp.sum(parts_b_ref[...].astype(jnp.float32), axis=0))
    nrows = _C * _B // 128
    gpc = _B // 128
    hn = h[:nrows]
    hk = h[nrows:]

    li = lax.broadcasted_iota(jnp.int32, (128, 128), 0)
    lj = lax.broadcasted_iota(jnp.int32, (128, 128), 1)
    u_lane = (li >= lj).astype(jnp.float32)
    sn = jnp.dot(hn, u_lane, preferred_element_type=jnp.float32)
    sk = jnp.dot(hk, u_lane, preferred_element_type=jnp.float32)

    ri = lax.broadcasted_iota(jnp.int32, (nrows, nrows), 0)
    rj = lax.broadcasted_iota(jnp.int32, (nrows, nrows), 1)
    same_c = (ri // gpc) == (rj // gpc)
    m_after = (same_c & (rj > ri)).astype(jnp.float32)
    rn = jnp.sum(hn, axis=1, keepdims=True)
    rk = jnp.sum(hk, axis=1, keepdims=True)
    gs_n = jnp.dot(m_after, rn, preferred_element_type=jnp.float32)
    gs_k = jnp.dot(m_after, rk, preferred_element_type=jnp.float32)
    g_cls = jnp.dot(same_c.astype(jnp.float32), rk,
                    preferred_element_type=jnp.float32)

    n_cum = sn + gs_n
    k_cum = sk + gs_k
    j = jnp.where(n_cum > 0.5,
                  1.0 - (g_cls - k_cum) / (g_cls + n_cum - k_cum),
                  0.0)
    total = jnp.sum(j) / (_C * _B) - 0.5 / _B
    out_ref[...] = jnp.reshape(total, (1, 1))


def _loss(parts_a, parts_b):
    return pl.pallas_call(
        _loss_body,
        out_shape=jax.ShapeDtypeStruct((1, 1), jnp.float32),
    )(parts_a, parts_b)


def kernel(logits, targets):
    idx_a, kidx_a = _binning(logits, targets, 0, 2)
    parts_a = _hist(idx_a, kidx_a)
    idx_b, kidx_b = _binning(logits, targets, 1, 2)
    parts_b = _hist(idx_b, kidx_b)
    out = _loss(parts_a, parts_b)
    return out.reshape(())

# --- scband reference (transcript-rebuilt; emitter-appended) ---
"""Pipeline reference for scband-lovasz-softmax-loss-16604343567093 (READ-ONLY COPY).

The authoritative reference and input builder live on the scoring server;
editing this copy changes nothing except your own understanding.
"""

import jax, jax.numpy as jnp
import numpy as np


def setup_inputs(seed: int = 0) -> dict:
    key = jax.random.key(seed)
    k1, k2 = jax.random.split(key)
    logits = jax.random.normal(k1, (4, 21, 512, 512), dtype=jnp.float32)
    targets = jax.random.randint(k2, (4, 512, 512), 0, 21, dtype=jnp.int32)
    return {"logits": logits, "targets": targets}


def _lovasz_softmax(logits, targets, ignore_index=-1):
    N, C, H, W = logits.shape
    probas = jax.nn.softmax(logits, axis=1)
    probas_flat = jnp.transpose(probas, (0, 2, 3, 1)).reshape(-1, C)
    targets_flat = targets.reshape(-1)
    valid = (targets_flat != ignore_index).astype(probas_flat.dtype)
    losses = []
    for c in range(C):
        fg = (targets_flat == c).astype(probas_flat.dtype) * valid
        errors = jnp.abs(fg - probas_flat[:, c]) * valid
        order = jnp.argsort(-errors)
        errors_sorted = jnp.take(errors, order)
        fg_sorted = jnp.take(fg, order)
        gts = fg_sorted.sum()
        intersection = gts - jnp.cumsum(fg_sorted)
        union = gts + jnp.cumsum(1.0 - fg_sorted)
        jaccard = 1.0 - intersection / union
        grad = jnp.concatenate([jaccard[:1], jaccard[1:] - jaccard[:-1]])
        losses.append(jnp.dot(errors_sorted, grad))
    return jnp.stack(losses).mean()


def reference(logits, targets):
    return _lovasz_softmax(logits, targets, ignore_index=-1)

if __name__ == "__main__":
    import jax
    _d = setup_inputs()
    print(jax.jit(kernel)(*tuple(_d.values())))

</pallas_src>

<mosaic_0001>
#map = affine_map<(d0, d1) -> (0, 0, 0)>
module attributes {stable_mosaic.version = 14 : i64} {
  func.func @_hist_body(%arg0: i32, %arg1: i32, %arg2: memref<96x256x512xi16, #tpu.memory_space<hbm>>, %arg3: memref<4x256x512xi32, #tpu.memory_space<hbm>>, %arg4: memref<32x672x128xi32, #tpu.memory_space<hbm>>, %arg5: memref<2x16x512xi16, #tpu.memory_space<vmem>>, %arg6: memref<2x8x512xi32, #tpu.memory_space<vmem>>, %arg7: memref<680x128xi32, #tpu.memory_space<vmem>>, %arg8: memref<2x!tpu.dma_semaphore, #tpu.memory_space<semaphore_mem>>) attributes {dimension_semantics = [#tpu.dimension_semantics<core_parallel>, #tpu.dimension_semantics<subcore_parallel>], iteration_bounds = array<i64: 2, 16>, scalar_prefetch = 0 : i64, scratch_operands = 4 : i64, tpu.core_type = #tpu.core_type<sc_vector_subcore>, window_params = [{transform_indices = #map}, {transform_indices = #map}, {transform_indices = #map}]} {
    %mul3A = arith.constant 2 : i32
    %mul3A_0 = arith.muli %arg1, %mul3A : i32
    %add3A = arith.addi %mul3A_0, %arg0 : i32
    %parallel_loop3A = arith.constant 0 : i32
    %parallel_loop3A_1 = arith.constant 5440 : i32
    %parallel_loop3A_2 = arith.constant 1 : i32
    scf.for %parallel_loop3A_175 = %parallel_loop3A to %parallel_loop3A_1 step %parallel_loop3A_2  : i32 {
      %parallel_loop3A_176 = arith.constant 0 : i32
      %parallel_loop3A_177 = vector.broadcast %parallel_loop3A_176 : i32 to vector<16xi32>
      %parallel_loop3A_178 = arith.constant 8 : i32
      %parallel_loop3A_179 = arith.divsi %parallel_loop3A_175, %parallel_loop3A_178 : i32
      %parallel_loop3A_180 = arith.constant 0 : i32
      %parallel_loop3A_181 = arith.cmpi sgt, %parallel_loop3A_175, %parallel_loop3A_180 : i32
      %parallel_loop3A_182 = arith.extui %parallel_loop3A_181 : i1 to i32
      %parallel_loop3A_183 = arith.constant 0 : i32
      %parallel_loop3A_184 = arith.cmpi slt, %parallel_loop3A_175, %parallel_loop3A_183 : i32
      %parallel_loop3A_185 = arith.extui %parallel_loop3A_184 : i1 to i32
      %parallel_loop3A_186 = arith.subi %parallel_loop3A_182, %parallel_loop3A_185 : i32
      %parallel_loop3A_187 = arith.constant 0 : i32
      %parallel_loop3A_188 = arith.cmpi sgt, %parallel_loop3A_178, %parallel_loop3A_187 : i32
      %parallel_loop3A_189 = arith.extui %parallel_loop3A_188 : i1 to i32
      %parallel_loop3A_190 = arith.constant 0 : i32
      %parallel_loop3A_191 = arith.cmpi slt, %parallel_loop3A_178, %parallel_loop3A_190 : i32
      %parallel_loop3A_192 = arith.extui %parallel_loop3A_191 : i1 to i32
      %parallel_loop3A_193 = arith.subi %parallel_loop3A_189, %parallel_loop3A_192 : i32
      %parallel_loop3A_194 = arith.cmpi ne, %parallel_loop3A_186, %parallel_loop3A_193 : i32
      %parallel_loop3A_195 = arith.remsi %parallel_loop3A_175, %parallel_loop3A_178 : i32
      %parallel_loop3A_196 = arith.constant 0 : i32
      %parallel_loop3A_197 = arith.cmpi ne, %parallel_loop3A_195, %parallel_loop3A_196 : i32
      %parallel_loop3A_198 = arith.andi %parallel_loop3A_194, %parallel_loop3A_197 : i1
      %parallel_loop3A_199 = arith.constant 1 : i32
      %parallel_loop3A_200 = arith.subi %parallel_loop3A_179, %parallel_loop3A_199 : i32
      %parallel_loop3A_201 = arith.select %parallel_loop3A_198, %parallel_loop3A_200, %parallel_loop3A_179 : i32
      %parallel_loop3A_202 = arith.constant 8 : i32
      %parallel_loop3A_203 = arith.constant 0 : i32
      %parallel_loop3A_204 = arith.cmpi eq, %parallel_loop3A_202, %parallel_loop3A_203 : i32
      %parallel_loop3A_205 = arith.constant 1 : i32
      %parallel_loop3A_206 = arith.select %parallel_loop3A_204, %parallel_loop3A_205, %parallel_loop3A_202 : i32
      %parallel_loop3A_207 = arith.remsi %parallel_loop3A_175, %parallel_loop3A_206 : i32
      %parallel_loop3A_208 = arith.constant 0 : i32
      %parallel_loop3A_209 = arith.cmpi ne, %parallel_loop3A_207, %parallel_loop3A_208 : i32
      %parallel_loop3A_210 = arith.constant 0 : i32
      %parallel_loop3A_211 = arith.cmpi slt, %parallel_loop3A_207, %parallel_loop3A_210 : i32
      %parallel_loop3A_212 = arith.constant 0 : i32
      %parallel_loop3A_213 = arith.cmpi slt, %parallel_loop3A_206, %parallel_loop3A_212 : i32
      %parallel_loop3A_214 = arith.xori %parallel_loop3A_211, %parallel_loop3A_213 : i1
      %parallel_loop3A_215 = arith.andi %parallel_loop3A_214, %parallel_loop3A_209 : i1
      %parallel_loop3A_216 = arith.addi %parallel_loop3A_207, %parallel_loop3A_206 : i32
      %parallel_loop3A_217 = arith.select %parallel_loop3A_215, %parallel_loop3A_216, %parallel_loop3A_207 : i32
      %parallel_loop3A_218 = arith.constant 16 : i32
      %parallel_loop3A_219 = arith.muli %parallel_loop3A_217, %parallel_loop3A_218 : i32
      %parallel_loop3A_220 = arith.index_cast %parallel_loop3A_201 : i32 to index
      %parallel_loop3A_221 = arith.index_cast %parallel_loop3A_219 : i32 to index
      %parallel_loop3A_222 = tpu.vector_load %arg7[%parallel_loop3A_220, %parallel_loop3A_221] {strides = array<i32>} : memref<680x128xi32, #tpu.memory_space<vmem>>, vector<16xi32>,
      tpu.vector_store %arg7[%parallel_loop3A_220, %parallel_loop3A_221], %parallel_loop3A_177 {strides = array<i32>} : memref<680x128xi32, #tpu.memory_space<vmem>>, vector<16xi32>,
    } {sc.loop_unroll_factor = 8 : i64, sc.parallel_access}
    %mul3A_3 = arith.constant 3 : i32
    %mul3A_4 = arith.muli %add3A, %mul3A_3 : i32
    %add3A_5 = arith.constant 0 : i32
    %add3A_6 = arith.addi %mul3A_4, %add3A_5 : i32
    %dma_start3A = arith.constant 0 : i32
    %dma_start3A_7 = arith.constant 0 : i32
    %dma_start3A_8 = arith.constant 0 : i32
    %dma_start3A_9 = arith.constant 0 : i32
    %dma_start3A_10 = tpu.memref_slice %arg5[%dma_start3A, %dma_start3A_8, %dma_start3A_9] : memref<2x16x512xi16, #tpu.memory_space<vmem>> -> memref<1x16x512xi16, #tpu.memory_space<vmem>>
    %dma_start3A_11 = tpu.memref_squeeze %dma_start3A_10 : memref<1x16x512xi16, #tpu.memory_space<vmem>> -> memref<16x512xi16, #tpu.memory_space<vmem>>
    %dma_start3A_12 = arith.constant 0 : i32
    %dma_start3A_13 = arith.constant 0 : i32
    %dma_start3A_14 = tpu.memref_slice %arg2[%add3A_6, %dma_start3A_12, %dma_start3A_13] : memref<96x256x512xi16, #tpu.memory_space<hbm>> -> memref<1x16x512xi16, #tpu.memory_space<hbm>>
    %dma_start3A_15 = tpu.memref_squeeze %dma_start3A_14 : memref<1x16x512xi16, #tpu.memory_space<hbm>> -> memref<16x512xi16, #tpu.memory_space<hbm>>
    %dma_start3A_16 = tpu.memref_slice %arg8[%dma_start3A_7] : memref<2x!tpu.dma_semaphore, #tpu.memory_space<semaphore_mem>> -> memref<1x!tpu.dma_semaphore, #tpu.memory_space<semaphore_mem>>
    %dma_start3A_17 = tpu.memref_squeeze %dma_start3A_16 : memref<1x!tpu.dma_semaphore, #tpu.memory_space<semaphore_mem>> -> memref<!tpu.dma_semaphore, #tpu.memory_space<semaphore_mem>>
    %dma_start3A_18 = arith.constant 0 : i32
    %dma_start3A_19 = arith.constant 0 : i32
    %dma_start3A_20 = tpu.memref_slice %arg5[%dma_start3A, %dma_start3A_18, %dma_start3A_19] : memref<2x16x512xi16, #tpu.memory_space<vmem>> -> memref<1x16x512xi16, #tpu.memory_space<vmem>>
    %dma_start3A_21 = tpu.memref_squeeze %dma_start3A_20 : memref<1x16x512xi16, #tpu.memory_space<vmem>> -> memref<16x512xi16, #tpu.memory_space<vmem>>
    %dma_start3A_22 = arith.constant 0 : i32
    %dma_start3A_23 = arith.constant 0 : i32
    %dma_start3A_24 = tpu.memref_slice %arg2[%add3A_6, %dma_start3A_22, %dma_start3A_23] : memref<96x256x512xi16, #tpu.memory_space<hbm>> -> memref<1x16x512xi16, #tpu.memory_space<hbm>>
    %dma_start3A_25 = tpu.memref_squeeze %dma_start3A_24 : memref<1x16x512xi16, #tpu.memory_space<hbm>> -> memref<16x512xi16, #tpu.memory_space<hbm>>
    tpu.enqueue_dma source(%dma_start3A_25 : memref<16x512xi16, #tpu.memory_space<hbm>>) target(%dma_start3A_21 : memref<16x512xi16, #tpu.memory_space<vmem>>) target_semaphore(%dma_start3A_17 : memref<!tpu.dma_semaphore, #tpu.memory_space<semaphore_mem>>)
    %mul3A_26 = arith.constant 3 : i32
    %mul3A_27 = arith.muli %add3A, %mul3A_26 : i32
    %add3A_28 = arith.constant 0 : i32
    %add3A_29 = arith.addi %mul3A_27, %add3A_28 : i32
    %dma_start3A_30 = arith.constant 1 : i32
    %dma_start3A_31 = arith.constant 1 : i32
    %dma_start3A_32 = arith.constant 0 : i32
    %dma_start3A_33 = arith.constant 0 : i32
    %dma_start3A_34 = tpu.memref_slice %arg5[%dma_start3A_30, %dma_start3A_32, %dma_start3A_33] : memref<2x16x512xi16, #tpu.memory_space<vmem>> -> memref<1x16x512xi16, #tpu.memory_space<vmem>>
    %dma_start3A_35 = tpu.memref_squeeze %dma_start3A_34 : memref<1x16x512xi16, #tpu.memory_space<vmem>> -> memref<16x512xi16, #tpu.memory_space<vmem>>
    %dma_start3A_36 = arith.constant 16 : i32
    %dma_start3A_37 = arith.constant 0 : i32
    %dma_start3A_38 = tpu.memref_slice %arg2[%add3A_29, %dma_start3A_36, %dma_start3A_37] : memref<96x256x512xi16, #tpu.memory_space<hbm>> -> memref<1x16x512xi16, #tpu.memory_space<hbm>>
    %dma_start3A_39 = tpu.memref_squeeze %dma_start3A_38 : memref<1x16x512xi16, #tpu.memory_space<hbm>> -> memref<16x512xi16, #tpu.memory_space<hbm>>
    %dma_start3A_40 = tpu.memref_slice %arg8[%dma_start3A_31] : memref<2x!tpu.dma_semaphore, #tpu.memory_space<semaphore_mem>> -> memref<1x!tpu.dma_semaphore, #tpu.memory_space<semaphore_mem>>
    %dma_start3A_41 = tpu.memref_squeeze %dma_start3A_40 : memref<1x!tpu.dma_semaphore, #tpu.memory_space<semaphore_mem>> -> memref<!tpu.dma_semaphore, #tpu.memory_space<semaphore_mem>>
    %dma_start3A_42 = arith.constant 0 : i32
    %dma_start3A_43 = arith.constant 0 : i32
    %dma_start3A_44 = tpu.memref_slice %arg5[%dma_start3A_30, %dma_start3A_42, %dma_start3A_43] : memref<2x16x512xi16, #tpu.memory_space<vmem>> -> memref<1x16x512xi16, #tpu.memory_space<vmem>>
    %dma_start3A_45 = tpu.memref_squeeze %dma_start3A_44 : memref<1x16x512xi16, #tpu.memory_space<vmem>> -> memref<16x512xi16, #tpu.memory_space<vmem>>
    %dma_start3A_46 = arith.constant 16 : i32
    %dma_start3A_47 = arith.constant 0 : i32
    %dma_start3A_48 = tpu.memref_slice %arg2[%add3A_29, %dma_start3A_46, %dma_start3A_47] : memref<96x256x512xi16, #tpu.memory_space<hbm>> -> memref<1x16x512xi16, #tpu.memory_space<hbm>>
    %dma_start3A_49 = tpu.memref_squeeze %dma_start3A_48 : memref<1x16x512xi16, #tpu.memory_space<hbm>> -> memref<16x512xi16, #tpu.memory_space<hbm>>
    tpu.enqueue_dma source(%dma_start3A_49 : memref<16x512xi16, #tpu.memory_space<hbm>>) target(%dma_start3A_45 : memref<16x512xi16, #tpu.memory_space<vmem>>) target_semaphore(%dma_start3A_41 : memref<!tpu.dma_semaphore, #tpu.memory_space<semaphore_mem>>)
    %scan3A = arith.constant 0 : i32
    %scan3A_50 = arith.constant 0 : i32
    %scan3A_51 = arith.constant 48 : i32
    %scan3A_52 = arith.addi %scan3A_50, %scan3A_51 : i32
    %scan3A_53 = arith.constant 1 : i32
    scf.for %scan3A_175 = %scan3A_50 to %scan3A_52 step %scan3A_53  : i32 {
      %rem3A_176 = arith.constant 2 : i32
      %rem3A_177 = arith.remsi %scan3A_175, %rem3A_176 : i32
      %mul3A_178 = arith.constant 3 : i32
      %mul3A_179 = arith.muli %add3A, %mul3A_178 : i32
      %add3A_180 = arith.constant 0 : i32
      %add3A_181 = arith.addi %mul3A_179, %add3A_180 : i32
      %dma_wait3A = arith.constant 0 : i32
      %dma_wait3A_182 = arith.constant 0 : i32
      %dma_wait3A_183 = tpu.memref_slice %arg5[%rem3A_177, %dma_wait3A, %dma_wait3A_182] : memref<2x16x512xi16, #tpu.memory_space<vmem>> -> memref<1x16x512xi16, #tpu.memory_space<vmem>>
      %dma_wait3A_184 = tpu.memref_squeeze %dma_wait3A_183 : memref<1x16x512xi16, #tpu.memory_space<vmem>> -> memref<16x512xi16, #tpu.memory_space<vmem>>
      %dma_wait3A_185 = arith.constant 0 : i32
      %dma_wait3A_186 = arith.constant 0 : i32
      %dma_wait3A_187 = tpu.memref_slice %arg2[%add3A_181, %dma_wait3A_185, %dma_wait3A_186] : memref<96x256x512xi16, #tpu.memory_space<hbm>> -> memref<1x16x512xi16, #tpu.memory_space<hbm>>
      %dma_wait3A_188 = tpu.memref_squeeze %dma_wait3A_187 : memref<1x16x512xi16, #tpu.memory_space<hbm>> -> memref<16x512xi16, #tpu.memory_space<hbm>>
      %dma_wait3A_189 = tpu.memref_slice %arg8[%rem3A_177] : memref<2x!tpu.dma_semaphore, #tpu.memory_space<semaphore_mem>> -> memref<1x!tpu.dma_semaphore, #tpu.memory_space<semaphore_mem>>
      %dma_wait3A_190 = tpu.memref_squeeze %dma_wait3A_189 : memref<1x!tpu.dma_semaphore, #tpu.memory_space<semaphore_mem>> -> memref<!tpu.dma_semaphore, #tpu.memory_space<semaphore_mem>>
      %dma_wait3A_191 = arith.constant 0 : i32
      %dma_wait3A_192 = arith.constant 0 : i32
      %dma_wait3A_193 = tpu.memref_slice %arg5[%rem3A_177, %dma_wait3A_191, %dma_wait3A_192] : memref<2x16x512xi16, #tpu.memory_space<vmem>> -> memref<1x16x512xi16, #tpu.memory_space<vmem>>
      %dma_wait3A_194 = tpu.memref_squeeze %dma_wait3A_193 : memref<1x16x512xi16, #tpu.memory_space<vmem>> -> memref<16x512xi16, #tpu.memory_space<vmem>>
      %dma_wait3A_195 = arith.constant 0 : i32
      %dma_wait3A_196 = arith.constant 0 : i32
      %dma_wait3A_197 = tpu.memref_slice %arg2[%add3A_181, %dma_wait3A_195, %dma_wait3A_196] : memref<96x256x512xi16, #tpu.memory_space<hbm>> -> memref<1x16x512xi16, #tpu.memory_space<hbm>>
      %dma_wait3A_198 = tpu.memref_squeeze %dma_wait3A_197 : memref<1x16x512xi16, #tpu.memory_space<hbm>> -> memref<16x512xi16, #tpu.memory_space<hbm>>
      tpu.wait_dma2 semaphore(%dma_wait3A_190 : memref<!tpu.dma_semaphore, #tpu.memory_space<semaphore_mem>>) src(%dma_wait3A_198 : memref<16x512xi16, #tpu.memory_space<hbm>>) dst(%dma_wait3A_194 : memref<16x512xi16, #tpu.memory_space<vmem>>)
      %mul3A_199 = arith.constant 3 : i32
      %mul3A_200 = arith.muli %add3A, %mul3A_199 : i32
      %jit3A_201 = arith.constant 16 : i32
      %div3A_202 = arith.divsi %scan3A_175, %jit3A_201 : i32
      %sign3A_203 = arith.constant 0 : i32
      %sign3A_204 = arith.cmpi sgt, %scan3A_175, %sign3A_203 : i32
      %sign3A_205 = arith.extui %sign3A_204 : i1 to i32
      %sign3A_206 = arith.constant 0 : i32
      %sign3A_207 = arith.cmpi slt, %scan3A_175, %sign3A_206 : i32
      %sign3A_208 = arith.extui %sign3A_207 : i1 to i32
      %sign3A_209 = arith.subi %sign3A_205, %sign3A_208 : i32
      %sign3A_210 = arith.constant 0 : i32
      %sign3A_211 = arith.cmpi sgt, %jit3A_201, %sign3A_210 : i32
      %sign3A_212 = arith.extui %sign3A_211 : i1 to i32
      %sign3A_213 = arith.constant 0 : i32
      %sign3A_214 = arith.cmpi slt, %jit3A_201, %sign3A_213 : i32
      %sign3A_215 = arith.extui %sign3A_214 : i1 to i32
      %sign3A_216 = arith.subi %sign3A_212, %sign3A_215 : i32
      %ne3A_217 = arith.cmpi ne, %sign3A_209, %sign3A_216 : i32
      %rem3A_218 = arith.remsi %scan3A_175, %jit3A_201 : i32
      %ne3A_219 = arith.constant 0 : i32
      %ne3A_220 = arith.cmpi ne, %rem3A_218, %ne3A_219 : i32
      %and3A_221 = arith.andi %ne3A_217, %ne3A_220 : i1
      %sub3A_222 = arith.constant 1 : i32
      %sub3A_223 = arith.subi %div3A_202, %sub3A_222 : i32
      %select_n3A_224 = arith.select %and3A_221, %sub3A_223, %div3A_202 : i32
      %add3A_225 = arith.addi %mul3A_200, %select_n3A_224 : i32
      %rem3A_226 = arith.constant 24 : i32
      %rem3A_227 = arith.remsi %add3A_225, %rem3A_226 : i32
      %lt3A_228 = arith.constant 21 : i32
      %lt3A_229 = arith.cmpi slt, %rem3A_227, %lt3A_228 : i32
      %mul3A_230 = arith.constant 2048 : i32
      %mul3A_231 = arith.muli %rem3A_227, %mul3A_230 : i32
      %jit3A_232 = arith.constant 86016 : i32
      %select_n3A_233 = arith.select %lt3A_229, %mul3A_231, %jit3A_232 : i32
      %parallel_loop3A_234 = arith.constant 0 : i32
      %parallel_loop3A_235 = arith.constant 256 : i32
      %parallel_loop3A_236 = arith.constant 1 : i32
      scf.for %parallel_loop3A_242 = %parallel_loop3A_234 to %parallel_loop3A_235 step %parallel_loop3A_236  : i32 {
        %parallel_loop3A_243 = arith.constant 16 : i32
        %parallel_loop3A_244 = arith.divsi %parallel_loop3A_242, %parallel_loop3A_243 : i32
        %parallel_loop3A_245 = arith.constant 0 : i32
        %parallel_loop3A_246 = arith.cmpi sgt, %parallel_loop3A_242, %parallel_loop3A_245 : i32
        %parallel_loop3A_247 = arith.extui %parallel_loop3A_246 : i1 to i32
        %parallel_loop3A_248 = arith.constant 0 : i32
        %parallel_loop3A_249 = arith.cmpi slt, %parallel_loop3A_242, %parallel_loop3A_248 : i32
        %parallel_loop3A_250 = arith.extui %parallel_loop3A_249 : i1 to i32
        %parallel_loop3A_251 = arith.subi %parallel_loop3A_247, %parallel_loop3A_250 : i32
        %parallel_loop3A_252 = arith.constant 0 : i32
        %parallel_loop3A_253 = arith.cmpi sgt, %parallel_loop3A_243, %parallel_loop3A_252 : i32
        %parallel_loop3A_254 = arith.extui %parallel_loop3A_253 : i1 to i32
        %parallel_loop3A_255 = arith.constant 0 : i32
        %parallel_loop3A_256 = arith.cmpi slt, %parallel_loop3A_243, %parallel_loop3A_255 : i32
        %parallel_loop3A_257 = arith.extui %parallel_loop3A_256 : i1 to i32
        %parallel_loop3A_258 = arith.subi %parallel_loop3A_254, %parallel_loop3A_257 : i32
        %parallel_loop3A_259 = arith.cmpi ne, %parallel_loop3A_251, %parallel_loop3A_258 : i32
        %parallel_loop3A_260 = arith.remsi %parallel_loop3A_242, %parallel_loop3A_243 : i32
        %parallel_loop3A_261 = arith.constant 0 : i32
        %parallel_loop3A_262 = arith.cmpi ne, %parallel_loop3A_260, %parallel_loop3A_261 : i32
        %parallel_loop3A_263 = arith.andi %parallel_loop3A_259, %parallel_loop3A_262 : i1
        %parallel_loop3A_264 = arith.constant 1 : i32
        %parallel_loop3A_265 = arith.subi %parallel_loop3A_244, %parallel_loop3A_264 : i32
        %parallel_loop3A_266 = arith.select %parallel_loop3A_263, %parallel_loop3A_265, %parallel_loop3A_244 : i32
        %parallel_loop3A_267 = arith.constant 16 : i32
        %parallel_loop3A_268 = arith.constant 0 : i32
        %parallel_loop3A_269 = arith.cmpi eq, %parallel_loop3A_267, %parallel_loop3A_268 : i32
        %parallel_loop3A_270 = arith.constant 1 : i32
        %parallel_loop3A_271 = arith.select %parallel_loop3A_269, %parallel_loop3A_270, %parallel_loop3A_267 : i32
        %parallel_loop3A_272 = arith.remsi %parallel_loop3A_242, %parallel_loop3A_271 : i32
        %parallel_loop3A_273 = arith.constant 0 : i32
        %parallel_loop3A_274 = arith.cmpi ne, %parallel_loop3A_272, %parallel_loop3A_273 : i32
        %parallel_loop3A_275 = arith.constant 0 : i32
        %parallel_loop3A_276 = arith.cmpi slt, %parallel_loop3A_272, %parallel_loop3A_275 : i32
        %parallel_loop3A_277 = arith.constant 0 : i32
        %parallel_loop3A_278 = arith.cmpi slt, %parallel_loop3A_271, %parallel_loop3A_277 : i32
        %parallel_loop3A_279 = arith.xori %parallel_loop3A_276, %parallel_loop3A_278 : i1
        %parallel_loop3A_280 = arith.andi %parallel_loop3A_279, %parallel_loop3A_274 : i1
        %parallel_loop3A_281 = arith.addi %parallel_loop3A_272, %parallel_loop3A_271 : i32
        %parallel_loop3A_282 = arith.select %parallel_loop3A_280, %parallel_loop3A_281, %parallel_loop3A_272 : i32
        %parallel_loop3A_283 = arith.constant 32 : i32
        %parallel_loop3A_284 = arith.muli %parallel_loop3A_282, %parallel_loop3A_283 : i32
        %parallel_loop3A_285 = arith.index_cast %rem3A_177 : i32 to index
        %parallel_loop3A_286 = arith.index_cast %parallel_loop3A_266 : i32 to index
        %parallel_loop3A_287 = arith.index_cast %parallel_loop3A_284 : i32 to index
        %parallel_loop3A_288 = tpu.vector_load %arg5[%parallel_loop3A_285, %parallel_loop3A_286, %parallel_loop3A_287] {strides = array<i32>} : memref<2x16x512xi16, #tpu.memory_space<vmem>>, vector<32xi16>,
        %parallel_loop3A_289 = vector.bitcast %parallel_loop3A_288 : vector<32xi16> to vector<16xi32>
        %parallel_loop3A_290 = arith.constant 65535 : i32
        %parallel_loop3A_291 = vector.broadcast %parallel_loop3A_290 : i32 to vector<16xi32>
        %parallel_loop3A_292 = arith.andi %parallel_loop3A_289, %parallel_loop3A_291 : vector<16xi32>
        %parallel_loop3A_293 = vector.broadcast %select_n3A_233 : i32 to vector<16xi32>
        %parallel_loop3A_294 = arith.addi %parallel_loop3A_292, %parallel_loop3A_293 : vector<16xi32>
        %parallel_loop3A_295 = arith.constant 7 : i32
        %parallel_loop3A_296 = vector.broadcast %parallel_loop3A_295 : i32 to vector<16xi32>
        %parallel_loop3A_297 = arith.shrui %parallel_loop3A_294, %parallel_loop3A_296 : vector<16xi32>
        %parallel_loop3A_298 = arith.constant 127 : i32
        %parallel_loop3A_299 = vector.broadcast %parallel_loop3A_298 : i32 to vector<16xi32>
        %parallel_loop3A_300 = arith.andi %parallel_loop3A_294, %parallel_loop3A_299 : vector<16xi32>
        %parallel_loop3A_301 = arith.constant true
        %parallel_loop3A_302 = vector.broadcast %parallel_loop3A_301 : i1 to vector<16xi1>
        %parallel_loop3A_303, %parallel_loop3A_304 = tpu.scan_count mask(%parallel_loop3A_302 : vector<16xi1>) value(%parallel_loop3A_294 : vector<16xi32>) : vector<16xi1>, vector<16xi32>
        tpu.vector_store_idx %arg7[%parallel_loop3A_297, %parallel_loop3A_300], %parallel_loop3A_304 masked %parallel_loop3A_303 {add = true} : memref<680x128xi32, #tpu.memory_space<vmem>>[vector<16xi32>, vector<16xi32>], vector<16xi32>, vector<16xi1>
        %parallel_loop3A_305 = arith.constant 16 : i32
        %parallel_loop3A_306 = vector.broadcast %parallel_loop3A_305 : i32 to vector<16xi32>
        %parallel_loop3A_307 = arith.shrui %parallel_loop3A_289, %parallel_loop3A_306 : vector<16xi32>
        %parallel_loop3A_308 = vector.broadcast %select_n3A_233 : i32 to vector<16xi32>
        %parallel_loop3A_309 = arith.addi %parallel_loop3A_307, %parallel_loop3A_308 : vector<16xi32>
        %parallel_loop3A_310 = arith.constant 7 : i32
        %parallel_loop3A_311 = vector.broadcast %parallel_loop3A_310 : i32 to vector<16xi32>
        %parallel_loop3A_312 = arith.shrui %parallel_loop3A_309, %parallel_loop3A_311 : vector<16xi32>
        %parallel_loop3A_313 = arith.constant 127 : i32
        %parallel_loop3A_314 = vector.broadcast %parallel_loop3A_313 : i32 to vector<16xi32>
        %parallel_loop3A_315 = arith.andi %parallel_loop3A_309, %parallel_loop3A_314 : vector<16xi32>
        %parallel_loop3A_316 = arith.constant true
        %parallel_loop3A_317 = vector.broadcast %parallel_loop3A_316 : i1 to vector<16xi1>
        %parallel_loop3A_318, %parallel_loop3A_319 = tpu.scan_count mask(%parallel_loop3A_317 : vector<16xi1>) value(%parallel_loop3A_309 : vector<16xi32>) : vector<16xi1>, vector<16xi32>
        tpu.vector_store_idx %arg7[%parallel_loop3A_312, %parallel_loop3A_315], %parallel_loop3A_319 masked %parallel_loop3A_318 {add = true} : memref<680x128xi32, #tpu.memory_space<vmem>>[vector<16xi32>, vector<16xi32>], vector<16xi32>, vector<16xi1>
      } {sc.loop_unroll_factor = 8 : i64, sc.parallel_access}
      %add3A_237 = arith.constant 2 : i32
      %add3A_238 = arith.addi %scan3A_175, %add3A_237 : i32
      %lt3A_239 = arith.constant 48 : i32
      %lt3A_240 = arith.cmpi slt, %add3A_238, %lt3A_239 : i32
      %convert_element_type3A = arith.extui %lt3A_240 : i1 to i32
      %cond3A = arith.constant 0 : i32
      %cond3A_241 = arith.cmpi ne, %convert_element_type3A, %cond3A : i32
      scf.if %cond3A_241 {
        %add3A_242 = arith.constant 2 : i32
        %add3A_243 = arith.addi %scan3A_175, %add3A_242 : i32
        %mul3A_244 = arith.constant 3 : i32
        %mul3A_245 = arith.muli %add3A, %mul3A_244 : i32
        %jit3A_246 = arith.constant 16 : i32
        %div3A_247 = arith.divsi %add3A_243, %jit3A_246 : i32
        %sign3A_248 = arith.constant 0 : i32
        %sign3A_249 = arith.cmpi sgt, %add3A_243, %sign3A_248 : i32
        %sign3A_250 = arith.extui %sign3A_249 : i1 to i32
        %sign3A_251 = arith.constant 0 : i32
        %sign3A_252 = arith.cmpi slt, %add3A_243, %sign3A_251 : i32
        %sign3A_253 = arith.extui %sign3A_252 : i1 to i32
        %sign3A_254 = arith.subi %sign3A_250, %sign3A_253 : i32
        %sign3A_255 = arith.constant 0 : i32
        %sign3A_256 = arith.cmpi sgt, %jit3A_246, %sign3A_255 : i32
        %sign3A_257 = arith.extui %sign3A_256 : i1 to i32
        %sign3A_258 = arith.constant 0 : i32
        %sign3A_259 = arith.cmpi slt, %jit3A_246, %sign3A_258 : i32
        %sign3A_260 = arith.extui %sign3A_259 : i1 to i32
        %sign3A_261 = arith.subi %sign3A_257, %sign3A_260 : i32
        %ne3A_262 = arith.cmpi ne, %sign3A_254, %sign3A_261 : i32
        %rem3A_263 = arith.remsi %add3A_243, %jit3A_246 : i32
        %ne3A_264 = arith.constant 0 : i32
        %ne3A_265 = arith.cmpi ne, %rem3A_263, %ne3A_264 : i32
        %and3A_266 = arith.andi %ne3A_262, %ne3A_265 : i1
        %sub3A_267 = arith.constant 1 : i32
        %sub3A_268 = arith.subi %div3A_247, %sub3A_267 : i32
        %select_n3A_269 = arith.select %and3A_266, %sub3A_268, %div3A_247 : i32
        %add3A_270 = arith.addi %mul3A_245, %select_n3A_269 : i32
        %jit3A_271 = arith.constant 16 : i32
        %eq3A_272 = arith.constant 0 : i32
        %eq3A_273 = arith.cmpi eq, %jit3A_271, %eq3A_272 : i32
        %jit3A_274 = arith.constant 1 : i32
        %select_n3A_275 = arith.select %eq3A_273, %jit3A_274, %jit3A_271 : i32
        %rem3A_276 = arith.remsi %add3A_243, %select_n3A_275 : i32
        %ne3A_277 = arith.constant 0 : i32
        %ne3A_278 = arith.cmpi ne, %rem3A_276, %ne3A_277 : i32
        %lt3A_279 = arith.constant 0 : i32
        %lt3A_280 = arith.cmpi slt, %rem3A_276, %lt3A_279 : i32
        %lt3A_281 = arith.constant 0 : i32
        %lt3A_282 = arith.cmpi slt, %select_n3A_275, %lt3A_281 : i32
        %ne3A_283 = arith.xori %lt3A_280, %lt3A_282 : i1
        %and3A_284 = arith.andi %ne3A_283, %ne3A_278 : i1
        %add3A_285 = arith.addi %rem3A_276, %select_n3A_275 : i32
        %select_n3A_286 = arith.select %and3A_284, %add3A_285, %rem3A_276 : i32
        %mul3A_287 = arith.constant 16 : i32
        %mul3A_288 = arith.muli %select_n3A_286, %mul3A_287 : i32
        %dma_start3A_289 = arith.constant 0 : i32
        %dma_start3A_290 = arith.constant 0 : i32
        %dma_start3A_291 = tpu.memref_slice %arg5[%rem3A_177, %dma_start3A_289, %dma_start3A_290] : memref<2x16x512xi16, #tpu.memory_space<vmem>> -> memref<1x16x512xi16, #tpu.memory_space<vmem>>
        %dma_start3A_292 = tpu.memref_squeeze %dma_start3A_291 : memref<1x16x512xi16, #tpu.memory_space<vmem>> -> memref<16x512xi16, #tpu.memory_space<vmem>>
        %dma_start3A_293 = arith.constant 0 : i32
        %dma_start3A_294 = tpu.memref_slice %arg2[%add3A_270, %mul3A_288, %dma_start3A_293] : memref<96x256x512xi16, #tpu.memory_space<hbm>> -> memref<1x16x512xi16, #tpu.memory_space<hbm>>
        %dma_start3A_295 = tpu.memref_squeeze %dma_start3A_294 : memref<1x16x512xi16, #tpu.memory_space<hbm>> -> memref<16x512xi16, #tpu.memory_space<hbm>>
        %dma_start3A_296 = tpu.memref_slice %arg8[%rem3A_177] : memref<2x!tpu.dma_semaphore, #tpu.memory_space<semaphore_mem>> -> memref<1x!tpu.dma_semaphore, #tpu.memory_space<semaphore_mem>>
        %dma_start3A_297 = tpu.memref_squeeze %dma_start3A_296 : memref<1x!tpu.dma_semaphore, #tpu.memory_space<semaphore_mem>> -> memref<!tpu.dma_semaphore, #tpu.memory_space<semaphore_mem>>
        %dma_start3A_298 = arith.constant 0 : i32
        %dma_start3A_299 = arith.constant 0 : i32
        %dma_start3A_300 = tpu.memref_slice %arg5[%rem3A_177, %dma_start3A_298, %dma_start3A_299] : memref<2x16x512xi16, #tpu.memory_space<vmem>> -> memref<1x16x512xi16, #tpu.memory_space<vmem>>
        %dma_start3A_301 = tpu.memref_squeeze %dma_start3A_300 : memref<1x16x512xi16, #tpu.memory_space<vmem>> -> memref<16x512xi16, #tpu.memory_space<vmem>>
        %dma_start3A_302 = arith.constant 0 : i32
        %dma_start3A_303 = tpu.memref_slice %arg2[%add3A_270, %mul3A_288, %dma_start3A_302] : memref<96x256x512xi16, #tpu.memory_space<hbm>> -> memref<1x16x512xi16, #tpu.memory_space<hbm>>
        %dma_start3A_304 = tpu.memref_squeeze %dma_start3A_303 : memref<1x16x512xi16, #tpu.memory_space<hbm>> -> memref<16x512xi16, #tpu.memory_space<hbm>>
        tpu.enqueue_dma source(%dma_start3A_304 : memref<16x512xi16, #tpu.memory_space<hbm>>) target(%dma_start3A_301 : memref<16x512xi16, #tpu.memory_space<vmem>>) target_semaphore(%dma_start3A_297 : memref<!tpu.dma_semaphore, #tpu.memory_space<semaphore_mem>>)
      } else {
      }
    }
    %scan3A_54 = arith.constant 48 : i32
    %jit3A = arith.constant 8 : i32
    %div3A = arith.divsi %add3A, %jit3A : i32
    %sign3A = arith.constant 0 : i32
    %sign3A_55 = arith.cmpi sgt, %add3A, %sign3A : i32
    %sign3A_56 = arith.extui %sign3A_55 : i1 to i32
    %sign3A_57 = arith.constant 0 : i32
    %sign3A_58 = arith.cmpi slt, %add3A, %sign3A_57 : i32
    %sign3A_59 = arith.extui %sign3A_58 : i1 to i32
    %sign3A_60 = arith.subi %sign3A_56, %sign3A_59 : i32
    %sign3A_61 = arith.constant 0 : i32
    %sign3A_62 = arith.cmpi sgt, %jit3A, %sign3A_61 : i32
    %sign3A_63 = arith.extui %sign3A_62 : i1 to i32
    %sign3A_64 = arith.constant 0 : i32
    %sign3A_65 = arith.cmpi slt, %jit3A, %sign3A_64 : i32
    %sign3A_66 = arith.extui %sign3A_65 : i1 to i32
    %sign3A_67 = arith.subi %sign3A_63, %sign3A_66 : i32
    %ne3A = arith.cmpi ne, %sign3A_60, %sign3A_67 : i32
    %rem3A = arith.remsi %add3A, %jit3A : i32
    %ne3A_68 = arith.constant 0 : i32
    %ne3A_69 = arith.cmpi ne, %rem3A, %ne3A_68 : i32
    %and3A = arith.andi %ne3A, %ne3A_69 : i1
    %sub3A = arith.constant 1 : i32
    %sub3A_70 = arith.subi %div3A, %sub3A : i32
    %select_n3A = arith.select %and3A, %sub3A_70, %div3A : i32
    %jit3A_71 = arith.constant 8 : i32
    %eq3A = arith.constant 0 : i32
    %eq3A_72 = arith.cmpi eq, %jit3A_71, %eq3A : i32
    %jit3A_73 = arith.constant 1 : i32
    %select_n3A_74 = arith.select %eq3A_72, %jit3A_73, %jit3A_71 : i32
    %rem3A_75 = arith.remsi %add3A, %select_n3A_74 : i32
    %ne3A_76 = arith.constant 0 : i32
    %ne3A_77 = arith.cmpi ne, %rem3A_75, %ne3A_76 : i32
    %lt3A = arith.constant 0 : i32
    %lt3A_78 = arith.cmpi slt, %rem3A_75, %lt3A : i32
    %lt3A_79 = arith.constant 0 : i32
    %lt3A_80 = arith.cmpi slt, %select_n3A_74, %lt3A_79 : i32
    %ne3A_81 = arith.xori %lt3A_78, %lt3A_80 : i1
    %and3A_82 = arith.andi %ne3A_81, %ne3A_77 : i1
    %add3A_83 = arith.addi %rem3A_75, %select_n3A_74 : i32
    %select_n3A_84 = arith.select %and3A_82, %add3A_83, %rem3A_75 : i32
    %mul3A_85 = arith.constant 32 : i32
    %mul3A_86 = arith.muli %select_n3A_84, %mul3A_85 : i32
    %add3A_87 = arith.constant 0 : i32
    %add3A_88 = arith.addi %mul3A_86, %add3A_87 : i32
    %dma_start3A_89 = arith.constant 0 : i32
    %dma_start3A_90 = arith.constant 0 : i32
    %dma_start3A_91 = arith.constant 0 : i32
    %dma_start3A_92 = arith.constant 0 : i32
    %dma_start3A_93 = tpu.memref_slice %arg6[%dma_start3A_89, %dma_start3A_91, %dma_start3A_92] : memref<2x8x512xi32, #tpu.memory_space<vmem>> -> memref<1x8x512xi32, #tpu.memory_space<vmem>>
    %dma_start3A_94 = tpu.memref_squeeze %dma_start3A_93 : memref<1x8x512xi32, #tpu.memory_space<vmem>> -> memref<8x512xi32, #tpu.memory_space<vmem>>
    %dma_start3A_95 = arith.constant 0 : i32
    %dma_start3A_96 = tpu.memref_slice %arg3[%select_n3A, %add3A_88, %dma_start3A_95] : memref<4x256x512xi32, #tpu.memory_space<hbm>> -> memref<1x8x512xi32, #tpu.memory_space<hbm>>
    %dma_start3A_97 = tpu.memref_squeeze %dma_start3A_96 : memref<1x8x512xi32, #tpu.memory_space<hbm>> -> memref<8x512xi32, #tpu.memory_space<hbm>>
    %dma_start3A_98 = tpu.memref_slice %arg8[%dma_start3A_90] : memref<2x!tpu.dma_semaphore, #tpu.memory_space<semaphore_mem>> -> memref<1x!tpu.dma_semaphore, #tpu.memory_space<semaphore_mem>>
    %dma_start3A_99 = tpu.memref_squeeze %dma_start3A_98 : memref<1x!tpu.dma_semaphore, #tpu.memory_space<semaphore_mem>> -> memref<!tpu.dma_semaphore, #tpu.memory_space<semaphore_mem>>
    %dma_start3A_100 = arith.constant 0 : i32
    %dma_start3A_101 = arith.constant 0 : i32
    %dma_start3A_102 = tpu.memref_slice %arg6[%dma_start3A_89, %dma_start3A_100, %dma_start3A_101] : memref<2x8x512xi32, #tpu.memory_space<vmem>> -> memref<1x8x512xi32, #tpu.memory_space<vmem>>
    %dma_start3A_103 = tpu.memref_squeeze %dma_start3A_102 : memref<1x8x512xi32, #tpu.memory_space<vmem>> -> memref<8x512xi32, #tpu.memory_space<vmem>>
    %dma_start3A_104 = arith.constant 0 : i32
    %dma_start3A_105 = tpu.memref_slice %arg3[%select_n3A, %add3A_88, %dma_start3A_104] : memref<4x256x512xi32, #tpu.memory_space<hbm>> -> memref<1x8x512xi32, #tpu.memory_space<hbm>>
    %dma_start3A_106 = tpu.memref_squeeze %dma_start3A_105 : memref<1x8x512xi32, #tpu.memory_space<hbm>> -> memref<8x512xi32, #tpu.memory_space<hbm>>
    tpu.enqueue_dma source(%dma_start3A_106 : memref<8x512xi32, #tpu.memory_space<hbm>>) target(%dma_start3A_103 : memref<8x512xi32, #tpu.memory_space<vmem>>) target_semaphore(%dma_start3A_99 : memref<!tpu.dma_semaphore, #tpu.memory_space<semaphore_mem>>)
    %jit3A_107 = arith.constant 8 : i32
    %div3A_108 = arith.divsi %add3A, %jit3A_107 : i32
    %sign3A_109 = arith.constant 0 : i32
    %sign3A_110 = arith.cmpi sgt, %add3A, %sign3A_109 : i32
    %sign3A_111 = arith.extui %sign3A_110 : i1 to i32
    %sign3A_112 = arith.constant 0 : i32
    %sign3A_113 = arith.cmpi slt, %add3A, %sign3A_112 : i32
    %sign3A_114 = arith.extui %sign3A_113 : i1 to i32
    %sign3A_115 = arith.subi %sign3A_111, %sign3A_114 : i32
    %sign3A_116 = arith.constant 0 : i32
    %sign3A_117 = arith.cmpi sgt, %jit3A_107, %sign3A_116 : i32
    %sign3A_118 = arith.extui %sign3A_117 : i1 to i32
    %sign3A_119 = arith.constant 0 : i32
    %sign3A_120 = arith.cmpi slt, %jit3A_107, %sign3A_119 : i32
    %sign3A_121 = arith.extui %sign3A_120 : i1 to i32
    %sign3A_122 = arith.subi %sign3A_118, %sign3A_121 : i32
    %ne3A_123 = arith.cmpi ne, %sign3A_115, %sign3A_122 : i32
    %rem3A_124 = arith.remsi %add3A, %jit3A_107 : i32
    %ne3A_125 = arith.constant 0 : i32
    %ne3A_126 = arith.cmpi ne, %rem3A_124, %ne3A_125 : i32
    %and3A_127 = arith.andi %ne3A_123, %ne3A_126 : i1
    %sub3A_128 = arith.constant 1 : i32
    %sub3A_129 = arith.subi %div3A_108, %sub3A_128 : i32
    %select_n3A_130 = arith.select %and3A_127, %sub3A_129, %div3A_108 : i32
    %jit3A_131 = arith.constant 8 : i32
    %eq3A_132 = arith.constant 0 : i32
    %eq3A_133 = arith.cmpi eq, %jit3A_131, %eq3A_132 : i32
    %jit3A_134 = arith.constant 1 : i32
    %select_n3A_135 = arith.select %eq3A_133, %jit3A_134, %jit3A_131 : i32
    %rem3A_136 = arith.remsi %add3A, %select_n3A_135 : i32
    %ne3A_137 = arith.constant 0 : i32
    %ne3A_138 = arith.cmpi ne, %rem3A_136, %ne3A_137 : i32
    %lt3A_139 = arith.constant 0 : i32
    %lt3A_140 = arith.cmpi slt, %rem3A_136, %lt3A_139 : i32
    %lt3A_141 = arith.constant 0 : i32
    %lt3A_142 = arith.cmpi slt, %select_n3A_135, %lt3A_141 : i32
    %ne3A_143 = arith.xori %lt3A_140, %lt3A_142 : i1
    %and3A_144 = arith.andi %ne3A_143, %ne3A_138 : i1
    %add3A_145 = arith.addi %rem3A_136, %select_n3A_135 : i32
    %select_n3A_146 = arith.select %and3A_144, %add3A_145, %rem3A_136 : i32
    %mul3A_147 = arith.constant 32 : i32
    %mul3A_148 = arith.muli %select_n3A_146, %mul3A_147 : i32
    %add3A_149 = arith.constant 8 : i32
    %add3A_150 = arith.addi %mul3A_148, %add3A_149 : i32
    %dma_start3A_151 = arith.constant 1 : i32
    %dma_start3A_152 = arith.constant 1 : i32
    %dma_start3A_153 = arith.constant 0 : i32
    %dma_start3A_154 = arith.constant 0 : i32
    %dma_start3A_155 = tpu.memref_slice %arg6[%dma_start3A_151, %dma_start3A_153, %dma_start3A_154] : memref<2x8x512xi32, #tpu.memory_space<vmem>> -> memref<1x8x512xi32, #tpu.memory_space<vmem>>
    %dma_start3A_156 = tpu.memref_squeeze %dma_start3A_155 : memref<1x8x512xi32, #tpu.memory_space<vmem>> -> memref<8x512xi32, #tpu.memory_space<vmem>>
    %dma_start3A_157 = arith.constant 0 : i32
    %dma_start3A_158 = tpu.memref_slice %arg3[%select_n3A_130, %add3A_150, %dma_start3A_157] : memref<4x256x512xi32, #tpu.memory_space<hbm>> -> memref<1x8x512xi32, #tpu.memory_space<hbm>>
    %dma_start3A_159 = tpu.memref_squeeze %dma_start3A_158 : memref<1x8x512xi32, #tpu.memory_space<hbm>> -> memref<8x512xi32, #tpu.memory_space<hbm>>
    %dma_start3A_160 = tpu.memref_slice %arg8[%dma_start3A_152] : memref<2x!tpu.dma_semaphore, #tpu.memory_space<semaphore_mem>> -> memref<1x!tpu.dma_semaphore, #tpu.memory_space<semaphore_mem>>
    %dma_start3A_161 = tpu.memref_squeeze %dma_start3A_160 : memref<1x!tpu.dma_semaphore, #tpu.memory_space<semaphore_mem>> -> memref<!tpu.dma_semaphore, #tpu.memory_space<semaphore_mem>>
    %dma_start3A_162 = arith.constant 0 : i32
    %dma_start3A_163 = arith.constant 0 : i32
    %dma_start3A_164 = tpu.memref_slice %arg6[%dma_start3A_151, %dma_start3A_162, %dma_start3A_163] : memref<2x8x512xi32, #tpu.memory_space<vmem>> -> memref<1x8x512xi32, #tpu.memory_space<vmem>>
    %dma_start3A_165 = tpu.memref_squeeze %dma_start3A_164 : memref<1x8x512xi32, #tpu.memory_space<vmem>> -> memref<8x512xi32, #tpu.memory_space<vmem>>
    %dma_start3A_166 = arith.constant 0 : i32
    %dma_start3A_167 = tpu.memref_slice %arg3[%select_n3A_130, %add3A_150, %dma_start3A_166] : memref<4x256x512xi32, #tpu.memory_space<hbm>> -> memref<1x8x512xi32, #tpu.memory_space<hbm>>
    %dma_start3A_168 = tpu.memref_squeeze %dma_start3A_167 : memref<1x8x512xi32, #tpu.memory_space<hbm>> -> memref<8x512xi32, #tpu.memory_space<hbm>>
    tpu.enqueue_dma source(%dma_start3A_168 : memref<8x512xi32, #tpu.memory_space<hbm>>) target(%dma_start3A_165 : memref<8x512xi32, #tpu.memory_space<vmem>>) target_semaphore(%dma_start3A_161 : memref<!tpu.dma_semaphore, #tpu.memory_space<semaphore_mem>>)
    %scan3A_169 = arith.constant 0 : i32
    %scan3A_170 = arith.constant 0 : i32
    %scan3A_171 = arith.constant 4 : i32
    %scan3A_172 = arith.addi %scan3A_170, %scan3A_171 : i32
    %scan3A_173 = arith.constant 1 : i32
    scf.for %scan3A_175 = %scan3A_170 to %scan3A_172 step %scan3A_173  : i32 {
      %rem3A_176 = arith.constant 2 : i32
      %rem3A_177 = arith.remsi %scan3A_175, %rem3A_176 : i32
      %jit3A_178 = arith.constant 8 : i32
      %div3A_179 = arith.divsi %add3A, %jit3A_178 : i32
      %sign3A_180 = arith.constant 0 : i32
      %sign3A_181 = arith.cmpi sgt, %add3A, %sign3A_180 : i32
      %sign3A_182 = arith.extui %sign3A_181 : i1 to i32
      %sign3A_183 = arith.constant 0 : i32
      %sign3A_184 = arith.cmpi slt, %add3A, %sign3A_183 : i32
      %sign3A_185 = arith.extui %sign3A_184 : i1 to i32
      %sign3A_186 = arith.subi %sign3A_182, %sign3A_185 : i32
      %sign3A_187 = arith.constant 0 : i32
      %sign3A_188 = arith.cmpi sgt, %jit3A_178, %sign3A_187 : i32
      %sign3A_189 = arith.extui %sign3A_188 : i1 to i32
      %sign3A_190 = arith.constant 0 : i32
      %sign3A_191 = arith.cmpi slt, %jit3A_178, %sign3A_190 : i32
      %sign3A_192 = arith.extui %sign3A_191 : i1 to i32
      %sign3A_193 = arith.subi %sign3A_189, %sign3A_192 : i32
      %ne3A_194 = arith.cmpi ne, %sign3A_186, %sign3A_193 : i32
      %rem3A_195 = arith.remsi %add3A, %jit3A_178 : i32
      %ne3A_196 = arith.constant 0 : i32
      %ne3A_197 = arith.cmpi ne, %rem3A_195, %ne3A_196 : i32
      %and3A_198 = arith.andi %ne3A_194, %ne3A_197 : i1
      %sub3A_199 = arith.constant 1 : i32
      %sub3A_200 = arith.subi %div3A_179, %sub3A_199 : i32
      %select_n3A_201 = arith.select %and3A_198, %sub3A_200, %div3A_179 : i32
      %jit3A_202 = arith.constant 8 : i32
      %eq3A_203 = arith.constant 0 : i32
      %eq3A_204 = arith.cmpi eq, %jit3A_202, %eq3A_203 : i32
      %jit3A_205 = arith.constant 1 : i32
      %select_n3A_206 = arith.select %eq3A_204, %jit3A_205, %jit3A_202 : i32
      %rem3A_207 = arith.remsi %add3A, %select_n3A_206 : i32
      %ne3A_208 = arith.constant 0 : i32
      %ne3A_209 = arith.cmpi ne, %rem3A_207, %ne3A_208 : i32
      %lt3A_210 = arith.constant 0 : i32
      %lt3A_211 = arith.cmpi slt, %rem3A_207, %lt3A_210 : i32
      %lt3A_212 = arith.constant 0 : i32
      %lt3A_213 = arith.cmpi slt, %select_n3A_206, %lt3A_212 : i32
      %ne3A_214 = arith.xori %lt3A_211, %lt3A_213 : i1
      %and3A_215 = arith.andi %ne3A_214, %ne3A_209 : i1
      %add3A_216 = arith.addi %rem3A_207, %select_n3A_206 : i32
      %select_n3A_217 = arith.select %and3A_215, %add3A_216, %rem3A_207 : i32
      %mul3A_218 = arith.constant 32 : i32
      %mul3A_219 = arith.muli %select_n3A_217, %mul3A_218 : i32
      %add3A_220 = arith.constant 0 : i32
      %add3A_221 = arith.addi %mul3A_219, %add3A_220 : i32
      %dma_wait3A = arith.constant 0 : i32
      %dma_wait3A_222 = arith.constant 0 : i32
      %dma_wait3A_223 = tpu.memref_slice %arg6[%rem3A_177, %dma_wait3A, %dma_wait3A_222] : memref<2x8x512xi32, #tpu.memory_space<vmem>> -> memref<1x8x512xi32, #tpu.memory_space<vmem>>
      %dma_wait3A_224 = tpu.memref_squeeze %dma_wait3A_223 : memref<1x8x512xi32, #tpu.memory_space<vmem>> -> memref<8x512xi32, #tpu.memory_space<vmem>>
      %dma_wait3A_225 = arith.constant 0 : i32
      %dma_wait3A_226 = tpu.memref_slice %arg3[%select_n3A_201, %add3A_221, %dma_wait3A_225] : memref<4x256x512xi32, #tpu.memory_space<hbm>> -> memref<1x8x512xi32, #tpu.memory_space<hbm>>
      %dma_wait3A_227 = tpu.memref_squeeze %dma_wait3A_226 : memref<1x8x512xi32, #tpu.memory_space<hbm>> -> memref<8x512xi32, #tpu.memory_space<hbm>>
      %dma_wait3A_228 = tpu.memref_slice %arg8[%rem3A_177] : memref<2x!tpu.dma_semaphore, #tpu.memory_space<semaphore_mem>> -> memref<1x!tpu.dma_semaphore, #tpu.memory_space<semaphore_mem>>
      %dma_wait3A_229 = tpu.memref_squeeze %dma_wait3A_228 : memref<1x!tpu.dma_semaphore, #tpu.memory_space<semaphore_mem>> -> memref<!tpu.dma_semaphore, #tpu.memory_space<semaphore_mem>>
      %dma_wait3A_230 = arith.constant 0 : i32
      %dma_wait3A_231 = arith.constant 0 : i32
      %dma_wait3A_232 = tpu.memref_slice %arg6[%rem3A_177, %dma_wait3A_230, %dma_wait3A_231] : memref<2x8x512xi32, #tpu.memory_space<vmem>> -> memref<1x8x512xi32, #tpu.memory_space<vmem>>
      %dma_wait3A_233 = tpu.memref_squeeze %dma_wait3A_232 : memref<1x8x512xi32, #tpu.memory_space<vmem>> -> memref<8x512xi32, #tpu.memory_space<vmem>>
      %dma_wait3A_234 = arith.constant 0 : i32
      %dma_wait3A_235 = tpu.memref_slice %arg3[%select_n3A_201, %add3A_221, %dma_wait3A_234] : memref<4x256x512xi32, #tpu.memory_space<hbm>> -> memref<1x8x512xi32, #tpu.memory_space<hbm>>
      %dma_wait3A_236 = tpu.memref_squeeze %dma_wait3A_235 : memref<1x8x512xi32, #tpu.memory_space<hbm>> -> memref<8x512xi32, #tpu.memory_space<hbm>>
      tpu.wait_dma2 semaphore(%dma_wait3A_229 : memref<!tpu.dma_semaphore, #tpu.memory_space<semaphore_mem>>) src(%dma_wait3A_236 : memref<8x512xi32, #tpu.memory_space<hbm>>) dst(%dma_wait3A_233 : memref<8x512xi32, #tpu.memory_space<vmem>>)
      %parallel_loop3A_237 = arith.constant 0 : i32
      %parallel_loop3A_238 = arith.constant 256 : i32
      %parallel_loop3A_239 = arith.constant 1 : i32
      scf.for %parallel_loop3A_245 = %parallel_loop3A_237 to %parallel_loop3A_238 step %parallel_loop3A_239  : i32 {
        %parallel_loop3A_246 = arith.constant 32 : i32
        %parallel_loop3A_247 = arith.divsi %parallel_loop3A_245, %parallel_loop3A_246 : i32
        %parallel_loop3A_248 = arith.constant 0 : i32
        %parallel_loop3A_249 = arith.cmpi sgt, %parallel_loop3A_245, %parallel_loop3A_248 : i32
        %parallel_loop3A_250 = arith.extui %parallel_loop3A_249 : i1 to i32
        %parallel_loop3A_251 = arith.constant 0 : i32
        %parallel_loop3A_252 = arith.cmpi slt, %parallel_loop3A_245, %parallel_loop3A_251 : i32
        %parallel_loop3A_253 = arith.extui %parallel_loop3A_252 : i1 to i32
        %parallel_loop3A_254 = arith.subi %parallel_loop3A_250, %parallel_loop3A_253 : i32
        %parallel_loop3A_255 = arith.constant 0 : i32
        %parallel_loop3A_256 = arith.cmpi sgt, %parallel_loop3A_246, %parallel_loop3A_255 : i32
        %parallel_loop3A_257 = arith.extui %parallel_loop3A_256 : i1 to i32
        %parallel_loop3A_258 = arith.constant 0 : i32
        %parallel_loop3A_259 = arith.cmpi slt, %parallel_loop3A_246, %parallel_loop3A_258 : i32
        %parallel_loop3A_260 = arith.extui %parallel_loop3A_259 : i1 to i32
        %parallel_loop3A_261 = arith.subi %parallel_loop3A_257, %parallel_loop3A_260 : i32
        %parallel_loop3A_262 = arith.cmpi ne, %parallel_loop3A_254, %parallel_loop3A_261 : i32
        %parallel_loop3A_263 = arith.remsi %parallel_loop3A_245, %parallel_loop3A_246 : i32
        %parallel_loop3A_264 = arith.constant 0 : i32
        %parallel_loop3A_265 = arith.cmpi ne, %parallel_loop3A_263, %parallel_loop3A_264 : i32
        %parallel_loop3A_266 = arith.andi %parallel_loop3A_262, %parallel_loop3A_265 : i1
        %parallel_loop3A_267 = arith.constant 1 : i32
        %parallel_loop3A_268 = arith.subi %parallel_loop3A_247, %parallel_loop3A_267 : i32
        %parallel_loop3A_269 = arith.select %parallel_loop3A_266, %parallel_loop3A_268, %parallel_loop3A_247 : i32
        %parallel_loop3A_270 = arith.constant 32 : i32
        %parallel_loop3A_271 = arith.constant 0 : i32
        %parallel_loop3A_272 = arith.cmpi eq, %parallel_loop3A_270, %parallel_loop3A_271 : i32
        %parallel_loop3A_273 = arith.constant 1 : i32
        %parallel_loop3A_274 = arith.select %parallel_loop3A_272, %parallel_loop3A_273, %parallel_loop3A_270 : i32
        %parallel_loop3A_275 = arith.remsi %parallel_loop3A_245, %parallel_loop3A_274 : i32
        %parallel_loop3A_276 = arith.constant 0 : i32
        %parallel_loop3A_277 = arith.cmpi ne, %parallel_loop3A_275, %parallel_loop3A_276 : i32
        %parallel_loop3A_278 = arith.constant 0 : i32
        %parallel_loop3A_279 = arith.cmpi slt, %parallel_loop3A_275, %parallel_loop3A_278 : i32
        %parallel_loop3A_280 = arith.constant 0 : i32
        %parallel_loop3A_281 = arith.cmpi slt, %parallel_loop3A_274, %parallel_loop3A_280 : i32
        %parallel_loop3A_282 = arith.xori %parallel_loop3A_279, %parallel_loop3A_281 : i1
        %parallel_loop3A_283 = arith.andi %parallel_loop3A_282, %parallel_loop3A_277 : i1
        %parallel_loop3A_284 = arith.addi %parallel_loop3A_275, %parallel_loop3A_274 : i32
        %parallel_loop3A_285 = arith.select %parallel_loop3A_283, %parallel_loop3A_284, %parallel_loop3A_275 : i32
        %parallel_loop3A_286 = arith.constant 16 : i32
        %parallel_loop3A_287 = arith.muli %parallel_loop3A_285, %parallel_loop3A_286 : i32
        %parallel_loop3A_288 = arith.index_cast %rem3A_177 : i32 to index
        %parallel_loop3A_289 = arith.index_cast %parallel_loop3A_269 : i32 to index
        %parallel_loop3A_290 = arith.index_cast %parallel_loop3A_287 : i32 to index
        %parallel_loop3A_291 = tpu.vector_load %arg6[%parallel_loop3A_288, %parallel_loop3A_289, %parallel_loop3A_290] {strides = array<i32>} : memref<2x8x512xi32, #tpu.memory_space<vmem>>, vector<16xi32>,
        %parallel_loop3A_292 = arith.constant 0 : i32
        %parallel_loop3A_293 = vector.broadcast %parallel_loop3A_292 : i32 to vector<16xi32>
        %parallel_loop3A_294 = arith.addi %parallel_loop3A_291, %parallel_loop3A_293 : vector<16xi32>
        %parallel_loop3A_295 = arith.constant 7 : i32
        %parallel_loop3A_296 = vector.broadcast %parallel_loop3A_295 : i32 to vector<16xi32>
        %parallel_loop3A_297 = arith.shrui %parallel_loop3A_294, %parallel_loop3A_296 : vector<16xi32>
        %parallel_loop3A_298 = arith.constant 127 : i32
        %parallel_loop3A_299 = vector.broadcast %parallel_loop3A_298 : i32 to vector<16xi32>
        %parallel_loop3A_300 = arith.andi %parallel_loop3A_294, %parallel_loop3A_299 : vector<16xi32>
        %parallel_loop3A_301 = arith.constant true
        %parallel_loop3A_302 = vector.broadcast %parallel_loop3A_301 : i1 to vector<16xi1>
        %parallel_loop3A_303, %parallel_loop3A_304 = tpu.scan_count mask(%parallel_loop3A_302 : vector<16xi1>) value(%parallel_loop3A_294 : vector<16xi32>) : vector<16xi1>, vector<16xi32>
        tpu.vector_store_idx %arg7[%parallel_loop3A_297, %parallel_loop3A_300], %parallel_loop3A_304 masked %parallel_loop3A_303 {add = true} : memref<680x128xi32, #tpu.memory_space<vmem>>[vector<16xi32>, vector<16xi32>], vector<16xi32>, vector<16xi1>
      } {sc.loop_unroll_factor = 8 : i64, sc.parallel_access}
      %add3A_240 = arith.constant 2 : i32
      %add3A_241 = arith.addi %scan3A_175, %add3A_240 : i32
      %lt3A_242 = arith.constant 4 : i32
      %lt3A_243 = arith.cmpi slt, %add3A_241, %lt3A_242 : i32
      %convert_element_type3A = arith.extui %lt3A_243 : i1 to i32
      %cond3A = arith.constant 0 : i32
      %cond3A_244 = arith.cmpi ne, %convert_element_type3A, %cond3A : i32
      scf.if %cond3A_244 {
        %add3A_245 = arith.constant 2 : i32
        %add3A_246 = arith.addi %scan3A_175, %add3A_245 : i32
        %jit3A_247 = arith.constant 8 : i32
        %div3A_248 = arith.divsi %add3A, %jit3A_247 : i32
        %sign3A_249 = arith.constant 0 : i32
        %sign3A_250 = arith.cmpi sgt, %add3A, %sign3A_249 : i32
        %sign3A_251 = arith.extui %sign3A_250 : i1 to i32
        %sign3A_252 = arith.constant 0 : i32
        %sign3A_253 = arith.cmpi slt, %add3A, %sign3A_252 : i32
        %sign3A_254 = arith.extui %sign3A_253 : i1 to i32
        %sign3A_255 = arith.subi %sign3A_251, %sign3A_254 : i32
        %sign3A_256 = arith.constant 0 : i32
        %sign3A_257 = arith.cmpi sgt, %jit3A_247, %sign3A_256 : i32
        %sign3A_258 = arith.extui %sign3A_257 : i1 to i32
        %sign3A_259 = arith.constant 0 : i32
        %sign3A_260 = arith.cmpi slt, %jit3A_247, %sign3A_259 : i32
        %sign3A_261 = arith.extui %sign3A_260 : i1 to i32
        %sign3A_262 = arith.subi %sign3A_258, %sign3A_261 : i32
        %ne3A_263 = arith.cmpi ne, %sign3A_255, %sign3A_262 : i32
        %rem3A_264 = arith.remsi %add3A, %jit3A_247 : i32
        %ne3A_265 = arith.constant 0 : i32
        %ne3A_266 = arith.cmpi ne, %rem3A_264, %ne3A_265 : i32
        %and3A_267 = arith.andi %ne3A_263, %ne3A_266 : i1
        %sub3A_268 = arith.constant 1 : i32
        %sub3A_269 = arith.subi %div3A_248, %sub3A_268 : i32
        %select_n3A_270 = arith.select %and3A_267, %sub3A_269, %div3A_248 : i32
        %jit3A_271 = arith.constant 8 : i32
        %eq3A_272 = arith.constant 0 : i32
        %eq3A_273 = arith.cmpi eq, %jit3A_271, %eq3A_272 : i32
        %jit3A_274 = arith.constant 1 : i32
        %select_n3A_275 = arith.select %eq3A_273, %jit3A_274, %jit3A_271 : i32
        %rem3A_276 = arith.remsi %add3A, %select_n3A_275 : i32
        %ne3A_277 = arith.constant 0 : i32
        %ne3A_278 = arith.cmpi ne, %rem3A_276, %ne3A_277 : i32
        %lt3A_279 = arith.constant 0 : i32
        %lt3A_280 = arith.cmpi slt, %rem3A_276, %lt3A_279 : i32
        %lt3A_281 = arith.constant 0 : i32
        %lt3A_282 = arith.cmpi slt, %select_n3A_275, %lt3A_281 : i32
        %ne3A_283 = arith.xori %lt3A_280, %lt3A_282 : i1
        %and3A_284 = arith.andi %ne3A_283, %ne3A_278 : i1
        %add3A_285 = arith.addi %rem3A_276, %select_n3A_275 : i32
        %select_n3A_286 = arith.select %and3A_284, %add3A_285, %rem3A_276 : i32
        %mul3A_287 = arith.constant 32 : i32
        %mul3A_288 = arith.muli %select_n3A_286, %mul3A_287 : i32
        %mul3A_289 = arith.constant 8 : i32
        %mul3A_290 = arith.muli %add3A_246, %mul3A_289 : i32
        %add3A_291 = arith.addi %mul3A_288, %mul3A_290 : i32
        %dma_start3A_292 = arith.constant 0 : i32
        %dma_start3A_293 = arith.constant 0 : i32
        %dma_start3A_294 = tpu.memref_slice %arg6[%rem3A_177, %dma_start3A_292, %dma_start3A_293] : memref<2x8x512xi32, #tpu.memory_space<vmem>> -> memref<1x8x512xi32, #tpu.memory_space<vmem>>
        %dma_start3A_295 = tpu.memref_squeeze %dma_start3A_294 : memref<1x8x512xi32, #tpu.memory_space<vmem>> -> memref<8x512xi32, #tpu.memory_space<vmem>>
        %dma_start3A_296 = arith.constant 0 : i32
        %dma_start3A_297 = tpu.memref_slice %arg3[%select_n3A_270, %add3A_291, %dma_start3A_296] : memref<4x256x512xi32, #tpu.memory_space<hbm>> -> memref<1x8x512xi32, #tpu.memory_space<hbm>>
        %dma_start3A_298 = tpu.memref_squeeze %dma_start3A_297 : memref<1x8x512xi32, #tpu.memory_space<hbm>> -> memref<8x512xi32, #tpu.memory_space<hbm>>
        %dma_start3A_299 = tpu.memref_slice %arg8[%rem3A_177] : memref<2x!tpu.dma_semaphore, #tpu.memory_space<semaphore_mem>> -> memref<1x!tpu.dma_semaphore, #tpu.memory_space<semaphore_mem>>
        %dma_start3A_300 = tpu.memref_squeeze %dma_start3A_299 : memref<1x!tpu.dma_semaphore, #tpu.memory_space<semaphore_mem>> -> memref<!tpu.dma_semaphore, #tpu.memory_space<semaphore_mem>>
        %dma_start3A_301 = arith.constant 0 : i32
        %dma_start3A_302 = arith.constant 0 : i32
        %dma_start3A_303 = tpu.memref_slice %arg6[%rem3A_177, %dma_start3A_301, %dma_start3A_302] : memref<2x8x512xi32, #tpu.memory_space<vmem>> -> memref<1x8x512xi32, #tpu.memory_space<vmem>>
        %dma_start3A_304 = tpu.memref_squeeze %dma_start3A_303 : memref<1x8x512xi32, #tpu.memory_space<vmem>> -> memref<8x512xi32, #tpu.memory_space<vmem>>
        %dma_start3A_305 = arith.constant 0 : i32
        %dma_start3A_306 = tpu.memref_slice %arg3[%select_n3A_270, %add3A_291, %dma_start3A_305] : memref<4x256x512xi32, #tpu.memory_space<hbm>> -> memref<1x8x512xi32, #tpu.memory_space<hbm>>
        %dma_start3A_307 = tpu.memref_squeeze %dma_start3A_306 : memref<1x8x512xi32, #tpu.memory_space<hbm>> -> memref<8x512xi32, #tpu.memory_space<hbm>>
        tpu.enqueue_dma source(%dma_start3A_307 : memref<8x512xi32, #tpu.memory_space<hbm>>) target(%dma_start3A_304 : memref<8x512xi32, #tpu.memory_space<vmem>>) target_semaphore(%dma_start3A_300 : memref<!tpu.dma_semaphore, #tpu.memory_space<semaphore_mem>>)
      } else {
      }
    }
    %scan3A_174 = arith.constant 4 : i32
    "tpu.region"() ({
      %run_scoped3A = tpu.sem_alloc : memref<!tpu.dma_semaphore, #tpu.memory_space<semaphore_mem>>
      %dma_start3A_175 = arith.constant 0 : i32
      %dma_start3A_176 = arith.constant 0 : i32
      %dma_start3A_177 = tpu.memref_slice %arg7[%dma_start3A_175, %dma_start3A_176] : memref<680x128xi32, #tpu.memory_space<vmem>> -> memref<672x128xi32, #tpu.memory_space<vmem>>
      %dma_start3A_178 = arith.constant 0 : i32
      %dma_start3A_179 = arith.constant 0 : i32
      %dma_start3A_180 = tpu.memref_slice %arg4[%add3A, %dma_start3A_178, %dma_start3A_179] : memref<32x672x128xi32, #tpu.memory_space<hbm>> -> memref<1x672x128xi32, #tpu.memory_space<hbm>>
      %dma_start3A_181 = tpu.memref_squeeze %dma_start3A_180 : memref<1x672x128xi32, #tpu.memory_space<hbm>> -> memref<672x128xi32, #tpu.memory_space<hbm>>
      %dma_start3A_182 = arith.constant 0 : i32
      %dma_start3A_183 = arith.constant 0 : i32
      %dma_start3A_184 = tpu.memref_slice %arg4[%add3A, %dma_start3A_182, %dma_start3A_183] : memref<32x672x128xi32, #tpu.memory_space<hbm>> -> memref<1x672x128xi32, #tpu.memory_space<hbm>>
      %dma_start3A_185 = tpu.memref_squeeze %dma_start3A_184 : memref<1x672x128xi32, #tpu.memory_space<hbm>> -> memref<672x128xi32, #tpu.memory_space<hbm>>
      %dma_start3A_186 = arith.constant 0 : i32
      %dma_start3A_187 = arith.constant 0 : i32
      %dma_start3A_188 = tpu.memref_slice %arg7[%dma_start3A_186, %dma_start3A_187] : memref<680x128xi32, #tpu.memory_space<vmem>> -> memref<672x128xi32, #tpu.memory_space<vmem>>
      tpu.enqueue_dma source(%dma_start3A_188 : memref<672x128xi32, #tpu.memory_space<vmem>>) target(%dma_start3A_185 : memref<672x128xi32, #tpu.memory_space<hbm>>) target_semaphore(%run_scoped3A : memref<!tpu.dma_semaphore, #tpu.memory_space<semaphore_mem>>)
      %dma_wait3A = arith.constant 0 : i32
      %dma_wait3A_189 = arith.constant 0 : i32
      %dma_wait3A_190 = tpu.memref_slice %arg7[%dma_wait3A, %dma_wait3A_189] : memref<680x128xi32, #tpu.memory_space<vmem>> -> memref<672x128xi32, #tpu.memory_space<vmem>>
      %dma_wait3A_191 = arith.constant 0 : i32
      %dma_wait3A_192 = arith.constant 0 : i32
      %dma_wait3A_193 = tpu.memref_slice %arg4[%add3A, %dma_wait3A_191, %dma_wait3A_192] : memref<32x672x128xi32, #tpu.memory_space<hbm>> -> memref<1x672x128xi32, #tpu.memory_space<hbm>>
      %dma_wait3A_194 = tpu.memref_squeeze %dma_wait3A_193 : memref<1x672x128xi32, #tpu.memory_space<hbm>> -> memref<672x128xi32, #tpu.memory_space<hbm>>
      %dma_wait3A_195 = arith.constant 0 : i32
      %dma_wait3A_196 = arith.constant 0 : i32
      %dma_wait3A_197 = tpu.memref_slice %arg4[%add3A, %dma_wait3A_195, %dma_wait3A_196] : memref<32x672x128xi32, #tpu.memory_space<hbm>> -> memref<1x672x128xi32, #tpu.memory_space<hbm>>
      %dma_wait3A_198 = tpu.memref_squeeze %dma_wait3A_197 : memref<1x672x128xi32, #tpu.memory_space<hbm>> -> memref<672x128xi32, #tpu.memory_space<hbm>>
      %dma_wait3A_199 = arith.constant 0 : i32
      %dma_wait3A_200 = arith.constant 0 : i32
      %dma_wait3A_201 = tpu.memref_slice %arg7[%dma_wait3A_199, %dma_wait3A_200] : memref<680x128xi32, #tpu.memory_space<vmem>> -> memref<672x128xi32, #tpu.memory_space<vmem>>
      tpu.wait_dma2 semaphore(%run_scoped3A : memref<!tpu.dma_semaphore, #tpu.memory_space<semaphore_mem>>) src(%dma_wait3A_201 : memref<672x128xi32, #tpu.memory_space<vmem>>) dst(%dma_wait3A_198 : memref<672x128xi32, #tpu.memory_space<hbm>>)
      tpu.yield
    }) : () -> ()
    return
  }
}

#map = affine_map<(d0, d1) -> (0, 0, 0)>
module attributes {stable_mosaic.version = 14 : i64} {
  func.func @_hist_body(%arg0: i32, %arg1: i32, %arg2: memref<96x256x512xi16, #tpu.memory_space<hbm>>, %arg3: memref<4x256x512xi32, #tpu.memory_space<hbm>>, %arg4: memref<32x672x128xi32, #tpu.memory_space<hbm>>, %arg5: memref<2x16x512xi16, #tpu.memory_space<vmem>>, %arg6: memref<2x8x512xi32, #tpu.memory_space<vmem>>, %arg7: memref<680x128xi32, #tpu.memory_space<vmem>>, %arg8: memref<2x!tpu.dma_semaphore, #tpu.memory_space<semaphore_mem>>) attributes {dimension_semantics = [#tpu.dimension_semantics<core_parallel>, #tpu.dimension_semantics<subcore_parallel>], iteration_bounds = array<i64: 2, 16>, scalar_prefetch = 0 : i64, scratch_operands = 4 : i64, tpu.core_type = #tpu.core_type<sc_vector_subcore>, window_params = [{transform_indices = #map}, {transform_indices = #map}, {transform_indices = #map}]} {
    %mul3A = arith.constant 2 : i32
    %mul3A_0 = arith.muli %arg1, %mul3A : i32
    %add3A = arith.addi %mul3A_0, %arg0 : i32
    %parallel_loop3A = arith.constant 0 : i32
    %parallel_loop3A_1 = arith.constant 5440 : i32
    %parallel_loop3A_2 = arith.constant 1 : i32
    scf.for %parallel_loop3A_175 = %parallel_loop3A to %parallel_loop3A_1 step %parallel_loop3A_2  : i32 {
      %parallel_loop3A_176 = arith.constant 0 : i32
      %parallel_loop3A_177 = vector.broadcast %parallel_loop3A_176 : i32 to vector<16xi32>
      %parallel_loop3A_178 = arith.constant 8 : i32
      %parallel_loop3A_179 = arith.divsi %parallel_loop3A_175, %parallel_loop3A_178 : i32
      %parallel_loop3A_180 = arith.constant 0 : i32
      %parallel_loop3A_181 = arith.cmpi sgt, %parallel_loop3A_175, %parallel_loop3A_180 : i32
      %parallel_loop3A_182 = arith.extui %parallel_loop3A_181 : i1 to i32
      %parallel_loop3A_183 = arith.constant 0 : i32
      %parallel_loop3A_184 = arith.cmpi slt, %parallel_loop3A_175, %parallel_loop3A_183 : i32
      %parallel_loop3A_185 = arith.extui %parallel_loop3A_184 : i1 to i32
      %parallel_loop3A_186 = arith.subi %parallel_loop3A_182, %parallel_loop3A_185 : i32
      %parallel_loop3A_187 = arith.constant 0 : i32
      %parallel_loop3A_188 = arith.cmpi sgt, %parallel_loop3A_178, %parallel_loop3A_187 : i32
      %parallel_loop3A_189 = arith.extui %parallel_loop3A_188 : i1 to i32
      %parallel_loop3A_190 = arith.constant 0 : i32
      %parallel_loop3A_191 = arith.cmpi slt, %parallel_loop3A_178, %parallel_loop3A_190 : i32
      %parallel_loop3A_192 = arith.extui %parallel_loop3A_191 : i1 to i32
      %parallel_loop3A_193 = arith.subi %parallel_loop3A_189, %parallel_loop3A_192 : i32
      %parallel_loop3A_194 = arith.cmpi ne, %parallel_loop3A_186, %parallel_loop3A_193 : i32
      %parallel_loop3A_195 = arith.remsi %parallel_loop3A_175, %parallel_loop3A_178 : i32
      %parallel_loop3A_196 = arith.constant 0 : i32
      %parallel_loop3A_197 = arith.cmpi ne, %parallel_loop3A_195, %parallel_loop3A_196 : i32
      %parallel_loop3A_198 = arith.andi %parallel_loop3A_194, %parallel_loop3A_197 : i1
      %parallel_loop3A_199 = arith.constant 1 : i32
      %parallel_loop3A_200 = arith.subi %parallel_loop3A_179, %parallel_loop3A_199 : i32
      %parallel_loop3A_201 = arith.select %parallel_loop3A_198, %parallel_loop3A_200, %parallel_loop3A_179 : i32
      %parallel_loop3A_202 = arith.constant 8 : i32
      %parallel_loop3A_203 = arith.constant 0 : i32
      %parallel_loop3A_204 = arith.cmpi eq, %parallel_loop3A_202, %parallel_loop3A_203 : i32
      %parallel_loop3A_205 = arith.constant 1 : i32
      %parallel_loop3A_206 = arith.select %parallel_loop3A_204, %parallel_loop3A_205, %parallel_loop3A_202 : i32
      %parallel_loop3A_207 = arith.remsi %parallel_loop3A_175, %parallel_loop3A_206 : i32
      %parallel_loop3A_208 = arith.constant 0 : i32
      %parallel_loop3A_209 = arith.cmpi ne, %parallel_loop3A_207, %parallel_loop3A_208 : i32
      %parallel_loop3A_210 = arith.constant 0 : i32
      %parallel_loop3A_211 = arith.cmpi slt, %parallel_loop3A_207, %parallel_loop3A_210 : i32
      %parallel_loop3A_212 = arith.constant 0 : i32
      %parallel_loop3A_213 = arith.cmpi slt, %parallel_loop3A_206, %parallel_loop3A_212 : i32
      %parallel_loop3A_214 = arith.xori %parallel_loop3A_211, %parallel_loop3A_213 : i1
      %parallel_loop3A_215 = arith.andi %parallel_loop3A_214, %parallel_loop3A_209 : i1
      %parallel_loop3A_216 = arith.addi %parallel_loop3A_207, %parallel_loop3A_206 : i32
      %parallel_loop3A_217 = arith.select %parallel_loop3A_215, %parallel_loop3A_216, %parallel_loop3A_207 : i32
      %parallel_loop3A_218 = arith.constant 16 : i32
      %parallel_loop3A_219 = arith.muli %parallel_loop3A_217, %parallel_loop3A_218 : i32
      %parallel_loop3A_220 = arith.index_cast %parallel_loop3A_201 : i32 to index
      %parallel_loop3A_221 = arith.index_cast %parallel_loop3A_219 : i32 to index
      %parallel_loop3A_222 = tpu.vector_load %arg7[%parallel_loop3A_220, %parallel_loop3A_221] {strides = array<i32>} : memref<680x128xi32, #tpu.memory_space<vmem>>, vector<16xi32>,
      tpu.vector_store %arg7[%parallel_loop3A_220, %parallel_loop3A_221], %parallel_loop3A_177 {strides = array<i32>} : memref<680x128xi32, #tpu.memory_space<vmem>>, vector<16xi32>,
    } {sc.loop_unroll_factor = 8 : i64, sc.parallel_access}
    %mul3A_3 = arith.constant 3 : i32
    %mul3A_4 = arith.muli %add3A, %mul3A_3 : i32
    %add3A_5 = arith.constant 0 : i32
    %add3A_6 = arith.addi %mul3A_4, %add3A_5 : i32
    %dma_start3A = arith.constant 0 : i32
    %dma_start3A_7 = arith.constant 0 : i32
    %dma_start3A_8 = arith.constant 0 : i32
    %dma_start3A_9 = arith.constant 0 : i32
    %dma_start3A_10 = tpu.memref_slice %arg5[%dma_start3A, %dma_start3A_8, %dma_start3A_9] : memref<2x16x512xi16, #tpu.memory_space<vmem>> -> memref<1x16x512xi16, #tpu.memory_space<vmem>>
    %dma_start3A_11 = tpu.memref_squeeze %dma_start3A_10 : memref<1x16x512xi16, #tpu.memory_space<vmem>> -> memref<16x512xi16, #tpu.memory_space<vmem>>
    %dma_start3A_12 = arith.constant 0 : i32
    %dma_start3A_13 = arith.constant 0 : i32
    %dma_start3A_14 = tpu.memref_slice %arg2[%add3A_6, %dma_start3A_12, %dma_start3A_13] : memref<96x256x512xi16, #tpu.memory_space<hbm>> -> memref<1x16x512xi16, #tpu.memory_space<hbm>>
    %dma_start3A_15 = tpu.memref_squeeze %dma_start3A_14 : memref<1x16x512xi16, #tpu.memory_space<hbm>> -> memref<16x512xi16, #tpu.memory_space<hbm>>
    %dma_start3A_16 = tpu.memref_slice %arg8[%dma_start3A_7] : memref<2x!tpu.dma_semaphore, #tpu.memory_space<semaphore_mem>> -> memref<1x!tpu.dma_semaphore, #tpu.memory_space<semaphore_mem>>
    %dma_start3A_17 = tpu.memref_squeeze %dma_start3A_16 : memref<1x!tpu.dma_semaphore, #tpu.memory_space<semaphore_mem>> -> memref<!tpu.dma_semaphore, #tpu.memory_space<semaphore_mem>>
    %dma_start3A_18 = arith.constant 0 : i32
    %dma_start3A_19 = arith.constant 0 : i32
    %dma_start3A_20 = tpu.memref_slice %arg5[%dma_start3A, %dma_start3A_18, %dma_start3A_19] : memref<2x16x512xi16, #tpu.memory_space<vmem>> -> memref<1x16x512xi16, #tpu.memory_space<vmem>>
    %dma_start3A_21 = tpu.memref_squeeze %dma_start3A_20 : memref<1x16x512xi16, #tpu.memory_space<vmem>> -> memref<16x512xi16, #tpu.memory_space<vmem>>
    %dma_start3A_22 = arith.constant 0 : i32
    %dma_start3A_23 = arith.constant 0 : i32
    %dma_start3A_24 = tpu.memref_slice %arg2[%add3A_6, %dma_start3A_22, %dma_start3A_23] : memref<96x256x512xi16, #tpu.memory_space<hbm>> -> memref<1x16x512xi16, #tpu.memory_space<hbm>>
    %dma_start3A_25 = tpu.memref_squeeze %dma_start3A_24 : memref<1x16x512xi16, #tpu.memory_space<hbm>> -> memref<16x512xi16, #tpu.memory_space<hbm>>
    tpu.enqueue_dma source(%dma_start3A_25 : memref<16x512xi16, #tpu.memory_space<hbm>>) target(%dma_start3A_21 : memref<16x512xi16, #tpu.memory_space<vmem>>) target_semaphore(%dma_start3A_17 : memref<!tpu.dma_semaphore, #tpu.memory_space<semaphore_mem>>)
    %mul3A_26 = arith.constant 3 : i32
    %mul3A_27 = arith.muli %add3A, %mul3A_26 : i32
    %add3A_28 = arith.constant 0 : i32
    %add3A_29 = arith.addi %mul3A_27, %add3A_28 : i32
    %dma_start3A_30 = arith.constant 1 : i32
    %dma_start3A_31 = arith.constant 1 : i32
    %dma_start3A_32 = arith.constant 0 : i32
    %dma_start3A_33 = arith.constant 0 : i32
    %dma_start3A_34 = tpu.memref_slice %arg5[%dma_start3A_30, %dma_start3A_32, %dma_start3A_33] : memref<2x16x512xi16, #tpu.memory_space<vmem>> -> memref<1x16x512xi16, #tpu.memory_space<vmem>>
    %dma_start3A_35 = tpu.memref_squeeze %dma_start3A_34 : memref<1x16x512xi16, #tpu.memory_space<vmem>> -> memref<16x512xi16, #tpu.memory_space<vmem>>
    %dma_start3A_36 = arith.constant 16 : i32
    %dma_start3A_37 = arith.constant 0 : i32
    %dma_start3A_38 = tpu.memref_slice %arg2[%add3A_29, %dma_start3A_36, %dma_start3A_37] : memref<96x256x512xi16, #tpu.memory_space<hbm>> -> memref<1x16x512xi16, #tpu.memory_space<hbm>>
    %dma_start3A_39 = tpu.memref_squeeze %dma_start3A_38 : memref<1x16x512xi16, #tpu.memory_space<hbm>> -> memref<16x512xi16, #tpu.memory_space<hbm>>
    %dma_start3A_40 = tpu.memref_slice %arg8[%dma_start3A_31] : memref<2x!tpu.dma_semaphore, #tpu.memory_space<semaphore_mem>> -> memref<1x!tpu.dma_semaphore, #tpu.memory_space<semaphore_mem>>
    %dma_start3A_41 = tpu.memref_squeeze %dma_start3A_40 : memref<1x!tpu.dma_semaphore, #tpu.memory_space<semaphore_mem>> -> memref<!tpu.dma_semaphore, #tpu.memory_space<semaphore_mem>>
    %dma_start3A_42 = arith.constant 0 : i32
    %dma_start3A_43 = arith.constant 0 : i32
    %dma_start3A_44 = tpu.memref_slice %arg5[%dma_start3A_30, %dma_start3A_42, %dma_start3A_43] : memref<2x16x512xi16, #tpu.memory_space<vmem>> -> memref<1x16x512xi16, #tpu.memory_space<vmem>>
    %dma_start3A_45 = tpu.memref_squeeze %dma_start3A_44 : memref<1x16x512xi16, #tpu.memory_space<vmem>> -> memref<16x512xi16, #tpu.memory_space<vmem>>
    %dma_start3A_46 = arith.constant 16 : i32
    %dma_start3A_47 = arith.constant 0 : i32
    %dma_start3A_48 = tpu.memref_slice %arg2[%add3A_29, %dma_start3A_46, %dma_start3A_47] : memref<96x256x512xi16, #tpu.memory_space<hbm>> -> memref<1x16x512xi16, #tpu.memory_space<hbm>>
    %dma_start3A_49 = tpu.memref_squeeze %dma_start3A_48 : memref<1x16x512xi16, #tpu.memory_space<hbm>> -> memref<16x512xi16, #tpu.memory_space<hbm>>
    tpu.enqueue_dma source(%dma_start3A_49 : memref<16x512xi16, #tpu.memory_space<hbm>>) target(%dma_start3A_45 : memref<16x512xi16, #tpu.memory_space<vmem>>) target_semaphore(%dma_start3A_41 : memref<!tpu.dma_semaphore, #tpu.memory_space<semaphore_mem>>)
    %scan3A = arith.constant 0 : i32
    %scan3A_50 = arith.constant 0 : i32
    %scan3A_51 = arith.constant 48 : i32
    %scan3A_52 = arith.addi %scan3A_50, %scan3A_51 : i32
    %scan3A_53 = arith.constant 1 : i32
    scf.for %scan3A_175 = %scan3A_50 to %scan3A_52 step %scan3A_53  : i32 {
      %rem3A_176 = arith.constant 2 : i32
      %rem3A_177 = arith.remsi %scan3A_175, %rem3A_176 : i32
      %mul3A_178 = arith.constant 3 : i32
      %mul3A_179 = arith.muli %add3A, %mul3A_178 : i32
      %add3A_180 = arith.constant 0 : i32
      %add3A_181 = arith.addi %mul3A_179, %add3A_180 : i32
      %dma_wait3A = arith.constant 0 : i32
      %dma_wait3A_182 = arith.constant 0 : i32
      %dma_wait3A_183 = tpu.memref_slice %arg5[%rem3A_177, %dma_wait3A, %dma_wait3A_182] : memref<2x16x512xi16, #tpu.memory_space<vmem>> -> memref<1x16x512xi16, #tpu.memory_space<vmem>>
      %dma_wait3A_184 = tpu.memref_squeeze %dma_wait3A_183 : memref<1x16x512xi16, #tpu.memory_space<vmem>> -> memref<16x512xi16, #tpu.memory_space<vmem>>
      %dma_wait3A_185 = arith.constant 0 : i32
      %dma_wait3A_186 = arith.constant 0 : i32
      %dma_wait3A_187 = tpu.memref_slice %arg2[%add3A_181, %dma_wait3A_185, %dma_wait3A_186] : memref<96x256x512xi16, #tpu.memory_space<hbm>> -> memref<1x16x512xi16, #tpu.memory_space<hbm>>
      %dma_wait3A_188 = tpu.memref_squeeze %dma_wait3A_187 : memref<1x16x512xi16, #tpu.memory_space<hbm>> -> memref<16x512xi16, #tpu.memory_space<hbm>>
      %dma_wait3A_189 = tpu.memref_slice %arg8[%rem3A_177] : memref<2x!tpu.dma_semaphore, #tpu.memory_space<semaphore_mem>> -> memref<1x!tpu.dma_semaphore, #tpu.memory_space<semaphore_mem>>
      %dma_wait3A_190 = tpu.memref_squeeze %dma_wait3A_189 : memref<1x!tpu.dma_semaphore, #tpu.memory_space<semaphore_mem>> -> memref<!tpu.dma_semaphore, #tpu.memory_space<semaphore_mem>>
      %dma_wait3A_191 = arith.constant 0 : i32
      %dma_wait3A_192 = arith.constant 0 : i32
      %dma_wait3A_193 = tpu.memref_slice %arg5[%rem3A_177, %dma_wait3A_191, %dma_wait3A_192] : memref<2x16x512xi16, #tpu.memory_space<vmem>> -> memref<1x16x512xi16, #tpu.memory_space<vmem>>
      %dma_wait3A_194 = tpu.memref_squeeze %dma_wait3A_193 : memref<1x16x512xi16, #tpu.memory_space<vmem>> -> memref<16x512xi16, #tpu.memory_space<vmem>>
      %dma_wait3A_195 = arith.constant 0 : i32
      %dma_wait3A_196 = arith.constant 0 : i32
      %dma_wait3A_197 = tpu.memref_slice %arg2[%add3A_181, %dma_wait3A_195, %dma_wait3A_196] : memref<96x256x512xi16, #tpu.memory_space<hbm>> -> memref<1x16x512xi16, #tpu.memory_space<hbm>>
      %dma_wait3A_198 = tpu.memref_squeeze %dma_wait3A_197 : memref<1x16x512xi16, #tpu.memory_space<hbm>> -> memref<16x512xi16, #tpu.memory_space<hbm>>
      tpu.wait_dma2 semaphore(%dma_wait3A_190 : memref<!tpu.dma_semaphore, #tpu.memory_space<semaphore_mem>>) src(%dma_wait3A_198 : memref<16x512xi16, #tpu.memory_space<hbm>>) dst(%dma_wait3A_194 : memref<16x512xi16, #tpu.memory_space<vmem>>)
      %mul3A_199 = arith.constant 3 : i32
      %mul3A_200 = arith.muli %add3A, %mul3A_199 : i32
      %jit3A_201 = arith.constant 16 : i32
      %div3A_202 = arith.divsi %scan3A_175, %jit3A_201 : i32
      %sign3A_203 = arith.constant 0 : i32
      %sign3A_204 = arith.cmpi sgt, %scan3A_175, %sign3A_203 : i32
      %sign3A_205 = arith.extui %sign3A_204 : i1 to i32
      %sign3A_206 = arith.constant 0 : i32
      %sign3A_207 = arith.cmpi slt, %scan3A_175, %sign3A_206 : i32
      %sign3A_208 = arith.extui %sign3A_207 : i1 to i32
      %sign3A_209 = arith.subi %sign3A_205, %sign3A_208 : i32
      %sign3A_210 = arith.constant 0 : i32
      %sign3A_211 = arith.cmpi sgt, %jit3A_201, %sign3A_210 : i32
      %sign3A_212 = arith.extui %sign3A_211 : i1 to i32
      %sign3A_213 = arith.constant 0 : i32
      %sign3A_214 = arith.cmpi slt, %jit3A_201, %sign3A_213 : i32
      %sign3A_215 = arith.extui %sign3A_214 : i1 to i32
      %sign3A_216 = arith.subi %sign3A_212, %sign3A_215 : i32
      %ne3A_217 = arith.cmpi ne, %sign3A_209, %sign3A_216 : i32
      %rem3A_218 = arith.remsi %scan3A_175, %jit3A_201 : i32
      %ne3A_219 = arith.constant 0 : i32
      %ne3A_220 = arith.cmpi ne, %rem3A_218, %ne3A_219 : i32
      %and3A_221 = arith.andi %ne3A_217, %ne3A_220 : i1
      %sub3A_222 = arith.constant 1 : i32
      %sub3A_223 = arith.subi %div3A_202, %sub3A_222 : i32
      %select_n3A_224 = arith.select %and3A_221, %sub3A_223, %div3A_202 : i32
      %add3A_225 = arith.addi %mul3A_200, %select_n3A_224 : i32
      %rem3A_226 = arith.constant 24 : i32
      %rem3A_227 = arith.remsi %add3A_225, %rem3A_226 : i32
      %lt3A_228 = arith.constant 21 : i32
      %lt3A_229 = arith.cmpi slt, %rem3A_227, %lt3A_228 : i32
      %mul3A_230 = arith.constant 2048 : i32
      %mul3A_231 = arith.muli %rem3A_227, %mul3A_230 : i32
      %jit3A_232 = arith.constant 86016 : i32
      %select_n3A_233 = arith.select %lt3A_229, %mul3A_231, %jit3A_232 : i32
      %parallel_loop3A_234 = arith.constant 0 : i32
      %parallel_loop3A_235 = arith.constant 256 : i32
      %parallel_loop3A_236 = arith.constant 1 : i32
      scf.for %parallel_loop3A_242 = %parallel_loop3A_234 to %parallel_loop3A_235 step %parallel_loop3A_236  : i32 {
        %parallel_loop3A_243 = arith.constant 16 : i32
        %parallel_loop3A_244 = arith.divsi %parallel_loop3A_242, %parallel_loop3A_243 : i32
        %parallel_loop3A_245 = arith.constant 0 : i32
        %parallel_loop3A_246 = arith.cmpi sgt, %parallel_loop3A_242, %parallel_loop3A_245 : i32
        %parallel_loop3A_247 = arith.extui %parallel_loop3A_246 : i1 to i32
        %parallel_loop3A_248 = arith.constant 0 : i32
        %parallel_loop3A_249 = arith.cmpi slt, %parallel_loop3A_242, %parallel_loop3A_248 : i32
        %parallel_loop3A_250 = arith.extui %parallel_loop3A_249 : i1 to i32
        %parallel_loop3A_251 = arith.subi %parallel_loop3A_247, %parallel_loop3A_250 : i32
        %parallel_loop3A_252 = arith.constant 0 : i32
        %parallel_loop3A_253 = arith.cmpi sgt, %parallel_loop3A_243, %parallel_loop3A_252 : i32
        %parallel_loop3A_254 = arith.extui %parallel_loop3A_253 : i1 to i32
        %parallel_loop3A_255 = arith.constant 0 : i32
        %parallel_loop3A_256 = arith.cmpi slt, %parallel_loop3A_243, %parallel_loop3A_255 : i32
        %parallel_loop3A_257 = arith.extui %parallel_loop3A_256 : i1 to i32
        %parallel_loop3A_258 = arith.subi %parallel_loop3A_254, %parallel_loop3A_257 : i32
        %parallel_loop3A_259 = arith.cmpi ne, %parallel_loop3A_251, %parallel_loop3A_258 : i32
        %parallel_loop3A_260 = arith.remsi %parallel_loop3A_242, %parallel_loop3A_243 : i32
        %parallel_loop3A_261 = arith.constant 0 : i32
        %parallel_loop3A_262 = arith.cmpi ne, %parallel_loop3A_260, %parallel_loop3A_261 : i32
        %parallel_loop3A_263 = arith.andi %parallel_loop3A_259, %parallel_loop3A_262 : i1
        %parallel_loop3A_264 = arith.constant 1 : i32
        %parallel_loop3A_265 = arith.subi %parallel_loop3A_244, %parallel_loop3A_264 : i32
        %parallel_loop3A_266 = arith.select %parallel_loop3A_263, %parallel_loop3A_265, %parallel_loop3A_244 : i32
        %parallel_loop3A_267 = arith.constant 16 : i32
        %parallel_loop3A_268 = arith.constant 0 : i32
        %parallel_loop3A_269 = arith.cmpi eq, %parallel_loop3A_267, %parallel_loop3A_268 : i32
        %parallel_loop3A_270 = arith.constant 1 : i32
        %parallel_loop3A_271 = arith.select %parallel_loop3A_269, %parallel_loop3A_270, %parallel_loop3A_267 : i32
        %parallel_loop3A_272 = arith.remsi %parallel_loop3A_242, %parallel_loop3A_271 : i32
        %parallel_loop3A_273 = arith.constant 0 : i32
        %parallel_loop3A_274 = arith.cmpi ne, %parallel_loop3A_272, %parallel_loop3A_273 : i32
        %parallel_loop3A_275 = arith.constant 0 : i32
        %parallel_loop3A_276 = arith.cmpi slt, %parallel_loop3A_272, %parallel_loop3A_275 : i32
        %parallel_loop3A_277 = arith.constant 0 : i32
        %parallel_loop3A_278 = arith.cmpi slt, %parallel_loop3A_271, %parallel_loop3A_277 : i32
        %parallel_loop3A_279 = arith.xori %parallel_loop3A_276, %parallel_loop3A_278 : i1
        %parallel_loop3A_280 = arith.andi %parallel_loop3A_279, %parallel_loop3A_274 : i1
        %parallel_loop3A_281 = arith.addi %parallel_loop3A_272, %parallel_loop3A_271 : i32
        %parallel_loop3A_282 = arith.select %parallel_loop3A_280, %parallel_loop3A_281, %parallel_loop3A_272 : i32
        %parallel_loop3A_283 = arith.constant 32 : i32
        %parallel_loop3A_284 = arith.muli %parallel_loop3A_282, %parallel_loop3A_283 : i32
        %parallel_loop3A_285 = arith.index_cast %rem3A_177 : i32 to index
        %parallel_loop3A_286 = arith.index_cast %parallel_loop3A_266 : i32 to index
        %parallel_loop3A_287 = arith.index_cast %parallel_loop3A_284 : i32 to index
        %parallel_loop3A_288 = tpu.vector_load %arg5[%parallel_loop3A_285, %parallel_loop3A_286, %parallel_loop3A_287] {strides = array<i32>} : memref<2x16x512xi16, #tpu.memory_space<vmem>>, vector<32xi16>,
        %parallel_loop3A_289 = vector.bitcast %parallel_loop3A_288 : vector<32xi16> to vector<16xi32>
        %parallel_loop3A_290 = arith.constant 65535 : i32
        %parallel_loop3A_291 = vector.broadcast %parallel_loop3A_290 : i32 to vector<16xi32>
        %parallel_loop3A_292 = arith.andi %parallel_loop3A_289, %parallel_loop3A_291 : vector<16xi32>
        %parallel_loop3A_293 = vector.broadcast %select_n3A_233 : i32 to vector<16xi32>
        %parallel_loop3A_294 = arith.addi %parallel_loop3A_292, %parallel_loop3A_293 : vector<16xi32>
        %parallel_loop3A_295 = arith.constant 7 : i32
        %parallel_loop3A_296 = vector.broadcast %parallel_loop3A_295 : i32 to vector<16xi32>
        %parallel_loop3A_297 = arith.shrui %parallel_loop3A_294, %parallel_loop3A_296 : vector<16xi32>
        %parallel_loop3A_298 = arith.constant 127 : i32
        %parallel_loop3A_299 = vector.broadcast %parallel_loop3A_298 : i32 to vector<16xi32>
        %parallel_loop3A_300 = arith.andi %parallel_loop3A_294, %parallel_loop3A_299 : vector<16xi32>
        %parallel_loop3A_301 = arith.constant true
        %parallel_loop3A_302 = vector.broadcast %parallel_loop3A_301 : i1 to vector<16xi1>
        %parallel_loop3A_303, %parallel_loop3A_304 = tpu.scan_count mask(%parallel_loop3A_302 : vector<16xi1>) value(%parallel_loop3A_294 : vector<16xi32>) : vector<16xi1>, vector<16xi32>
        tpu.vector_store_idx %arg7[%parallel_loop3A_297, %parallel_loop3A_300], %parallel_loop3A_304 masked %parallel_loop3A_303 {add = true} : memref<680x128xi32, #tpu.memory_space<vmem>>[vector<16xi32>, vector<16xi32>], vector<16xi32>, vector<16xi1>
        %parallel_loop3A_305 = arith.constant 16 : i32
        %parallel_loop3A_306 = vector.broadcast %parallel_loop3A_305 : i32 to vector<16xi32>
        %parallel_loop3A_307 = arith.shrui %parallel_loop3A_289, %parallel_loop3A_306 : vector<16xi32>
        %parallel_loop3A_308 = vector.broadcast %select_n3A_233 : i32 to vector<16xi32>
        %parallel_loop3A_309 = arith.addi %parallel_loop3A_307, %parallel_loop3A_308 : vector<16xi32>
        %parallel_loop3A_310 = arith.constant 7 : i32
        %parallel_loop3A_311 = vector.broadcast %parallel_loop3A_310 : i32 to vector<16xi32>
        %parallel_loop3A_312 = arith.shrui %parallel_loop3A_309, %parallel_loop3A_311 : vector<16xi32>
        %parallel_loop3A_313 = arith.constant 127 : i32
        %parallel_loop3A_314 = vector.broadcast %parallel_loop3A_313 : i32 to vector<16xi32>
        %parallel_loop3A_315 = arith.andi %parallel_loop3A_309, %parallel_loop3A_314 : vector<16xi32>
        %parallel_loop3A_316 = arith.constant true
        %parallel_loop3A_317 = vector.broadcast %parallel_loop3A_316 : i1 to vector<16xi1>
        %parallel_loop3A_318, %parallel_loop3A_319 = tpu.scan_count mask(%parallel_loop3A_317 : vector<16xi1>) value(%parallel_loop3A_309 : vector<16xi32>) : vector<16xi1>, vector<16xi32>
        tpu.vector_store_idx %arg7[%parallel_loop3A_312, %parallel_loop3A_315], %parallel_loop3A_319 masked %parallel_loop3A_318 {add = true} : memref<680x128xi32, #tpu.memory_space<vmem>>[vector<16xi32>, vector<16xi32>], vector<16xi32>, vector<16xi1>
      } {sc.loop_unroll_factor = 8 : i64, sc.parallel_access}
      %add3A_237 = arith.constant 2 : i32
      %add3A_238 = arith.addi %scan3A_175, %add3A_237 : i32
      %lt3A_239 = arith.constant 48 : i32
      %lt3A_240 = arith.cmpi slt, %add3A_238, %lt3A_239 : i32
      %convert_element_type3A = arith.extui %lt3A_240 : i1 to i32
      %cond3A = arith.constant 0 : i32
      %cond3A_241 = arith.cmpi ne, %convert_element_type3A, %cond3A : i32
      scf.if %cond3A_241 {
        %add3A_242 = arith.constant 2 : i32
        %add3A_243 = arith.addi %scan3A_175, %add3A_242 : i32
        %mul3A_244 = arith.constant 3 : i32
        %mul3A_245 = arith.muli %add3A, %mul3A_244 : i32
        %jit3A_246 = arith.constant 16 : i32
        %div3A_247 = arith.divsi %add3A_243, %jit3A_246 : i32
        %sign3A_248 = arith.constant 0 : i32
        %sign3A_249 = arith.cmpi sgt, %add3A_243, %sign3A_248 : i32
        %sign3A_250 = arith.extui %sign3A_249 : i1 to i32
        %sign3A_251 = arith.constant 0 : i32
        %sign3A_252 = arith.cmpi slt, %add3A_243, %sign3A_251 : i32
        %sign3A_253 = arith.extui %sign3A_252 : i1 to i32
        %sign3A_254 = arith.subi %sign3A_250, %sign3A_253 : i32
        %sign3A_255 = arith.constant 0 : i32
        %sign3A_256 = arith.cmpi sgt, %jit3A_246, %sign3A_255 : i32
        %sign3A_257 = arith.extui %sign3A_256 : i1 to i32
        %sign3A_258 = arith.constant 0 : i32
        %sign3A_259 = arith.cmpi slt, %jit3A_246, %sign3A_258 : i32
        %sign3A_260 = arith.extui %sign3A_259 : i1 to i32
        %sign3A_261 = arith.subi %sign3A_257, %sign3A_260 : i32
        %ne3A_262 = arith.cmpi ne, %sign3A_254, %sign3A_261 : i32
        %rem3A_263 = arith.remsi %add3A_243, %jit3A_246 : i32
        %ne3A_264 = arith.constant 0 : i32
        %ne3A_265 = arith.cmpi ne, %rem3A_263, %ne3A_264 : i32
        %and3A_266 = arith.andi %ne3A_262, %ne3A_265 : i1
        %sub3A_267 = arith.constant 1 : i32
        %sub3A_268 = arith.subi %div3A_247, %sub3A_267 : i32
        %select_n3A_269 = arith.select %and3A_266, %sub3A_268, %div3A_247 : i32
        %add3A_270 = arith.addi %mul3A_245, %select_n3A_269 : i32
        %jit3A_271 = arith.constant 16 : i32
        %eq3A_272 = arith.constant 0 : i32
        %eq3A_273 = arith.cmpi eq, %jit3A_271, %eq3A_272 : i32
        %jit3A_274 = arith.constant 1 : i32
        %select_n3A_275 = arith.select %eq3A_273, %jit3A_274, %jit3A_271 : i32
        %rem3A_276 = arith.remsi %add3A_243, %select_n3A_275 : i32
        %ne3A_277 = arith.constant 0 : i32
        %ne3A_278 = arith.cmpi ne, %rem3A_276, %ne3A_277 : i32
        %lt3A_279 = arith.constant 0 : i32
        %lt3A_280 = arith.cmpi slt, %rem3A_276, %lt3A_279 : i32
        %lt3A_281 = arith.constant 0 : i32
        %lt3A_282 = arith.cmpi slt, %select_n3A_275, %lt3A_281 : i32
        %ne3A_283 = arith.xori %lt3A_280, %lt3A_282 : i1
        %and3A_284 = arith.andi %ne3A_283, %ne3A_278 : i1
        %add3A_285 = arith.addi %rem3A_276, %select_n3A_275 : i32
        %select_n3A_286 = arith.select %and3A_284, %add3A_285, %rem3A_276 : i32
        %mul3A_287 = arith.constant 16 : i32
        %mul3A_288 = arith.muli %select_n3A_286, %mul3A_287 : i32
        %dma_start3A_289 = arith.constant 0 : i32
        %dma_start3A_290 = arith.constant 0 : i32
        %dma_start3A_291 = tpu.memref_slice %arg5[%rem3A_177, %dma_start3A_289, %dma_start3A_290] : memref<2x16x512xi16, #tpu.memory_space<vmem>> -> memref<1x16x512xi16, #tpu.memory_space<vmem>>
        %dma_start3A_292 = tpu.memref_squeeze %dma_start3A_291 : memref<1x16x512xi16, #tpu.memory_space<vmem>> -> memref<16x512xi16, #tpu.memory_space<vmem>>
        %dma_start3A_293 = arith.constant 0 : i32
        %dma_start3A_294 = tpu.memref_slice %arg2[%add3A_270, %mul3A_288, %dma_start3A_293] : memref<96x256x512xi16, #tpu.memory_space<hbm>> -> memref<1x16x512xi16, #tpu.memory_space<hbm>>
        %dma_start3A_295 = tpu.memref_squeeze %dma_start3A_294 : memref<1x16x512xi16, #tpu.memory_space<hbm>> -> memref<16x512xi16, #tpu.memory_space<hbm>>
        %dma_start3A_296 = tpu.memref_slice %arg8[%rem3A_177] : memref<2x!tpu.dma_semaphore, #tpu.memory_space<semaphore_mem>> -> memref<1x!tpu.dma_semaphore, #tpu.memory_space<semaphore_mem>>
        %dma_start3A_297 = tpu.memref_squeeze %dma_start3A_296 : memref<1x!tpu.dma_semaphore, #tpu.memory_space<semaphore_mem>> -> memref<!tpu.dma_semaphore, #tpu.memory_space<semaphore_mem>>
        %dma_start3A_298 = arith.constant 0 : i32
        %dma_start3A_299 = arith.constant 0 : i32
        %dma_start3A_300 = tpu.memref_slice %arg5[%rem3A_177, %dma_start3A_298, %dma_start3A_299] : memref<2x16x512xi16, #tpu.memory_space<vmem>> -> memref<1x16x512xi16, #tpu.memory_space<vmem>>
        %dma_start3A_301 = tpu.memref_squeeze %dma_start3A_300 : memref<1x16x512xi16, #tpu.memory_space<vmem>> -> memref<16x512xi16, #tpu.memory_space<vmem>>
        %dma_start3A_302 = arith.constant 0 : i32
        %dma_start3A_303 = tpu.memref_slice %arg2[%add3A_270, %mul3A_288, %dma_start3A_302] : memref<96x256x512xi16, #tpu.memory_space<hbm>> -> memref<1x16x512xi16, #tpu.memory_space<hbm>>
        %dma_start3A_304 = tpu.memref_squeeze %dma_start3A_303 : memref<1x16x512xi16, #tpu.memory_space<hbm>> -> memref<16x512xi16, #tpu.memory_space<hbm>>
        tpu.enqueue_dma source(%dma_start3A_304 : memref<16x512xi16, #tpu.memory_space<hbm>>) target(%dma_start3A_301 : memref<16x512xi16, #tpu.memory_space<vmem>>) target_semaphore(%dma_start3A_297 : memref<!tpu.dma_semaphore, #tpu.memory_space<semaphore_mem>>)
      } else {
      }
    }
    %scan3A_54 = arith.constant 48 : i32
    %jit3A = arith.constant 8 : i32
    %div3A = arith.divsi %add3A, %jit3A : i32
    %sign3A = arith.constant 0 : i32
    %sign3A_55 = arith.cmpi sgt, %add3A, %sign3A : i32
    %sign3A_56 = arith.extui %sign3A_55 : i1 to i32
    %sign3A_57 = arith.constant 0 : i32
    %sign3A_58 = arith.cmpi slt, %add3A, %sign3A_57 : i32
    %sign3A_59 = arith.extui %sign3A_58 : i1 to i32
    %sign3A_60 = arith.subi %sign3A_56, %sign3A_59 : i32
    %sign3A_61 = arith.constant 0 : i32
    %sign3A_62 = arith.cmpi sgt, %jit3A, %sign3A_61 : i32
    %sign3A_63 = arith.extui %sign3A_62 : i1 to i32
    %sign3A_64 = arith.constant 0 : i32
    %sign3A_65 = arith.cmpi slt, %jit3A, %sign3A_64 : i32
    %sign3A_66 = arith.extui %sign3A_65 : i1 to i32
    %sign3A_67 = arith.subi %sign3A_63, %sign3A_66 : i32
    %ne3A = arith.cmpi ne, %sign3A_60, %sign3A_67 : i32
    %rem3A = arith.remsi %add3A, %jit3A : i32
    %ne3A_68 = arith.constant 0 : i32
    %ne3A_69 = arith.cmpi ne, %rem3A, %ne3A_68 : i32
    %and3A = arith.andi %ne3A, %ne3A_69 : i1
    %sub3A = arith.constant 1 : i32
    %sub3A_70 = arith.subi %div3A, %sub3A : i32
    %select_n3A = arith.select %and3A, %sub3A_70, %div3A : i32
    %jit3A_71 = arith.constant 8 : i32
    %eq3A = arith.constant 0 : i32
    %eq3A_72 = arith.cmpi eq, %jit3A_71, %eq3A : i32
    %jit3A_73 = arith.constant 1 : i32
    %select_n3A_74 = arith.select %eq3A_72, %jit3A_73, %jit3A_71 : i32
    %rem3A_75 = arith.remsi %add3A, %select_n3A_74 : i32
    %ne3A_76 = arith.constant 0 : i32
    %ne3A_77 = arith.cmpi ne, %rem3A_75, %ne3A_76 : i32
    %lt3A = arith.constant 0 : i32
    %lt3A_78 = arith.cmpi slt, %rem3A_75, %lt3A : i32
    %lt3A_79 = arith.constant 0 : i32
    %lt3A_80 = arith.cmpi slt, %select_n3A_74, %lt3A_79 : i32
    %ne3A_81 = arith.xori %lt3A_78, %lt3A_80 : i1
    %and3A_82 = arith.andi %ne3A_81, %ne3A_77 : i1
    %add3A_83 = arith.addi %rem3A_75, %select_n3A_74 : i32
    %select_n3A_84 = arith.select %and3A_82, %add3A_83, %rem3A_75 : i32
    %mul3A_85 = arith.constant 32 : i32
    %mul3A_86 = arith.muli %select_n3A_84, %mul3A_85 : i32
    %add3A_87 = arith.constant 0 : i32
    %add3A_88 = arith.addi %mul3A_86, %add3A_87 : i32
    %dma_start3A_89 = arith.constant 0 : i32
    %dma_start3A_90 = arith.constant 0 : i32
    %dma_start3A_91 = arith.constant 0 : i32
    %dma_start3A_92 = arith.constant 0 : i32
    %dma_start3A_93 = tpu.memref_slice %arg6[%dma_start3A_89, %dma_start3A_91, %dma_start3A_92] : memref<2x8x512xi32, #tpu.memory_space<vmem>> -> memref<1x8x512xi32, #tpu.memory_space<vmem>>
    %dma_start3A_94 = tpu.memref_squeeze %dma_start3A_93 : memref<1x8x512xi32, #tpu.memory_space<vmem>> -> memref<8x512xi32, #tpu.memory_space<vmem>>
    %dma_start3A_95 = arith.constant 0 : i32
    %dma_start3A_96 = tpu.memref_slice %arg3[%select_n3A, %add3A_88, %dma_start3A_95] : memref<4x256x512xi32, #tpu.memory_space<hbm>> -> memref<1x8x512xi32, #tpu.memory_space<hbm>>
    %dma_start3A_97 = tpu.memref_squeeze %dma_start3A_96 : memref<1x8x512xi32, #tpu.memory_space<hbm>> -> memref<8x512xi32, #tpu.memory_space<hbm>>
    %dma_start3A_98 = tpu.memref_slice %arg8[%dma_start3A_90] : memref<2x!tpu.dma_semaphore, #tpu.memory_space<semaphore_mem>> -> memref<1x!tpu.dma_semaphore, #tpu.memory_space<semaphore_mem>>
    %dma_start3A_99 = tpu.memref_squeeze %dma_start3A_98 : memref<1x!tpu.dma_semaphore, #tpu.memory_space<semaphore_mem>> -> memref<!tpu.dma_semaphore, #tpu.memory_space<semaphore_mem>>
    %dma_start3A_100 = arith.constant 0 : i32
    %dma_start3A_101 = arith.constant 0 : i32
    %dma_start3A_102 = tpu.memref_slice %arg6[%dma_start3A_89, %dma_start3A_100, %dma_start3A_101] : memref<2x8x512xi32, #tpu.memory_space<vmem>> -> memref<1x8x512xi32, #tpu.memory_space<vmem>>
    %dma_start3A_103 = tpu.memref_squeeze %dma_start3A_102 : memref<1x8x512xi32, #tpu.memory_space<vmem>> -> memref<8x512xi32, #tpu.memory_space<vmem>>
    %dma_start3A_104 = arith.constant 0 : i32
    %dma_start3A_105 = tpu.memref_slice %arg3[%select_n3A, %add3A_88, %dma_start3A_104] : memref<4x256x512xi32, #tpu.memory_space<hbm>> -> memref<1x8x512xi32, #tpu.memory_space<hbm>>
    %dma_start3A_106 = tpu.memref_squeeze %dma_start3A_105 : memref<1x8x512xi32, #tpu.memory_space<hbm>> -> memref<8x512xi32, #tpu.memory_space<hbm>>
    tpu.enqueue_dma source(%dma_start3A_106 : memref<8x512xi32, #tpu.memory_space<hbm>>) target(%dma_start3A_103 : memref<8x512xi32, #tpu.memory_space<vmem>>) target_semaphore(%dma_start3A_99 : memref<!tpu.dma_semaphore, #tpu.memory_space<semaphore_mem>>)
    %jit3A_107 = arith.constant 8 : i32
    %div3A_108 = arith.divsi %add3A, %jit3A_107 : i32
    %sign3A_109 = arith.constant 0 : i32
    %sign3A_110 = arith.cmpi sgt, %add3A, %sign3A_109 : i32
    %sign3A_111 = arith.extui %sign3A_110 : i1 to i32
    %sign3A_112 = arith.constant 0 : i32
    %sign3A_113 = arith.cmpi slt, %add3A, %sign3A_112 : i32
    %sign3A_114 = arith.extui %sign3A_113 : i1 to i32
    %sign3A_115 = arith.subi %sign3A_111, %sign3A_114 : i32
    %sign3A_116 = arith.constant 0 : i32
    %sign3A_117 = arith.cmpi sgt, %jit3A_107, %sign3A_116 : i32
    %sign3A_118 = arith.extui %sign3A_117 : i1 to i32
    %sign3A_119 = arith.constant 0 : i32
    %sign3A_120 = arith.cmpi slt, %jit3A_107, %sign3A_119 : i32
    %sign3A_121 = arith.extui %sign3A_120 : i1 to i32
    %sign3A_122 = arith.subi %sign3A_118, %sign3A_121 : i32
    %ne3A_123 = arith.cmpi ne, %sign3A_115, %sign3A_122 : i32
    %rem3A_124 = arith.remsi %add3A, %jit3A_107 : i32
    %ne3A_125 = arith.constant 0 : i32
    %ne3A_126 = arith.cmpi ne, %rem3A_124, %ne3A_125 : i32
    %and3A_127 = arith.andi %ne3A_123, %ne3A_126 : i1
    %sub3A_128 = arith.constant 1 : i32
    %sub3A_129 = arith.subi %div3A_108, %sub3A_128 : i32
    %select_n3A_130 = arith.select %and3A_127, %sub3A_129, %div3A_108 : i32
    %jit3A_131 = arith.constant 8 : i32
    %eq3A_132 = arith.constant 0 : i32
    %eq3A_133 = arith.cmpi eq, %jit3A_131, %eq3A_132 : i32
    %jit3A_134 = arith.constant 1 : i32
    %select_n3A_135 = arith.select %eq3A_133, %jit3A_134, %jit3A_131 : i32
    %rem3A_136 = arith.remsi %add3A, %select_n3A_135 : i32
    %ne3A_137 = arith.constant 0 : i32
    %ne3A_138 = arith.cmpi ne, %rem3A_136, %ne3A_137 : i32
    %lt3A_139 = arith.constant 0 : i32
    %lt3A_140 = arith.cmpi slt, %rem3A_136, %lt3A_139 : i32
    %lt3A_141 = arith.constant 0 : i32
    %lt3A_142 = arith.cmpi slt, %select_n3A_135, %lt3A_141 : i32
    %ne3A_143 = arith.xori %lt3A_140, %lt3A_142 : i1
    %and3A_144 = arith.andi %ne3A_143, %ne3A_138 : i1
    %add3A_145 = arith.addi %rem3A_136, %select_n3A_135 : i32
    %select_n3A_146 = arith.select %and3A_144, %add3A_145, %rem3A_136 : i32
    %mul3A_147 = arith.constant 32 : i32
    %mul3A_148 = arith.muli %select_n3A_146, %mul3A_147 : i32
    %add3A_149 = arith.constant 8 : i32
    %add3A_150 = arith.addi %mul3A_148, %add3A_149 : i32
    %dma_start3A_151 = arith.constant 1 : i32
    %dma_start3A_152 = arith.constant 1 : i32
    %dma_start3A_153 = arith.constant 0 : i32
    %dma_start3A_154 = arith.constant 0 : i32
    %dma_start3A_155 = tpu.memref_slice %arg6[%dma_start3A_151, %dma_start3A_153, %dma_start3A_154] : memref<2x8x512xi32, #tpu.memory_space<vmem>> -> memref<1x8x512xi32, #tpu.memory_space<vmem>>
    %dma_start3A_156 = tpu.memref_squeeze %dma_start3A_155 : memref<1x8x512xi32, #tpu.memory_space<vmem>> -> memref<8x512xi32, #tpu.memory_space<vmem>>
    %dma_start3A_157 = arith.constant 0 : i32
    %dma_start3A_158 = tpu.memref_slice %arg3[%select_n3A_130, %add3A_150, %dma_start3A_157] : memref<4x256x512xi32, #tpu.memory_space<hbm>> -> memref<1x8x512xi32, #tpu.memory_space<hbm>>
    %dma_start3A_159 = tpu.memref_squeeze %dma_start3A_158 : memref<1x8x512xi32, #tpu.memory_space<hbm>> -> memref<8x512xi32, #tpu.memory_space<hbm>>
    %dma_start3A_160 = tpu.memref_slice %arg8[%dma_start3A_152] : memref<2x!tpu.dma_semaphore, #tpu.memory_space<semaphore_mem>> -> memref<1x!tpu.dma_semaphore, #tpu.memory_space<semaphore_mem>>
    %dma_start3A_161 = tpu.memref_squeeze %dma_start3A_160 : memref<1x!tpu.dma_semaphore, #tpu.memory_space<semaphore_mem>> -> memref<!tpu.dma_semaphore, #tpu.memory_space<semaphore_mem>>
    %dma_start3A_162 = arith.constant 0 : i32
    %dma_start3A_163 = arith.constant 0 : i32
    %dma_start3A_164 = tpu.memref_slice %arg6[%dma_start3A_151, %dma_start3A_162, %dma_start3A_163] : memref<2x8x512xi32, #tpu.memory_space<vmem>> -> memref<1x8x512xi32, #tpu.memory_space<vmem>>
    %dma_start3A_165 = tpu.memref_squeeze %dma_start3A_164 : memref<1x8x512xi32, #tpu.memory_space<vmem>> -> memref<8x512xi32, #tpu.memory_space<vmem>>
    %dma_start3A_166 = arith.constant 0 : i32
    %dma_start3A_167 = tpu.memref_slice %arg3[%select_n3A_130, %add3A_150, %dma_start3A_166] : memref<4x256x512xi32, #tpu.memory_space<hbm>> -> memref<1x8x512xi32, #tpu.memory_space<hbm>>
    %dma_start3A_168 = tpu.memref_squeeze %dma_start3A_167 : memref<1x8x512xi32, #tpu.memory_space<hbm>> -> memref<8x512xi32, #tpu.memory_space<hbm>>
    tpu.enqueue_dma source(%dma_start3A_168 : memref<8x512xi32, #tpu.memory_space<hbm>>) target(%dma_start3A_165 : memref<8x512xi32, #tpu.memory_space<vmem>>) target_semaphore(%dma_start3A_161 : memref<!tpu.dma_semaphore, #tpu.memory_space<semaphore_mem>>)
    %scan3A_169 = arith.constant 0 : i32
    %scan3A_170 = arith.constant 0 : i32
    %scan3A_171 = arith.constant 4 : i32
    %scan3A_172 = arith.addi %scan3A_170, %scan3A_171 : i32
    %scan3A_173 = arith.constant 1 : i32
    scf.for %scan3A_175 = %scan3A_170 to %scan3A_172 step %scan3A_173  : i32 {
      %rem3A_176 = arith.constant 2 : i32
      %rem3A_177 = arith.remsi %scan3A_175, %rem3A_176 : i32
      %jit3A_178 = arith.constant 8 : i32
      %div3A_179 = arith.divsi %add3A, %jit3A_178 : i32
      %sign3A_180 = arith.constant 0 : i32
      %sign3A_181 = arith.cmpi sgt, %add3A, %sign3A_180 : i32
      %sign3A_182 = arith.extui %sign3A_181 : i1 to i32
      %sign3A_183 = arith.constant 0 : i32
      %sign3A_184 = arith.cmpi slt, %add3A, %sign3A_183 : i32
      %sign3A_185 = arith.extui %sign3A_184 : i1 to i32
      %sign3A_186 = arith.subi %sign3A_182, %sign3A_185 : i32
      %sign3A_187 = arith.constant 0 : i32
      %sign3A_188 = arith.cmpi sgt, %jit3A_178, %sign3A_187 : i32
      %sign3A_189 = arith.extui %sign3A_188 : i1 to i32
      %sign3A_190 = arith.constant 0 : i32
      %sign3A_191 = arith.cmpi slt, %jit3A_178, %sign3A_190 : i32
      %sign3A_192 = arith.extui %sign3A_191 : i1 to i32
      %sign3A_193 = arith.subi %sign3A_189, %sign3A_192 : i32
      %ne3A_194 = arith.cmpi ne, %sign3A_186, %sign3A_193 : i32
      %rem3A_195 = arith.remsi %add3A, %jit3A_178 : i32
      %ne3A_196 = arith.constant 0 : i32
      %ne3A_197 = arith.cmpi ne, %rem3A_195, %ne3A_196 : i32
      %and3A_198 = arith.andi %ne3A_194, %ne3A_197 : i1
      %sub3A_199 = arith.constant 1 : i32
      %sub3A_200 = arith.subi %div3A_179, %sub3A_199 : i32
      %select_n3A_201 = arith.select %and3A_198, %sub3A_200, %div3A_179 : i32
      %jit3A_202 = arith.constant 8 : i32
      %eq3A_203 = arith.constant 0 : i32
      %eq3A_204 = arith.cmpi eq, %jit3A_202, %eq3A_203 : i32
      %jit3A_205 = arith.constant 1 : i32
      %select_n3A_206 = arith.select %eq3A_204, %jit3A_205, %jit3A_202 : i32
      %rem3A_207 = arith.remsi %add3A, %select_n3A_206 : i32
      %ne3A_208 = arith.constant 0 : i32
      %ne3A_209 = arith.cmpi ne, %rem3A_207, %ne3A_208 : i32
      %lt3A_210 = arith.constant 0 : i32
      %lt3A_211 = arith.cmpi slt, %rem3A_207, %lt3A_210 : i32
      %lt3A_212 = arith.constant 0 : i32
      %lt3A_213 = arith.cmpi slt, %select_n3A_206, %lt3A_212 : i32
      %ne3A_214 = arith.xori %lt3A_211, %lt3A_213 : i1
      %and3A_215 = arith.andi %ne3A_214, %ne3A_209 : i1
      %add3A_216 = arith.addi %rem3A_207, %select_n3A_206 : i32
      %select_n3A_217 = arith.select %and3A_215, %add3A_216, %rem3A_207 : i32
      %mul3A_218 = arith.constant 32 : i32
      %mul3A_219 = arith.muli %select_n3A_217, %mul3A_218 : i32
      %add3A_220 = arith.constant 0 : i32
      %add3A_221 = arith.addi %mul3A_219, %add3A_220 : i32
      %dma_wait3A = arith.constant 0 : i32
      %dma_wait3A_222 = arith.constant 0 : i32
      %dma_wait3A_223 = tpu.memref_slice %arg6[%rem3A_177, %dma_wait3A, %dma_wait3A_222] : memref<2x8x512xi32, #tpu.memory_space<vmem>> -> memref<1x8x512xi32, #tpu.memory_space<vmem>>
      %dma_wait3A_224 = tpu.memref_squeeze %dma_wait3A_223 : memref<1x8x512xi32, #tpu.memory_space<vmem>> -> memref<8x512xi32, #tpu.memory_space<vmem>>
      %dma_wait3A_225 = arith.constant 0 : i32
      %dma_wait3A_226 = tpu.memref_slice %arg3[%select_n3A_201, %add3A_221, %dma_wait3A_225] : memref<4x256x512xi32, #tpu.memory_space<hbm>> -> memref<1x8x512xi32, #tpu.memory_space<hbm>>
      %dma_wait3A_227 = tpu.memref_squeeze %dma_wait3A_226 : memref<1x8x512xi32, #tpu.memory_space<hbm>> -> memref<8x512xi32, #tpu.memory_space<hbm>>
      %dma_wait3A_228 = tpu.memref_slice %arg8[%rem3A_177] : memref<2x!tpu.dma_semaphore, #tpu.memory_space<semaphore_mem>> -> memref<1x!tpu.dma_semaphore, #tpu.memory_space<semaphore_mem>>
      %dma_wait3A_229 = tpu.memref_squeeze %dma_wait3A_228 : memref<1x!tpu.dma_semaphore, #tpu.memory_space<semaphore_mem>> -> memref<!tpu.dma_semaphore, #tpu.memory_space<semaphore_mem>>
      %dma_wait3A_230 = arith.constant 0 : i32
      %dma_wait3A_231 = arith.constant 0 : i32
      %dma_wait3A_232 = tpu.memref_slice %arg6[%rem3A_177, %dma_wait3A_230, %dma_wait3A_231] : memref<2x8x512xi32, #tpu.memory_space<vmem>> -> memref<1x8x512xi32, #tpu.memory_space<vmem>>
      %dma_wait3A_233 = tpu.memref_squeeze %dma_wait3A_232 : memref<1x8x512xi32, #tpu.memory_space<vmem>> -> memref<8x512xi32, #tpu.memory_space<vmem>>
      %dma_wait3A_234 = arith.constant 0 : i32
      %dma_wait3A_235 = tpu.memref_slice %arg3[%select_n3A_201, %add3A_221, %dma_wait3A_234] : memref<4x256x512xi32, #tpu.memory_space<hbm>> -> memref<1x8x512xi32, #tpu.memory_space<hbm>>
      %dma_wait3A_236 = tpu.memref_squeeze %dma_wait3A_235 : memref<1x8x512xi32, #tpu.memory_space<hbm>> -> memref<8x512xi32, #tpu.memory_space<hbm>>
      tpu.wait_dma2 semaphore(%dma_wait3A_229 : memref<!tpu.dma_semaphore, #tpu.memory_space<semaphore_mem>>) src(%dma_wait3A_236 : memref<8x512xi32, #tpu.memory_space<hbm>>) dst(%dma_wait3A_233 : memref<8x512xi32, #tpu.memory_space<vmem>>)
      %parallel_loop3A_237 = arith.constant 0 : i32
      %parallel_loop3A_238 = arith.constant 256 : i32
      %parallel_loop3A_239 = arith.constant 1 : i32
      scf.for %parallel_loop3A_245 = %parallel_loop3A_237 to %parallel_loop3A_238 step %parallel_loop3A_239  : i32 {
        %parallel_loop3A_246 = arith.constant 32 : i32
        %parallel_loop3A_247 = arith.divsi %parallel_loop3A_245, %parallel_loop3A_246 : i32
        %parallel_loop3A_248 = arith.constant 0 : i32
        %parallel_loop3A_249 = arith.cmpi sgt, %parallel_loop3A_245, %parallel_loop3A_248 : i32
        %parallel_loop3A_250 = arith.extui %parallel_loop3A_249 : i1 to i32
        %parallel_loop3A_251 = arith.constant 0 : i32
        %parallel_loop3A_252 = arith.cmpi slt, %parallel_loop3A_245, %parallel_loop3A_251 : i32
        %parallel_loop3A_253 = arith.extui %parallel_loop3A_252 : i1 to i32
        %parallel_loop3A_254 = arith.subi %parallel_loop3A_250, %parallel_loop3A_253 : i32
        %parallel_loop3A_255 = arith.constant 0 : i32
        %parallel_loop3A_256 = arith.cmpi sgt, %parallel_loop3A_246, %parallel_loop3A_255 : i32
        %parallel_loop3A_257 = arith.extui %parallel_loop3A_256 : i1 to i32
        %parallel_loop3A_258 = arith.constant 0 : i32
        %parallel_loop3A_259 = arith.cmpi slt, %parallel_loop3A_246, %parallel_loop3A_258 : i32
        %parallel_loop3A_260 = arith.extui %parallel_loop3A_259 : i1 to i32
        %parallel_loop3A_261 = arith.subi %parallel_loop3A_257, %parallel_loop3A_260 : i32
        %parallel_loop3A_262 = arith.cmpi ne, %parallel_loop3A_254, %parallel_loop3A_261 : i32
        %parallel_loop3A_263 = arith.remsi %parallel_loop3A_245, %parallel_loop3A_246 : i32
        %parallel_loop3A_264 = arith.constant 0 : i32
        %parallel_loop3A_265 = arith.cmpi ne, %parallel_loop3A_263, %parallel_loop3A_264 : i32
        %parallel_loop3A_266 = arith.andi %parallel_loop3A_262, %parallel_loop3A_265 : i1
        %parallel_loop3A_267 = arith.constant 1 : i32
        %parallel_loop3A_268 = arith.subi %parallel_loop3A_247, %parallel_loop3A_267 : i32
        %parallel_loop3A_269 = arith.select %parallel_loop3A_266, %parallel_loop3A_268, %parallel_loop3A_247 : i32
        %parallel_loop3A_270 = arith.constant 32 : i32
        %parallel_loop3A_271 = arith.constant 0 : i32
        %parallel_loop3A_272 = arith.cmpi eq, %parallel_loop3A_270, %parallel_loop3A_271 : i32
        %parallel_loop3A_273 = arith.constant 1 : i32
        %parallel_loop3A_274 = arith.select %parallel_loop3A_272, %parallel_loop3A_273, %parallel_loop3A_270 : i32
        %parallel_loop3A_275 = arith.remsi %parallel_loop3A_245, %parallel_loop3A_274 : i32
        %parallel_loop3A_276 = arith.constant 0 : i32
        %parallel_loop3A_277 = arith.cmpi ne, %parallel_loop3A_275, %parallel_loop3A_276 : i32
        %parallel_loop3A_278 = arith.constant 0 : i32
        %parallel_loop3A_279 = arith.cmpi slt, %parallel_loop3A_275, %parallel_loop3A_278 : i32
        %parallel_loop3A_280 = arith.constant 0 : i32
        %parallel_loop3A_281 = arith.cmpi slt, %parallel_loop3A_274, %parallel_loop3A_280 : i32
        %parallel_loop3A_282 = arith.xori %parallel_loop3A_279, %parallel_loop3A_281 : i1
        %parallel_loop3A_283 = arith.andi %parallel_loop3A_282, %parallel_loop3A_277 : i1
        %parallel_loop3A_284 = arith.addi %parallel_loop3A_275, %parallel_loop3A_274 : i32
        %parallel_loop3A_285 = arith.select %parallel_loop3A_283, %parallel_loop3A_284, %parallel_loop3A_275 : i32
        %parallel_loop3A_286 = arith.constant 16 : i32
        %parallel_loop3A_287 = arith.muli %parallel_loop3A_285, %parallel_loop3A_286 : i32
        %parallel_loop3A_288 = arith.index_cast %rem3A_177 : i32 to index
        %parallel_loop3A_289 = arith.index_cast %parallel_loop3A_269 : i32 to index
        %parallel_loop3A_290 = arith.index_cast %parallel_loop3A_287 : i32 to index
        %parallel_loop3A_291 = tpu.vector_load %arg6[%parallel_loop3A_288, %parallel_loop3A_289, %parallel_loop3A_290] {strides = array<i32>} : memref<2x8x512xi32, #tpu.memory_space<vmem>>, vector<16xi32>,
        %parallel_loop3A_292 = arith.constant 0 : i32
        %parallel_loop3A_293 = vector.broadcast %parallel_loop3A_292 : i32 to vector<16xi32>
        %parallel_loop3A_294 = arith.addi %parallel_loop3A_291, %parallel_loop3A_293 : vector<16xi32>
        %parallel_loop3A_295 = arith.constant 7 : i32
        %parallel_loop3A_296 = vector.broadcast %parallel_loop3A_295 : i32 to vector<16xi32>
        %parallel_loop3A_297 = arith.shrui %parallel_loop3A_294, %parallel_loop3A_296 : vector<16xi32>
        %parallel_loop3A_298 = arith.constant 127 : i32
        %parallel_loop3A_299 = vector.broadcast %parallel_loop3A_298 : i32 to vector<16xi32>
        %parallel_loop3A_300 = arith.andi %parallel_loop3A_294, %parallel_loop3A_299 : vector<16xi32>
        %parallel_loop3A_301 = arith.constant true
        %parallel_loop3A_302 = vector.broadcast %parallel_loop3A_301 : i1 to vector<16xi1>
        %parallel_loop3A_303, %parallel_loop3A_304 = tpu.scan_count mask(%parallel_loop3A_302 : vector<16xi1>) value(%parallel_loop3A_294 : vector<16xi32>) : vector<16xi1>, vector<16xi32>
        tpu.vector_store_idx %arg7[%parallel_loop3A_297, %parallel_loop3A_300], %parallel_loop3A_304 masked %parallel_loop3A_303 {add = true} : memref<680x128xi32, #tpu.memory_space<vmem>>[vector<16xi32>, vector<16xi32>], vector<16xi32>, vector<16xi1>
      } {sc.loop_unroll_factor = 8 : i64, sc.parallel_access}
      %add3A_240 = arith.constant 2 : i32
      %add3A_241 = arith.addi %scan3A_175, %add3A_240 : i32
      %lt3A_242 = arith.constant 4 : i32
      %lt3A_243 = arith.cmpi slt, %add3A_241, %lt3A_242 : i32
      %convert_element_type3A = arith.extui %lt3A_243 : i1 to i32
      %cond3A = arith.constant 0 : i32
      %cond3A_244 = arith.cmpi ne, %convert_element_type3A, %cond3A : i32
      scf.if %cond3A_244 {
        %add3A_245 = arith.constant 2 : i32
        %add3A_246 = arith.addi %scan3A_175, %add3A_245 : i32
        %jit3A_247 = arith.constant 8 : i32
        %div3A_248 = arith.divsi %add3A, %jit3A_247 : i32
        %sign3A_249 = arith.constant 0 : i32
        %sign3A_250 = arith.cmpi sgt, %add3A, %sign3A_249 : i32
        %sign3A_251 = arith.extui %sign3A_250 : i1 to i32
        %sign3A_252 = arith.constant 0 : i32
        %sign3A_253 = arith.cmpi slt, %add3A, %sign3A_252 : i32
        %sign3A_254 = arith.extui %sign3A_253 : i1 to i32
        %sign3A_255 = arith.subi %sign3A_251, %sign3A_254 : i32
        %sign3A_256 = arith.constant 0 : i32
        %sign3A_257 = arith.cmpi sgt, %jit3A_247, %sign3A_256 : i32
        %sign3A_258 = arith.extui %sign3A_257 : i1 to i32
        %sign3A_259 = arith.constant 0 : i32
        %sign3A_260 = arith.cmpi slt, %jit3A_247, %sign3A_259 : i32
        %sign3A_261 = arith.extui %sign3A_260 : i1 to i32
        %sign3A_262 = arith.subi %sign3A_258, %sign3A_261 : i32
        %ne3A_263 = arith.cmpi ne, %sign3A_255, %sign3A_262 : i32
        %rem3A_264 = arith.remsi %add3A, %jit3A_247 : i32
        %ne3A_265 = arith.constant 0 : i32
        %ne3A_266 = arith.cmpi ne, %rem3A_264, %ne3A_265 : i32
        %and3A_267 = arith.andi %ne3A_263, %ne3A_266 : i1
        %sub3A_268 = arith.constant 1 : i32
        %sub3A_269 = arith.subi %div3A_248, %sub3A_268 : i32
        %select_n3A_270 = arith.select %and3A_267, %sub3A_269, %div3A_248 : i32
        %jit3A_271 = arith.constant 8 : i32
        %eq3A_272 = arith.constant 0 : i32
        %eq3A_273 = arith.cmpi eq, %jit3A_271, %eq3A_272 : i32
        %jit3A_274 = arith.constant 1 : i32
        %select_n3A_275 = arith.select %eq3A_273, %jit3A_274, %jit3A_271 : i32
        %rem3A_276 = arith.remsi %add3A, %select_n3A_275 : i32
        %ne3A_277 = arith.constant 0 : i32
        %ne3A_278 = arith.cmpi ne, %rem3A_276, %ne3A_277 : i32
        %lt3A_279 = arith.constant 0 : i32
        %lt3A_280 = arith.cmpi slt, %rem3A_276, %lt3A_279 : i32
        %lt3A_281 = arith.constant 0 : i32
        %lt3A_282 = arith.cmpi slt, %select_n3A_275, %lt3A_281 : i32
        %ne3A_283 = arith.xori %lt3A_280, %lt3A_282 : i1
        %and3A_284 = arith.andi %ne3A_283, %ne3A_278 : i1
        %add3A_285 = arith.addi %rem3A_276, %select_n3A_275 : i32
        %select_n3A_286 = arith.select %and3A_284, %add3A_285, %rem3A_276 : i32
        %mul3A_287 = arith.constant 32 : i32
        %mul3A_288 = arith.muli %select_n3A_286, %mul3A_287 : i32
        %mul3A_289 = arith.constant 8 : i32
        %mul3A_290 = arith.muli %add3A_246, %mul3A_289 : i32
        %add3A_291 = arith.addi %mul3A_288, %mul3A_290 : i32
        %dma_start3A_292 = arith.constant 0 : i32
        %dma_start3A_293 = arith.constant 0 : i32
        %dma_start3A_294 = tpu.memref_slice %arg6[%rem3A_177, %dma_start3A_292, %dma_start3A_293] : memref<2x8x512xi32, #tpu.memory_space<vmem>> -> memref<1x8x512xi32, #tpu.memory_space<vmem>>
        %dma_start3A_295 = tpu.memref_squeeze %dma_start3A_294 : memref<1x8x512xi32, #tpu.memory_space<vmem>> -> memref<8x512xi32, #tpu.memory_space<vmem>>
        %dma_start3A_296 = arith.constant 0 : i32
        %dma_start3A_297 = tpu.memref_slice %arg3[%select_n3A_270, %add3A_291, %dma_start3A_296] : memref<4x256x512xi32, #tpu.memory_space<hbm>> -> memref<1x8x512xi32, #tpu.memory_space<hbm>>
        %dma_start3A_298 = tpu.memref_squeeze %dma_start3A_297 : memref<1x8x512xi32, #tpu.memory_space<hbm>> -> memref<8x512xi32, #tpu.memory_space<hbm>>
        %dma_start3A_299 = tpu.memref_slice %arg8[%rem3A_177] : memref<2x!tpu.dma_semaphore, #tpu.memory_space<semaphore_mem>> -> memref<1x!tpu.dma_semaphore, #tpu.memory_space<semaphore_mem>>
        %dma_start3A_300 = tpu.memref_squeeze %dma_start3A_299 : memref<1x!tpu.dma_semaphore, #tpu.memory_space<semaphore_mem>> -> memref<!tpu.dma_semaphore, #tpu.memory_space<semaphore_mem>>
        %dma_start3A_301 = arith.constant 0 : i32
        %dma_start3A_302 = arith.constant 0 : i32
        %dma_start3A_303 = tpu.memref_slice %arg6[%rem3A_177, %dma_start3A_301, %dma_start3A_302] : memref<2x8x512xi32, #tpu.memory_space<vmem>> -> memref<1x8x512xi32, #tpu.memory_space<vmem>>
        %dma_start3A_304 = tpu.memref_squeeze %dma_start3A_303 : memref<1x8x512xi32, #tpu.memory_space<vmem>> -> memref<8x512xi32, #tpu.memory_space<vmem>>
        %dma_start3A_305 = arith.constant 0 : i32
        %dma_start3A_306 = tpu.memref_slice %arg3[%select_n3A_270, %add3A_291, %dma_start3A_305] : memref<4x256x512xi32, #tpu.memory_space<hbm>> -> memref<1x8x512xi32, #tpu.memory_space<hbm>>
        %dma_start3A_307 = tpu.memref_squeeze %dma_start3A_306 : memref<1x8x512xi32, #tpu.memory_space<hbm>> -> memref<8x512xi32, #tpu.memory_space<hbm>>
        tpu.enqueue_dma source(%dma_start3A_307 : memref<8x512xi32, #tpu.memory_space<hbm>>) target(%dma_start3A_304 : memref<8x512xi32, #tpu.memory_space<vmem>>) target_semaphore(%dma_start3A_300 : memref<!tpu.dma_semaphore, #tpu.memory_space<semaphore_mem>>)
      } else {
      }
    }
    %scan3A_174 = arith.constant 4 : i32
    "tpu.region"() ({
      %run_scoped3A = tpu.sem_alloc : memref<!tpu.dma_semaphore, #tpu.memory_space<semaphore_mem>>
      %dma_start3A_175 = arith.constant 0 : i32
      %dma_start3A_176 = arith.constant 0 : i32
      %dma_start3A_177 = tpu.memref_slice %arg7[%dma_start3A_175, %dma_start3A_176] : memref<680x128xi32, #tpu.memory_space<vmem>> -> memref<672x128xi32, #tpu.memory_space<vmem>>
      %dma_start3A_178 = arith.constant 0 : i32
      %dma_start3A_179 = arith.constant 0 : i32
      %dma_start3A_180 = tpu.memref_slice %arg4[%add3A, %dma_start3A_178, %dma_start3A_179] : memref<32x672x128xi32, #tpu.memory_space<hbm>> -> memref<1x672x128xi32, #tpu.memory_space<hbm>>
      %dma_start3A_181 = tpu.memref_squeeze %dma_start3A_180 : memref<1x672x128xi32, #tpu.memory_space<hbm>> -> memref<672x128xi32, #tpu.memory_space<hbm>>
      %dma_start3A_182 = arith.constant 0 : i32
      %dma_start3A_183 = arith.constant 0 : i32
      %dma_start3A_184 = tpu.memref_slice %arg4[%add3A, %dma_start3A_182, %dma_start3A_183] : memref<32x672x128xi32, #tpu.memory_space<hbm>> -> memref<1x672x128xi32, #tpu.memory_space<hbm>>
      %dma_start3A_185 = tpu.memref_squeeze %dma_start3A_184 : memref<1x672x128xi32, #tpu.memory_space<hbm>> -> memref<672x128xi32, #tpu.memory_space<hbm>>
      %dma_start3A_186 = arith.constant 0 : i32
      %dma_start3A_187 = arith.constant 0 : i32
      %dma_start3A_188 = tpu.memref_slice %arg7[%dma_start3A_186, %dma_start3A_187] : memref<680x128xi32, #tpu.memory_space<vmem>> -> memref<672x128xi32, #tpu.memory_space<vmem>>
      tpu.enqueue_dma source(%dma_start3A_188 : memref<672x128xi32, #tpu.memory_space<vmem>>) target(%dma_start3A_185 : memref<672x128xi32, #tpu.memory_space<hbm>>) target_semaphore(%run_scoped3A : memref<!tpu.dma_semaphore, #tpu.memory_space<semaphore_mem>>)
      %dma_wait3A = arith.constant 0 : i32
      %dma_wait3A_189 = arith.constant 0 : i32
      %dma_wait3A_190 = tpu.memref_slice %arg7[%dma_wait3A, %dma_wait3A_189] : memref<680x128xi32, #tpu.memory_space<vmem>> -> memref<672x128xi32, #tpu.memory_space<vmem>>
      %dma_wait3A_191 = arith.constant 0 : i32
      %dma_wait3A_192 = arith.constant 0 : i32
      %dma_wait3A_193 = tpu.memref_slice %arg4[%add3A, %dma_wait3A_191, %dma_wait3A_192] : memref<32x672x128xi32, #tpu.memory_space<hbm>> -> memref<1x672x128xi32, #tpu.memory_space<hbm>>
      %dma_wait3A_194 = tpu.memref_squeeze %dma_wait3A_193 : memref<1x672x128xi32, #tpu.memory_space<hbm>> -> memref<672x128xi32, #tpu.memory_space<hbm>>
      %dma_wait3A_195 = arith.constant 0 : i32
      %dma_wait3A_196 = arith.constant 0 : i32
      %dma_wait3A_197 = tpu.memref_slice %arg4[%add3A, %dma_wait3A_195, %dma_wait3A_196] : memref<32x672x128xi32, #tpu.memory_space<hbm>> -> memref<1x672x128xi32, #tpu.memory_space<hbm>>
      %dma_wait3A_198 = tpu.memref_squeeze %dma_wait3A_197 : memref<1x672x128xi32, #tpu.memory_space<hbm>> -> memref<672x128xi32, #tpu.memory_space<hbm>>
      %dma_wait3A_199 = arith.constant 0 : i32
      %dma_wait3A_200 = arith.constant 0 : i32
      %dma_wait3A_201 = tpu.memref_slice %arg7[%dma_wait3A_199, %dma_wait3A_200] : memref<680x128xi32, #tpu.memory_space<vmem>> -> memref<672x128xi32, #tpu.memory_space<vmem>>
      tpu.wait_dma2 semaphore(%run_scoped3A : memref<!tpu.dma_semaphore, #tpu.memory_space<semaphore_mem>>) src(%dma_wait3A_201 : memref<672x128xi32, #tpu.memory_space<vmem>>) dst(%dma_wait3A_198 : memref<672x128xi32, #tpu.memory_space<hbm>>)
      tpu.yield
    }) : () -> ()
    return
  }
}

module attributes {stable_mosaic.version = 14 : i64} {
  func.func @_binning_body(%arg0: i32, %arg1: i32, %arg2: memref<1x21x16x512xf32, #tpu.memory_space<vmem>>, %arg3: memref<1x16x512xi32, #tpu.memory_space<vmem>>, %arg4: memref<24x16x512xi16, #tpu.memory_space<vmem>>, %arg5: memref<1x16x512xi32, #tpu.memory_space<vmem>>) attributes {dimension_semantics = [#tpu.dimension_semantics<arbitrary>, #tpu.dimension_semantics<arbitrary>], iteration_bounds = array<i64: 4, 16>, scalar_prefetch = 0 : i64, scratch_operands = 0 : i64, tpu.core_type = #tpu.core_type<tc>, window_params = [{transform_indices = @transform_0, window_bounds = array<i64: 1, 21, 16, 512>}, {transform_indices = @transform_1, window_bounds = array<i64: 1, 16, 512>}, {transform_indices = @transform_2, window_bounds = array<i64: 24, 16, 512>}, {transform_indices = @transform_3, window_bounds = array<i64: 1, 16, 512>}]} {
    %get3A = arith.constant 0 : index
    %get3A_0 = arith.constant 0 : index
    %get3A_1 = arith.constant 0 : index
    %get3A_2 = arith.constant 0 : index
    %get3A_3 = vector.load %arg2[%get3A, %get3A_0, %get3A_1, %get3A_2] : memref<1x21x16x512xf32, #tpu.memory_space<vmem>>, vector<1x21x16x512xf32>
    %get3A_4 = vector.shape_cast %get3A_3 : vector<1x21x16x512xf32> to vector<21x16x512xf32>
    %get3A_5 = arith.constant 0 : index
    %get3A_6 = arith.constant 0 : index
    %get3A_7 = arith.constant 0 : index
    %get3A_8 = vector.load %arg3[%get3A_5, %get3A_6, %get3A_7] : memref<1x16x512xi32, #tpu.memory_space<vmem>>, vector<1x16x512xi32>
    %exp3A = math.exp %get3A_4 : vector<21x16x512xf32>
    %reduce_sum3A = arith.constant dense<0.000000e+00> : vector<16x512xf32>
    %reduce_sum3A_9 = vector.multi_reduction <add>, %exp3A, %reduce_sum3A [0] : vector<21x16x512xf32> to vector<16x512xf32>
    %broadcast_in_dim3A = vector.shape_cast %reduce_sum3A_9 : vector<16x512xf32> to vector<1x16x512xf32>
    %div3A = arith.constant 1.000000e+00 : f32
    %div3A_10 = vector.broadcast %div3A : f32 to vector<1x16x512xf32>
    %div3A_11 = arith.divf %div3A_10, %broadcast_in_dim3A : vector<1x16x512xf32>
    %mul3A = vector.broadcast %div3A_11 : vector<1x16x512xf32> to vector<21x16x512xf32>
    %mul3A_12 = arith.mulf %exp3A, %mul3A : vector<21x16x512xf32>
    %iota3A = tpu.iota {dimensions = array<i32: 0>} : vector<21x16x512xi32>
    %eq3A = vector.broadcast %get3A_8 : vector<1x16x512xi32> to vector<21x16x512xi32>
    %eq3A_13 = arith.cmpi eq, %iota3A, %eq3A : vector<21x16x512xi32>
    %sub3A = arith.constant 1.000000e+00 : f32
    %sub3A_14 = vector.broadcast %sub3A : f32 to vector<21x16x512xf32>
    %sub3A_15 = arith.subf %sub3A_14, %mul3A_12 : vector<21x16x512xf32>
    %select_n3A = arith.select %eq3A_13, %sub3A_15, %mul3A_12 : vector<21x16x512xi1>, vector<21x16x512xf32>
    %mul3A_16 = arith.constant 2.048000e+03 : f32
    %mul3A_17 = vector.broadcast %mul3A_16 : f32 to vector<21x16x512xf32>
    %mul3A_18 = arith.mulf %select_n3A, %mul3A_17 : vector<21x16x512xf32>
    %convert_element_type3A = arith.fptosi %mul3A_18 : vector<21x16x512xf32> to vector<21x16x512xi32>
    %min3A = arith.constant 2047 : i32
    %min3A_19 = vector.broadcast %min3A : i32 to vector<21x16x512xi32>
    %min3A_20 = arith.minsi %convert_element_type3A, %min3A_19 : vector<21x16x512xi32>
    %broadcast_in_dim3A_21 = arith.constant 0 : i16
    %broadcast_in_dim3A_22 = vector.broadcast %broadcast_in_dim3A_21 : i16 to vector<3x16x512xi16>
    %convert_element_type3A_23 = arith.trunci %min3A_20 : vector<21x16x512xi32> to vector<21x16x512xi16>
    %concatenate3A = tpu.concatenate %convert_element_type3A_23, %broadcast_in_dim3A_22 in 0 : vector<21x16x512xi16>, vector<3x16x512xi16> -> vector<24x16x512xi16>
    %swap3A = arith.constant 0 : index
    %swap3A_24 = arith.constant 0 : index
    %swap3A_25 = arith.constant 0 : index
    %swap3A_26 = vector.load %arg4[%swap3A, %swap3A_24, %swap3A_25] : memref<24x16x512xi16, #tpu.memory_space<vmem>>, vector<24x16x512xi16>
    tpu.vector_store %arg4[%swap3A, %swap3A_24, %swap3A_25], %concatenate3A {strides = array<i32>} : memref<24x16x512xi16, #tpu.memory_space<vmem>>, vector<24x16x512xi16>,
    %jit3A = arith.constant 0 : i32
    %broadcast_in_dim3A_27 = vector.broadcast %jit3A : i32 to vector<21x16x512xi32>
    %select_n3A_28 = arith.select %eq3A_13, %min3A_20, %broadcast_in_dim3A_27 : vector<21x16x512xi1>, vector<21x16x512xi32>
    %reduce_sum3A_29 = arith.constant dense<0> : vector<16x512xi32>
    %reduce_sum3A_30 = vector.multi_reduction <add>, %select_n3A_28, %reduce_sum3A_29 [0] : vector<21x16x512xi32> to vector<16x512xi32>
    %broadcast_in_dim3A_31 = vector.shape_cast %reduce_sum3A_30 : vector<16x512xi32> to vector<1x16x512xi32>
    %mul3A_32 = arith.constant 2048 : i32
    %mul3A_33 = vector.broadcast %mul3A_32 : i32 to vector<1x16x512xi32>
    %mul3A_34 = arith.muli %get3A_8, %mul3A_33 : vector<1x16x512xi32>
    %add3A = arith.constant 43008 : i32
    %add3A_35 = vector.broadcast %add3A : i32 to vector<1x16x512xi32>
    %add3A_36 = arith.addi %add3A_35, %mul3A_34 : vector<1x16x512xi32>
    %add3A_37 = arith.addi %add3A_36, %broadcast_in_dim3A_31 : vector<1x16x512xi32>
    %swap3A_38 = arith.constant 0 : index
    %swap3A_39 = arith.constant 0 : index
    %swap3A_40 = arith.constant 0 : index
    %swap3A_41 = vector.load %arg5[%swap3A_38, %swap3A_39, %swap3A_40] : memref<1x16x512xi32, #tpu.memory_space<vmem>>, vector<1x16x512xi32>
    tpu.vector_store %arg5[%swap3A_38, %swap3A_39, %swap3A_40], %add3A_37 {strides = array<i32>} : memref<1x16x512xi32, #tpu.memory_space<vmem>>, vector<1x16x512xi32>,
    return
  }
  func.func @transform_0(%arg0: i32, %arg1: i32) -> (i32, i32, i32, i32) {
    %add3A = arith.constant 16 : i32
    %add3A_0 = arith.addi %arg1, %add3A : i32
    %c0_i32 = arith.constant 0 : i32
    %c0_i32_1 = arith.constant 0 : i32
    %c0_i32_2 = arith.constant 0 : i32
    return %arg0, %c0_i32, %add3A_0, %c0_i32_1 : i32, i32, i32, i32
  }
  func.func @transform_1(%arg0: i32, %arg1: i32) -> (i32, i32, i32) {
    %add3A = arith.constant 16 : i32
    %add3A_0 = arith.addi %arg1, %add3A : i32
    %c0_i32 = arith.constant 0 : i32
    %c0_i32_1 = arith.constant 0 : i32
    return %arg0, %add3A_0, %c0_i32 : i32, i32, i32
  }
  func.func @transform_2(%arg0: i32, %arg1: i32) -> (i32, i32, i32) {
    %c0_i32 = arith.constant 0 : i32
    %c0_i32_0 = arith.constant 0 : i32
    return %arg0, %arg1, %c0_i32 : i32, i32, i32
  }
  func.func @transform_3(%arg0: i32, %arg1: i32) -> (i32, i32, i32) {
    %c0_i32 = arith.constant 0 : i32
    %c0_i32_0 = arith.constant 0 : i32
    return %arg0, %arg1, %c0_i32 : i32, i32, i32
  }
}

module attributes {stable_mosaic.version = 14 : i64} {
  func.func @_binning_body(%arg0: i32, %arg1: i32, %arg2: memref<1x21x16x512xf32, #tpu.memory_space<vmem>>, %arg3: memref<1x16x512xi32, #tpu.memory_space<vmem>>, %arg4: memref<24x16x512xi16, #tpu.memory_space<vmem>>, %arg5: memref<1x16x512xi32, #tpu.memory_space<vmem>>) attributes {dimension_semantics = [#tpu.dimension_semantics<arbitrary>, #tpu.dimension_semantics<arbitrary>], iteration_bounds = array<i64: 4, 16>, scalar_prefetch = 0 : i64, scratch_operands = 0 : i64, tpu.core_type = #tpu.core_type<tc>, window_params = [{transform_indices = @transform_0, window_bounds = array<i64: 1, 21, 16, 512>}, {transform_indices = @transform_1, window_bounds = array<i64: 1, 16, 512>}, {transform_indices = @transform_2, window_bounds = array<i64: 24, 16, 512>}, {transform_indices = @transform_3, window_bounds = array<i64: 1, 16, 512>}]} {
    %get3A = arith.constant 0 : index
    %get3A_0 = arith.constant 0 : index
    %get3A_1 = arith.constant 0 : index
    %get3A_2 = arith.constant 0 : index
    %get3A_3 = vector.load %arg2[%get3A, %get3A_0, %get3A_1, %get3A_2] : memref<1x21x16x512xf32, #tpu.memory_space<vmem>>, vector<1x21x16x512xf32>
    %get3A_4 = vector.shape_cast %get3A_3 : vector<1x21x16x512xf32> to vector<21x16x512xf32>
    %get3A_5 = arith.constant 0 : index
    %get3A_6 = arith.constant 0 : index
    %get3A_7 = arith.constant 0 : index
    %get3A_8 = vector.load %arg3[%get3A_5, %get3A_6, %get3A_7] : memref<1x16x512xi32, #tpu.memory_space<vmem>>, vector<1x16x512xi32>
    %exp3A = math.exp %get3A_4 : vector<21x16x512xf32>
    %reduce_sum3A = arith.constant dense<0.000000e+00> : vector<16x512xf32>
    %reduce_sum3A_9 = vector.multi_reduction <add>, %exp3A, %reduce_sum3A [0] : vector<21x16x512xf32> to vector<16x512xf32>
    %broadcast_in_dim3A = vector.shape_cast %reduce_sum3A_9 : vector<16x512xf32> to vector<1x16x512xf32>
    %div3A = arith.constant 1.000000e+00 : f32
    %div3A_10 = vector.broadcast %div3A : f32 to vector<1x16x512xf32>
    %div3A_11 = arith.divf %div3A_10, %broadcast_in_dim3A : vector<1x16x512xf32>
    %mul3A = vector.broadcast %div3A_11 : vector<1x16x512xf32> to vector<21x16x512xf32>
    %mul3A_12 = arith.mulf %exp3A, %mul3A : vector<21x16x512xf32>
    %iota3A = tpu.iota {dimensions = array<i32: 0>} : vector<21x16x512xi32>
    %eq3A = vector.broadcast %get3A_8 : vector<1x16x512xi32> to vector<21x16x512xi32>
    %eq3A_13 = arith.cmpi eq, %iota3A, %eq3A : vector<21x16x512xi32>
    %sub3A = arith.constant 1.000000e+00 : f32
    %sub3A_14 = vector.broadcast %sub3A : f32 to vector<21x16x512xf32>
    %sub3A_15 = arith.subf %sub3A_14, %mul3A_12 : vector<21x16x512xf32>
    %select_n3A = arith.select %eq3A_13, %sub3A_15, %mul3A_12 : vector<21x16x512xi1>, vector<21x16x512xf32>
    %mul3A_16 = arith.constant 2.048000e+03 : f32
    %mul3A_17 = vector.broadcast %mul3A_16 : f32 to vector<21x16x512xf32>
    %mul3A_18 = arith.mulf %select_n3A, %mul3A_17 : vector<21x16x512xf32>
    %convert_element_type3A = arith.fptosi %mul3A_18 : vector<21x16x512xf32> to vector<21x16x512xi32>
    %min3A = arith.constant 2047 : i32
    %min3A_19 = vector.broadcast %min3A : i32 to vector<21x16x512xi32>
    %min3A_20 = arith.minsi %convert_element_type3A, %min3A_19 : vector<21x16x512xi32>
    %broadcast_in_dim3A_21 = arith.constant 0 : i16
    %broadcast_in_dim3A_22 = vector.broadcast %broadcast_in_dim3A_21 : i16 to vector<3x16x512xi16>
    %convert_element_type3A_23 = arith.trunci %min3A_20 : vector<21x16x512xi32> to vector<21x16x512xi16>
    %concatenate3A = tpu.concatenate %convert_element_type3A_23, %broadcast_in_dim3A_22 in 0 : vector<21x16x512xi16>, vector<3x16x512xi16> -> vector<24x16x512xi16>
    %swap3A = arith.constant 0 : index
    %swap3A_24 = arith.constant 0 : index
    %swap3A_25 = arith.constant 0 : index
    %swap3A_26 = vector.load %arg4[%swap3A, %swap3A_24, %swap3A_25] : memref<24x16x512xi16, #tpu.memory_space<vmem>>, vector<24x16x512xi16>
    tpu.vector_store %arg4[%swap3A, %swap3A_24, %swap3A_25], %concatenate3A {strides = array<i32>} : memref<24x16x512xi16, #tpu.memory_space<vmem>>, vector<24x16x512xi16>,
    %jit3A = arith.constant 0 : i32
    %broadcast_in_dim3A_27 = vector.broadcast %jit3A : i32 to vector<21x16x512xi32>
    %select_n3A_28 = arith.select %eq3A_13, %min3A_20, %broadcast_in_dim3A_27 : vector<21x16x512xi1>, vector<21x16x512xi32>
    %reduce_sum3A_29 = arith.constant dense<0> : vector<16x512xi32>
    %reduce_sum3A_30 = vector.multi_reduction <add>, %select_n3A_28, %reduce_sum3A_29 [0] : vector<21x16x512xi32> to vector<16x512xi32>
    %broadcast_in_dim3A_31 = vector.shape_cast %reduce_sum3A_30 : vector<16x512xi32> to vector<1x16x512xi32>
    %mul3A_32 = arith.constant 2048 : i32
    %mul3A_33 = vector.broadcast %mul3A_32 : i32 to vector<1x16x512xi32>
    %mul3A_34 = arith.muli %get3A_8, %mul3A_33 : vector<1x16x512xi32>
    %add3A = arith.constant 43008 : i32
    %add3A_35 = vector.broadcast %add3A : i32 to vector<1x16x512xi32>
    %add3A_36 = arith.addi %add3A_35, %mul3A_34 : vector<1x16x512xi32>
    %add3A_37 = arith.addi %add3A_36, %broadcast_in_dim3A_31 : vector<1x16x512xi32>
    %swap3A_38 = arith.constant 0 : index
    %swap3A_39 = arith.constant 0 : index
    %swap3A_40 = arith.constant 0 : index
    %swap3A_41 = vector.load %arg5[%swap3A_38, %swap3A_39, %swap3A_40] : memref<1x16x512xi32, #tpu.memory_space<vmem>>, vector<1x16x512xi32>
    tpu.vector_store %arg5[%swap3A_38, %swap3A_39, %swap3A_40], %add3A_37 {strides = array<i32>} : memref<1x16x512xi32, #tpu.memory_space<vmem>>, vector<1x16x512xi32>,
    return
  }
  func.func @transform_0(%arg0: i32, %arg1: i32) -> (i32, i32, i32, i32) {
    %add3A = arith.constant 0 : i32
    %add3A_0 = arith.addi %arg1, %add3A : i32
    %c0_i32 = arith.constant 0 : i32
    %c0_i32_1 = arith.constant 0 : i32
    %c0_i32_2 = arith.constant 0 : i32
    return %arg0, %c0_i32, %add3A_0, %c0_i32_1 : i32, i32, i32, i32
  }
  func.func @transform_1(%arg0: i32, %arg1: i32) -> (i32, i32, i32) {
    %add3A = arith.constant 0 : i32
    %add3A_0 = arith.addi %arg1, %add3A : i32
    %c0_i32 = arith.constant 0 : i32
    %c0_i32_1 = arith.constant 0 : i32
    return %arg0, %add3A_0, %c0_i32 : i32, i32, i32
  }
  func.func @transform_2(%arg0: i32, %arg1: i32) -> (i32, i32, i32) {
    %c0_i32 = arith.constant 0 : i32
    %c0_i32_0 = arith.constant 0 : i32
    return %arg0, %arg1, %c0_i32 : i32, i32, i32
  }
  func.func @transform_3(%arg0: i32, %arg1: i32) -> (i32, i32, i32) {
    %c0_i32 = arith.constant 0 : i32
    %c0_i32_0 = arith.constant 0 : i32
    return %arg0, %arg1, %c0_i32 : i32, i32, i32
  }
}

module attributes {stable_mosaic.version = 14 : i64} {
  func.func @_loss_body(%arg0: memref<32x672x128xi32, #tpu.memory_space<vmem>>, %arg1: memref<32x672x128xi32, #tpu.memory_space<vmem>>, %arg2: memref<1x1xf32, #tpu.memory_space<vmem>>) attributes {dimension_semantics = [], scalar_prefetch = 0 : i64, scratch_operands = 0 : i64, tpu.core_type = #tpu.core_type<tc>} {
    %get3A = arith.constant 0 : index
    %get3A_0 = arith.constant 0 : index
    %get3A_1 = arith.constant 0 : index
    %get3A_2 = vector.load %arg0[%get3A, %get3A_0, %get3A_1] : memref<32x672x128xi32, #tpu.memory_space<vmem>>, vector<32x672x128xi32>
    %convert_element_type3A = arith.sitofp %get3A_2 : vector<32x672x128xi32> to vector<32x672x128xf32>
    %reduce_sum3A = arith.constant dense<0.000000e+00> : vector<672x128xf32>
    %reduce_sum3A_3 = vector.multi_reduction <add>, %convert_element_type3A, %reduce_sum3A [0] : vector<32x672x128xf32> to vector<672x128xf32>
    %get3A_4 = arith.constant 0 : index
    %get3A_5 = arith.constant 0 : index
    %get3A_6 = arith.constant 0 : index
    %get3A_7 = vector.load %arg1[%get3A_4, %get3A_5, %get3A_6] : memref<32x672x128xi32, #tpu.memory_space<vmem>>, vector<32x672x128xi32>
    %convert_element_type3A_8 = arith.sitofp %get3A_7 : vector<32x672x128xi32> to vector<32x672x128xf32>
    %reduce_sum3A_9 = arith.constant dense<0.000000e+00> : vector<672x128xf32>
    %reduce_sum3A_10 = vector.multi_reduction <add>, %convert_element_type3A_8, %reduce_sum3A_9 [0] : vector<32x672x128xf32> to vector<672x128xf32>
    %add3A = arith.addf %reduce_sum3A_3, %reduce_sum3A_10 : vector<672x128xf32>
    %slice3A = vector.extract_strided_slice %add3A {offsets = [0, 0], sizes = [336, 128], strides = [1, 1]} : vector<672x128xf32> to vector<336x128xf32>
    %slice3A_11 = vector.extract_strided_slice %add3A {offsets = [336, 0], sizes = [336, 128], strides = [1, 1]} : vector<672x128xf32> to vector<336x128xf32>
    %iota3A = tpu.iota {dimensions = array<i32: 0>} : vector<128x128xi32>
    %iota3A_12 = tpu.iota {dimensions = array<i32: 1>} : vector<128x128xi32>
    %ge3A = arith.cmpi sge, %iota3A, %iota3A_12 : vector<128x128xi32>
    %convert_element_type3A_13 = arith.extui %ge3A : vector<128x128xi1> to vector<128x128xi32>
    %convert_element_type3A_14 = arith.sitofp %convert_element_type3A_13 : vector<128x128xi32> to vector<128x128xf32>
    %dot_general3A = arith.constant dense<0.000000e+00> : vector<336x128xf32>
    %dot_general3A_15 = tpu.matmul %slice3A, %convert_element_type3A_14, %dot_general3A {dimension_numbers = #tpu.dot_dimension_numbers<[1], [0], [0], [1], [0, 0, 1, 1], [], []>, transpose_lhs_hint = false} : vector<336x128xf32>, vector<128x128xf32>, vector<336x128xf32> -> vector<336x128xf32>
    %dot_general3A_16 = arith.constant dense<0.000000e+00> : vector<336x128xf32>
    %dot_general3A_17 = tpu.matmul %slice3A_11, %convert_element_type3A_14, %dot_general3A_16 {dimension_numbers = #tpu.dot_dimension_numbers<[1], [0], [0], [1], [0, 0, 1, 1], [], []>, transpose_lhs_hint = false} : vector<336x128xf32>, vector<128x128xf32>, vector<336x128xf32> -> vector<336x128xf32>
    %iota3A_18 = tpu.iota {dimensions = array<i32: 0>} : vector<336x336xi32>
    %iota3A_19 = tpu.iota {dimensions = array<i32: 1>} : vector<336x336xi32>
    %jit3A = arith.constant 16 : i32
    %div3A = vector.broadcast %jit3A : i32 to vector<336x336xi32>
    %div3A_20 = arith.divsi %iota3A_18, %div3A : vector<336x336xi32>
    %sign3A = arith.constant 0 : i32
    %sign3A_21 = vector.broadcast %sign3A : i32 to vector<336x336xi32>
    %sign3A_22 = arith.cmpi sgt, %iota3A_18, %sign3A_21 : vector<336x336xi32>
    %sign3A_23 = arith.extui %sign3A_22 : vector<336x336xi1> to vector<336x336xi32>
    %sign3A_24 = arith.constant 0 : i32
    %sign3A_25 = vector.broadcast %sign3A_24 : i32 to vector<336x336xi32>
    %sign3A_26 = arith.cmpi slt, %iota3A_18, %sign3A_25 : vector<336x336xi32>
    %sign3A_27 = arith.extui %sign3A_26 : vector<336x336xi1> to vector<336x336xi32>
    %sign3A_28 = arith.subi %sign3A_23, %sign3A_27 : vector<336x336xi32>
    %sign3A_29 = arith.constant 0 : i32
    %sign3A_30 = arith.cmpi sgt, %jit3A, %sign3A_29 : i32
    %sign3A_31 = arith.extui %sign3A_30 : i1 to i32
    %sign3A_32 = arith.constant 0 : i32
    %sign3A_33 = arith.cmpi slt, %jit3A, %sign3A_32 : i32
    %sign3A_34 = arith.extui %sign3A_33 : i1 to i32
    %sign3A_35 = arith.subi %sign3A_31, %sign3A_34 : i32
    %ne3A = vector.broadcast %sign3A_35 : i32 to vector<336x336xi32>
    %ne3A_36 = arith.cmpi ne, %sign3A_28, %ne3A : vector<336x336xi32>
    %rem3A = vector.broadcast %jit3A : i32 to vector<336x336xi32>
    %rem3A_37 = arith.remsi %iota3A_18, %rem3A : vector<336x336xi32>
    %ne3A_38 = arith.constant 0 : i32
    %ne3A_39 = vector.broadcast %ne3A_38 : i32 to vector<336x336xi32>
    %ne3A_40 = arith.cmpi ne, %rem3A_37, %ne3A_39 : vector<336x336xi32>
    %and3A = arith.andi %ne3A_36, %ne3A_40 : vector<336x336xi1>
    %sub3A = arith.constant 1 : i32
    %sub3A_41 = vector.broadcast %sub3A : i32 to vector<336x336xi32>
    %sub3A_42 = arith.subi %div3A_20, %sub3A_41 : vector<336x336xi32>
    %select_n3A = arith.select %and3A, %sub3A_42, %div3A_20 : vector<336x336xi1>, vector<336x336xi32>
    %jit3A_43 = arith.constant 16 : i32
    %div3A_44 = vector.broadcast %jit3A_43 : i32 to vector<336x336xi32>
    %div3A_45 = arith.divsi %iota3A_19, %div3A_44 : vector<336x336xi32>
    %sign3A_46 = arith.constant 0 : i32
    %sign3A_47 = vector.broadcast %sign3A_46 : i32 to vector<336x336xi32>
    %sign3A_48 = arith.cmpi sgt, %iota3A_19, %sign3A_47 : vector<336x336xi32>
    %sign3A_49 = arith.extui %sign3A_48 : vector<336x336xi1> to vector<336x336xi32>
    %sign3A_50 = arith.constant 0 : i32
    %sign3A_51 = vector.broadcast %sign3A_50 : i32 to vector<336x336xi32>
    %sign3A_52 = arith.cmpi slt, %iota3A_19, %sign3A_51 : vector<336x336xi32>
    %sign3A_53 = arith.extui %sign3A_52 : vector<336x336xi1> to vector<336x336xi32>
    %sign3A_54 = arith.subi %sign3A_49, %sign3A_53 : vector<336x336xi32>
    %sign3A_55 = arith.constant 0 : i32
    %sign3A_56 = arith.cmpi sgt, %jit3A_43, %sign3A_55 : i32
    %sign3A_57 = arith.extui %sign3A_56 : i1 to i32
    %sign3A_58 = arith.constant 0 : i32
    %sign3A_59 = arith.cmpi slt, %jit3A_43, %sign3A_58 : i32
    %sign3A_60 = arith.extui %sign3A_59 : i1 to i32
    %sign3A_61 = arith.subi %sign3A_57, %sign3A_60 : i32
    %ne3A_62 = vector.broadcast %sign3A_61 : i32 to vector<336x336xi32>
    %ne3A_63 = arith.cmpi ne, %sign3A_54, %ne3A_62 : vector<336x336xi32>
    %rem3A_64 = vector.broadcast %jit3A_43 : i32 to vector<336x336xi32>
    %rem3A_65 = arith.remsi %iota3A_19, %rem3A_64 : vector<336x336xi32>
    %ne3A_66 = arith.constant 0 : i32
    %ne3A_67 = vector.broadcast %ne3A_66 : i32 to vector<336x336xi32>
    %ne3A_68 = arith.cmpi ne, %rem3A_65, %ne3A_67 : vector<336x336xi32>
    %and3A_69 = arith.andi %ne3A_63, %ne3A_68 : vector<336x336xi1>
    %sub3A_70 = arith.constant 1 : i32
    %sub3A_71 = vector.broadcast %sub3A_70 : i32 to vector<336x336xi32>
    %sub3A_72 = arith.subi %div3A_45, %sub3A_71 : vector<336x336xi32>
    %select_n3A_73 = arith.select %and3A_69, %sub3A_72, %div3A_45 : vector<336x336xi1>, vector<336x336xi32>
    %eq3A = arith.cmpi eq, %select_n3A, %select_n3A_73 : vector<336x336xi32>
    %gt3A = arith.cmpi sgt, %iota3A_19, %iota3A_18 : vector<336x336xi32>
    %and3A_74 = arith.andi %eq3A, %gt3A : vector<336x336xi1>
    %convert_element_type3A_75 = arith.extui %and3A_74 : vector<336x336xi1> to vector<336x336xi32>
    %convert_element_type3A_76 = arith.sitofp %convert_element_type3A_75 : vector<336x336xi32> to vector<336x336xf32>
    %reduce_sum3A_77 = arith.constant dense<0.000000e+00> : vector<336xf32>
    %reduce_sum3A_78 = vector.multi_reduction <add>, %slice3A, %reduce_sum3A_77 [1] : vector<336x128xf32> to vector<336xf32>
    %broadcast_in_dim3A = vector.shape_cast %reduce_sum3A_78 : vector<336xf32> to vector<336x1xf32>
    %reduce_sum3A_79 = arith.constant dense<0.000000e+00> : vector<336xf32>
    %reduce_sum3A_80 = vector.multi_reduction <add>, %slice3A_11, %reduce_sum3A_79 [1] : vector<336x128xf32> to vector<336xf32>
    %broadcast_in_dim3A_81 = vector.shape_cast %reduce_sum3A_80 : vector<336xf32> to vector<336x1xf32>
    %dot_general3A_82 = arith.constant dense<0.000000e+00> : vector<336x1xf32>
    %dot_general3A_83 = tpu.matmul %convert_element_type3A_76, %broadcast_in_dim3A, %dot_general3A_82 {dimension_numbers = #tpu.dot_dimension_numbers<[1], [0], [0], [1], [0, 0, 1, 1], [], []>, transpose_lhs_hint = false} : vector<336x336xf32>, vector<336x1xf32>, vector<336x1xf32> -> vector<336x1xf32>
    %dot_general3A_84 = arith.constant dense<0.000000e+00> : vector<336x1xf32>
    %dot_general3A_85 = tpu.matmul %convert_element_type3A_76, %broadcast_in_dim3A_81, %dot_general3A_84 {dimension_numbers = #tpu.dot_dimension_numbers<[1], [0], [0], [1], [0, 0, 1, 1], [], []>, transpose_lhs_hint = false} : vector<336x336xf32>, vector<336x1xf32>, vector<336x1xf32> -> vector<336x1xf32>
    %convert_element_type3A_86 = arith.extui %eq3A : vector<336x336xi1> to vector<336x336xi32>
    %convert_element_type3A_87 = arith.sitofp %convert_element_type3A_86 : vector<336x336xi32> to vector<336x336xf32>
    %dot_general3A_88 = arith.constant dense<0.000000e+00> : vector<336x1xf32>
    %dot_general3A_89 = tpu.matmul %convert_element_type3A_87, %broadcast_in_dim3A_81, %dot_general3A_88 {dimension_numbers = #tpu.dot_dimension_numbers<[1], [0], [0], [1], [0, 0, 1, 1], [], []>, transpose_lhs_hint = false} : vector<336x336xf32>, vector<336x1xf32>, vector<336x1xf32> -> vector<336x1xf32>
    %add3A_90 = vector.broadcast %dot_general3A_83 : vector<336x1xf32> to vector<336x128xf32>
    %add3A_91 = arith.addf %dot_general3A_15, %add3A_90 : vector<336x128xf32>
    %add3A_92 = vector.broadcast %dot_general3A_85 : vector<336x1xf32> to vector<336x128xf32>
    %add3A_93 = arith.addf %dot_general3A_17, %add3A_92 : vector<336x128xf32>
    %gt3A_94 = arith.constant 5.000000e-01 : f32
    %gt3A_95 = vector.broadcast %gt3A_94 : f32 to vector<336x128xf32>
    %gt3A_96 = arith.cmpf ogt, %add3A_91, %gt3A_95 : vector<336x128xf32>
    %sub3A_97 = vector.broadcast %dot_general3A_89 : vector<336x1xf32> to vector<336x128xf32>
    %sub3A_98 = arith.subf %sub3A_97, %add3A_93 : vector<336x128xf32>
    %add3A_99 = vector.broadcast %dot_general3A_89 : vector<336x1xf32> to vector<336x128xf32>
    %add3A_100 = arith.addf %add3A_99, %add3A_91 : vector<336x128xf32>
    %sub3A_101 = arith.subf %add3A_100, %add3A_93 : vector<336x128xf32>
    %div3A_102 = arith.divf %sub3A_98, %sub3A_101 : vector<336x128xf32>
    %sub3A_103 = arith.constant 1.000000e+00 : f32
    %sub3A_104 = vector.broadcast %sub3A_103 : f32 to vector<336x128xf32>
    %sub3A_105 = arith.subf %sub3A_104, %div3A_102 : vector<336x128xf32>
    %jit3A_106 = arith.constant 0.000000e+00 : f32
    %broadcast_in_dim3A_107 = vector.broadcast %jit3A_106 : f32 to vector<336x128xf32>
    %select_n3A_108 = arith.select %gt3A_96, %sub3A_105, %broadcast_in_dim3A_107 : vector<336x128xi1>, vector<336x128xf32>
    %reduce_sum3A_109 = vector.shape_cast %select_n3A_108 : vector<336x128xf32> to vector<1x336x128xf32>
    %reduce_sum3A_110 = arith.constant dense<0.000000e+00> : vector<1xf32>
    %reduce_sum3A_111 = vector.multi_reduction <add>, %reduce_sum3A_109, %reduce_sum3A_110 [1, 2] : vector<1x336x128xf32> to vector<1xf32>
    %reduce_sum3A_112 = vector.shape_cast %reduce_sum3A_111 : vector<1xf32> to vector<1x1x1xf32>
    %reduce_sum3A_113 = vector.extract %reduce_sum3A_112[0, 0, 0] : f32 from vector<1x1x1xf32>
    %div3A_114 = arith.constant 4.300800e+04 : f32
    %div3A_115 = arith.divf %reduce_sum3A_113, %div3A_114 : f32
    %sub3A_116 = arith.constant 2.44140625E-4 : f32
    %sub3A_117 = arith.subf %div3A_115, %sub3A_116 : f32
    %reshape3A = vector.broadcast %sub3A_117 : f32 to vector<1x1xf32>
    %swap3A = arith.constant 0 : index
    %swap3A_118 = arith.constant 0 : index
    %swap3A_119 = vector.load %arg2[%swap3A, %swap3A_118] : memref<1x1xf32, #tpu.memory_space<vmem>>, vector<1x1xf32>
    tpu.vector_store %arg2[%swap3A, %swap3A_118], %reshape3A {strides = array<i32>} : memref<1x1xf32, #tpu.memory_space<vmem>>, vector<1x1xf32>,
    return
  }
}

</mosaic_0001>

<sc_bundles>
// kernel: kernel.10.cloned.1.call-start
scs
__scs_entry_jumppad:
0x0: {  	(pc) =	sbr.rel $0x88, $3  }
0x1: {  	(tag) =	ssettag $0x0;
	lr =	simm.s32 $0x1  }
0x2: {  	[smem:$0x3F9F] =	sst lr;
	_ =	strace $0xD0000000  }
0x3: {  	_ = 	snop  }
0x4: {  	_ = 	snop  }
0x5: {  	_ = 	snop  }
0x6: {  	_ = 	snop  }
0x7: {  	_ = 	snop  }
__scs_overlays_trampoline_lowered:
0x8: {  	[smem:$0x3FAE] =	sst s0  }
0x9: {  	[smem:$0x3FAF] =	sst s1  }
0xa: {  	[smem:$0x3FB0] =	sst s2  }
0xb: {  	[smem:$0x3FB1] =	sst s3  }
0xc: {  	[smem:$0x3FB2] =	sst s4  }
0xd: {  	[smem:$0x3FB3] =	sst s5  }
0xe: {  	[smem:$0x3FB4] =	sst s6  }
0xf: {  	[smem:$0x3FB5] =	sst s7  }
0x10: {  	[smem:$0x3FB6] =	sst s8  }
0x11: {  	[smem:$0x3FB7] =	sst s9;
	s0 =	simm.s32 @!p0 $0x0  }
0x12: {  	s1 =	sld [smem:$0x3F9D];
	s0 =	simm.s32 @p0 $0x1  }
0x13: {  	[smem:$0x3FB8] =	sst s0;
	s0 =	simm.s32 @!p1 $0x0  }
0x14: {  	s2 =	sld [smem:$0x3F9C];
	s0 =	simm.s32 @p1 $0x1  }
0x15: {  	[smem:$0x3FB9] =	sst s0;
	s0 =	simm.s32 @!p2 $0x0  }
0x16: {  	s3 =	sld [smem:$0x3FDB];
	s0 =	simm.s32 @p2 $0x1  }
0x17: {  	s4 =	simm.s32 $0x1BF5;
	[smem:$0x3FBB] =	sst s0  }
0x18: {  	s0 =	sld [smem:$0x3F9E];
	_ =	swait.ge [sflag:s4], $0x0  }
0x19: {  	s7 =	sld [smem:$0x3F9F]  }
0x1a: {  	s8 =	sadd.s32 $0xFFFFE003, lr  }
0x1b: {  	s9 =	sadd.s32 $0xFFFFFEF7, lr;
	s5 =	simm.s32 $0xFFFFFFFF;
	p2 =	slt.u32 s8, $0xFFFFF086  }
0x1c: {  	p1 =	slt.u32 s9, $0xF7A;
	s5 =	simm.s32 @!p2 $0x0  }
0x1d: {  	s5 =	simm.s32 @p1 $0x1;
	p0 =	seq.s32 s7, s2  }
0x1e: {  	s7 =	smul.u32 @!p0 $0xF7A, s2;
	p2 =	seq.s32 @!p0 s5, $0x0  }
0x1f: {  	s9 =	smul.u32 $0xF7A, s1;
	s8 =	simm.s32 @!p0 $0x1BF5;
	p2 =	por !p2, p0  }
0x20: {  	[sflag:s8] =	ssyncset.s32 @!p0 $0xFFFFF086;
	s6 =	sadd.s32 @!p0 s3, s7;
	s7 =	simm.s32 @!p0 $0x108  }
0x21: {  	s3 =	sadd.s32 s3, s9;
	s6 =	sadd.s32 @!p0 $0x88, s6;
	s7 =	simm.s32 @p2 $0x1082  }
0x22: {  	[simem:s7], [sflag:s8] =	dma.local @!p0 [hbm:s6], $0xF7A  }
0x23: {  	s9 =	sor.u32 $0xD0000000, s2;
	s6 =	simm.s32 $0x108;
	_ =	swait.ge @!p0 [sflag:s8], $0x0  }
0x24: {  	s3 =	sadd.s32 $0x88, s3;
	s6 =	simm.s32 @!p1 $0x1082;
	[sflag:s4] =	ssyncset.s32 $0xFFFFF086  }
0x25: {  	[simem:s6], [sflag:s4] =	dma.local [hbm:s3], $0xF7A  }
0x26: {  	[smem:$0x3F9F] =	sst s1;
	(tag) =	ssettag s2;
	_ =	strace s9  }
0x27: {  	s1 =	sld [smem:$0x3FAF]  }
0x28: {  	s2 =	sld [smem:$0x3FB0]  }
0x29: {  	s4 =	sld [smem:$0x3FB2]  }
0x2a: {  	p0 =	seq.s32 s5, $0x0;
	s5 =	sld [smem:$0x3FB3]  }
0x2b: {  	s6 =	sld [smem:$0x3FB4]  }
0x2c: {  	s7 =	sld [smem:$0x3FB5]  }
0x2d: {  	s3 =	simm.s32 $0x108;
	s8 =	sld [smem:$0x3FB6]  }
0x2e: {  	s3 =	simm.s32 @!p0 $0x1082;
	s9 =	sld [smem:$0x3FB7]  }
0x2f: {  	lr =	sadd.s32 s0, s3;
	s0 =	sld [smem:$0x3FAE]  }
0x30: {  	s3 =	sld [smem:$0x3FB1]  }
0x31: {  	[smem:$0x3FBA] =	sst s10  }
0x32: {  	s10 =	sld [smem:$0x3FB8];
	_ =	sdelay $0x3  }
0x33: {  	p0 =	seq.s32 s10, $0x1;
	s10 =	sld [smem:$0x3FBA];
	_ =	sdelay $0x3  }
0x34: {  	[smem:$0x3FBA] =	sst s10  }
0x35: {  	s10 =	sld [smem:$0x3FB9];
	_ =	sdelay $0x3  }
0x36: {  	p1 =	seq.s32 s10, $0x1;
	s10 =	sld [smem:$0x3FBA];
	_ =	sdelay $0x3  }
0x37: {  	[smem:$0x3FBA] =	sst s10  }
0x38: {  	s10 =	sld [smem:$0x3FBB]  }
0x39: {  	_ = 	snop;
	(pc) =	sbr.ind lr, $3  }
0x3a: {  	_ = 	snop  }
0x3b: {  	_ = 	snop  }
0x3c: {  	p2 =	seq.s32 s10, $0x1;
	s10 =	sld [smem:$0x3FBA]  }
0x3d: {  	_ =	shalt  }
0x3e: {  	_ =	shalt  }
0x3f: {  	_ =	shalt  }
0x40: {  	_ =	shalt  }
0x41: {  	_ =	shalt  }
0x42: {  	_ =	shalt  }
0x43: {  	_ =	shalt  }
0x44: {  	_ =	shalt  }
0x45: {  	_ =	shalt  }
0x46: {  	_ =	shalt  }
0x47: {  	_ =	shalt  }
0x48: {  	_ =	shalt  }
0x49: {  	_ =	shalt  }
0x4a: {  	_ =	shalt  }
0x4b: {  	_ =	shalt  }
0x4c: {  	_ =	shalt  }
0x4d: {  	_ =	shalt  }
0x4e: {  	_ =	shalt  }
0x4f: {  	_ =	shalt  }
0x50: {  	_ =	shalt  }
0x51: {  	_ =	shalt  }
0x52: {  	_ =	shalt  }
0x53: {  	_ =	shalt  }
0x54: {  	_ =	shalt  }
0x55: {  	_ =	shalt  }
0x56: {  	_ =	shalt  }
0x57: {  	_ =	shalt  }
0x58: {  	_ =	shalt  }
0x59: {  	_ =	shalt  }
0x5a: {  	_ =	shalt  }
0x5b: {  	_ =	shalt  }
0x5c: {  	_ =	shalt  }
0x5d: {  	_ =	shalt  }
0x5e: {  	_ =	shalt  }
0x5f: {  	_ =	shalt  }
0x60: {  	_ =	shalt  }
0x61: {  	_ =	shalt  }
0x62: {  	_ =	shalt  }
0x63: {  	_ =	shalt  }
0x64: {  	_ =	shalt  }
0x65: {  	_ =	shalt  }
0x66: {  	_ =	shalt  }
0x67: {  	_ =	shalt  }
0x68: {  	_ =	shalt  }
0x69: {  	_ =	shalt  }
0x6a: {  	_ =	shalt  }
0x6b: {  	_ =	shalt  }
0x6c: {  	_ =	shalt  }
0x6d: {  	_ =	shalt  }
0x6e: {  	_ =	shalt  }
0x6f: {  	_ =	shalt  }
0x70: {  	_ =	shalt  }
0x71: {  	_ =	shalt  }
0x72: {  	_ =	shalt  }
0x73: {  	_ =	shalt  }
0x74: {  	_ =	shalt  }
0x75: {  	_ =	shalt  }
0x76: {  	_ =	shalt  }
0x77: {  	_ =	shalt  }
0x78: {  	_ =	shalt  }
0x79: {  	_ =	shalt  }
0x7a: {  	_ =	shalt  }
0x7b: {  	_ =	shalt  }
0x7c: {  	_ =	shalt  }
0x7d: {  	_ =	shalt  }
0x7e: {  	_ =	shalt  }
0x7f: {  	_ =	shalt  }
0x80: {  	_ =	shalt  }
0x81: {  	_ =	shalt  }
0x82: {  	_ =	shalt  }
0x83: {  	_ =	shalt  }
0x84: {  	_ =	shalt  }
0x85: {  	_ =	shalt  }
0x86: {  	_ =	shalt  }
0x87: {  	_ =	shalt  }
.Lfunc_end0:
.L_simem_size_0:
called_computation.1_lowered:
.L_overlay_start_0:
0x88: {  	s2 =	sld [smem:$0x3FD9]  }
0x89: {  	s3 =	sld [smem:$0x3FFE];
	_ =	sdelay $0x1  }
0x8a: {  	s1 =	srdreg.scid  }
0x8b: {  	s0 =	sand.u32 $0x1, s1  }
0x8c: {  	s16 =	sshll.u32 s0, $0xA;
	s2 =	sadd.s32 s3, s2  }
0x8d: {  	s2 =	sadd.s32 s2, s16  }
0x8e: {  	[smem:$0x3FC6] =	sst s2  }
0x8f: {  	_ = 	snop  }
0x90: {  	(tm) =	ssettm $0x1  }
0x91: {  	s17 =	sld [smem:$0x3FFB];
	_ =	sdelay $0x3  }
0x92: {  	_ =	strace s17  }
0x93: {  	s2 =	sld [smem:$0x3FFC];
	_ =	sdelay $0x3  }
0x94: {  	_ =	strace s2  }
0x95: {  	s2 =	sld [smem:$0x3FFD];
	_ =	sdelay $0x3  }
0x96: {  	_ =	strace s2  }
0x97: {  	_ =	strace $0x8FFFFFFF  }
0x98: {  	s18 =	sld [smem:$0x3FDB];
	_ =	sdelay $0x1  }
0x99: {  	s19 =	simm.s32 $_scs_section_size  }
0x9a: {  	s4 =	simm.s32 $_size__tile_overlayer_lowered;
	s5 =	simm.s32 $_tile_overlayer_lowered  }
0x9b: {  	s22 =	simm.s32 $0x1BFF;
	s21 =	sshll.u32 s5, $0x1;
	s2 =	sadd.s32 s19, s18  }
0x9c: {  	s6 =	simm.s32 $0x0;
	s20 =	sshll.u32 s4, $0x1;
	s4 =	sadd.s32 s21, s2  }
0x9d: {  	[timem:s6], [sflag:s22] =	dma.local [hbm:s4], s20  }
0x9e: {  	_ =	swait.ge [sflag:s22], s20  }
0x9f: {  	s3 =	ssub.s32 $0x0, s20;
	[sflag:s22] =	ssyncset.done $0x0  }
0xa0: {  	[sflag:s22] =	ssyncadd.s32 s3;
	_ =	sdelay $0x1  }
0xa1: {  	s23 =	simm.s32 $0x1B8B  }
0xa2: {  	_ =	swait.ge [sflag:s23], $0x1  }
0xa3: {  	[sflag:s23] =	ssyncset.done $0x0  }
0xa4: {  	s25 =	simm.s32 $0x1B8E;
	s24 =	sld [smem:$0x3FFE];
	[sflag:s23] =	ssyncadd.s32 $0xFFFFFFFF  }
0xa5: {  	s26 =	simm.s32 $execute0_lowered;
	[smem:$0x3FD2] =	sst s25  }
0xa6: {  	s4 =	sshll.u32 s26, $0x1;
	_ =	strace $0x80000046;
	[dreg:$0x1] =	wrdreg $0xFFFFFFFF  }
0xa7: {  	s28 =	simm.s32 $_size_execute0_lowered;
	s2 =	sadd.s32 s2, s4;
	[dreg:$0x0] =	wrdreg $0x0  }
0xa8: {  	s4 =	sshll.u32 s28, $0x1;
	[dreg:$0x2] =	wrdreg s2  }
0xa9: {  	[dreg:$0x3] =	wrdreg s4  }
0xaa: {  	[dreg:$0x4] =	wrdreg $0xC0  }
0xab: {  	_ =	task [dreg:s6], $0x5FFFF  }
0xac: {  	[dreg:$0x1] =	wrdreg $0xFFFFFFFF  }
0xad: {  	[dreg:$0x0] =	wrdreg $0x60  }
0xae: {  	[dreg:$0x2] =	wrdreg s24  }
0xaf: {  	[dreg:$0x3] =	wrdreg $0xA  }
0xb0: {  	_ =	task.clear_ibuf [dreg:s6], $0x4FFFF;
	_ =	strace $0x90000046  }
0xb1: {  	s29 =	simm.s32 $0xA;
	_ =	strace $0x80000048  }
0xb2: {  	_ =	swait.ge [sflag:s29], $0x1  }
0xb3: {  	[sflag:s29] =	ssyncadd.s32 $0xFFFFFFFF  }
0xb4: {  	_ =	strace $0x90000048  }
0xb5: {  	_ =	sfence  }
0xb6: {  	s30 =	sld [smem:$0x0];
	_ =	sdelay $0x2  }
0xb7: {  	s31 =	sshll.u32 s1, $0xD;
	s1 =	sshrl.u32 s1, $0x2  }
0xb8: {  	s3 =	sand.u32 $0x4000, s31;
	s1 =	sadd.s32 s1, s30  }
0xb9: {  	s0 =	sor.u32 s3, s0;
	s1 =	sshll.u32 s1, $0x11  }
0xba: {  	s0 =	sor.u32 s1, s0  }
0xbb: {  	s0 =	sadd.s32 $0x8F2B, s0  }
0xbc: {  	[sflag:s0] =	ssyncadd.remote.s32 $0x1  }
0xbd: {  	_ =	sfence.sel $0xFFFF  }
0xbe: {  	[dreg:$0x0] =	wrdreg $0xFFFFFFFF;
	(pc) =	sbr.abs _section_cstart, $3  }
0xbf: {  	[dreg:$0x1] =	wrdreg $0xFFFFFFFF  }
0xc0: {  	_ =	task.clear_ibuf [dreg:s6], $0x2FFFF;
	_ =	strace $0x9FFFFFFF  }
0xc1: {  	(tm) =	ssettm $0x7FFFFFFF  }
tec
execute0_lowered:
.L_overlay_start_1:
0x0: {  	(tag) =	ssettag $0x1  }
0x1: {  	s0 =	rddreg [dreg:$0x0]  }
0x2: {  	s1 =	simm.s32 $0x0;
	s29 =	srdreg.scid;
	s6 =	stileid.u32  }
0x3: {  	s19 =	simm.s32 $0x200;
	s20 =	simm.s32 $0x800;
	s28 =	simm.s32 $0x4000  }
0x4: {  	s30 =	simm.s32 $0x3000;
	s31 =	simm.s32 $0x3;
	[smem:$0x7FF] =	sst s1  }
0x5: {  	s1 =	sand.u32 $0x1, s29;
	s2 =	sshll.u32 s6, $0x1;
	s3 =	sadd.s32 $0x1600, s0  }
0x6: {  	s4 =	sadd.s32 $0xC1600, s0;
	s6 =	sshll.u32 s6, $0xF;
	_ =	strace $0x80000047  }
0x7: {  	s2 =	sor.u32 s1, s2;
	s1 =	ssub.s32 $0x2, s1;
	s6 =	sand.u32 $0x60000, s6  }
0x8: {  	s5 =	smul.u32 $0x2A00, s2;
	s7 =	sshll.u32 s2, $0xE;
	s8 =	sshrl.u32 s1, $0x1  }
0x9: {  	s9 =	smul.u32 $0x6000, s2;
	s7 =	sand.u32 $0x1C000, s7;
	s1 =	ssub.s32 s1, s8  }
0xa: {  	s10 =	sor.u32 s6, s7;
	s0 =	sadd.s32 s5, s0;
	s5 =	smul.u32 $0x3, s2  }
0xb: {  	s6 =	sadd.s32 s3, s9;
	s12 =	smax.u32 s1, $0x1;
	s7 =	sshrl.u32 s10, $0x3  }
0xc: {  	s8 =	sadd.s32 $0x200, s6;
	s10 =	sor.u32 $0x2000, s10;
	s11 =	sadd.s32 $0xD1600, s0  }
0xd: {  	s13 =	sadd.s32 $0x40, s6;
	s14 =	sadd.s32 $0x80, s6;
	s15 =	sadd.s32 $0xC0, s6  }
0xe: {  	s16 =	sadd.s32 $0x240, s6;
	s17 =	sadd.s32 $0x280, s6;
	s7 =	sadd.s32 s4, s7  }
0xf: {  	v0 =	vimm.s32 $0x0;
	s18 =	sadd.s32 $0x2C0, s6;
	s0 =	simm.s32 $0x0;
	s9 =	sadd.s32 $0x200, s7  }
.LBB2_1:
0x10: {  	s1 =	simm.s32 $0x4040  }
0x11: {  	[tilespmem:s1+$0xFFFFFFC0] =	vst v0  }
0x12: {  	[tilespmem:s1+$0x30] =	vst v0  }
0x13: {  	[tilespmem:s1+$0x20] =	vst v0  }
0x14: {  	[tilespmem:s1+$0x10] =	vst v0  }
0x15: {  	[tilespmem:s1+$0x0] =	vst v0  }
0x16: {  	[tilespmem:s1+$0xFFFFFFF0] =	vst v0  }
0x17: {  	s2 =	simm.s32 $0x0;
	[tilespmem:s1+$0xFFFFFFE0] =	vst v0  }
.LBB2_2:
0x18: {  	s2 =	sadd.s32 $0x8, s2;
	[tilespmem:s1+$0xFFFFFFD0] =	vst v0;
	s1 =	sadd.s32 $0x80, s1  }
0x19: {  	[tilespmem:s1+$0xFFFFFFC0] =	vst v0;
	p0 =	slt.u32 s2, $0x1538  }
0x1a: {  	[tilespmem:s1+$0x30] =	vst v0  }
.Ltmp0:
0x1b: {  	[tilespmem:s1+$0x20] =	vst v0;
	(pc) =	sbr.rel @p0 .LBB2_2-.Ltmp0, $4  }
0x1c: {  	[tilespmem:s1+$0x10] =	vst v0  }
0x1d: {  	[tilespmem:s1+$0x0] =	vst v0  }
0x1e: {  	[tilespmem:s1+$0xFFFFFFF0] =	vst v0  }
0x1f: {  	[tilespmem:s1+$0xFFFFFFE0] =	vst v0  }
0x20: {  	[tilespmem:s1+$0xFFFFFFD0] =	vst v0;
	s1 =	simm.s32 $0x0  }
0x21: {  	[tilespmem:s1], [sflag:$0x1] =	stream.strided.gather [hbm4b:s6+s19], $0x400, s20, s19, $0x38;
	[tilespmem:$0x19400] =	vst v63  }
0x22: {  	s2 =	simm.s32 $0x400  }
0x23: {  	[tilespmem:s2], [sflag:$0x1] =	stream.strided.gather [hbm4b:s13+s19], $0x400, s20, s19, $0x38;
	[tilespmem:$0x19400] =	vst v63  }
0x24: {  	_ = 	snop  }
0x25: {  	[tilespmem:s20], [sflag:$0x1] =	stream.strided.gather [hbm4b:s14+s19], $0x400, s20, s19, $0x38;
	[tilespmem:$0x19400] =	vst v63  }
0x26: {  	s23 =	simm.s32 $0xC00  }
0x27: {  	[tilespmem:s23], [sflag:$0x1] =	stream.strided.gather [hbm4b:s15+s19], $0x400, s20, s19, $0x38;
	[tilespmem:$0x19400] =	vst v63  }
0x28: {  	s24 =	simm.s32 $0x1000  }
0x29: {  	[tilespmem:s24], [sflag:$0x2] =	stream.strided.gather [hbm4b:s8+s19], $0x400, s20, s19, $0x38;
	[tilespmem:$0x19400] =	vst v63  }
0x2a: {  	s25 =	simm.s32 $0x1400  }
0x2b: {  	[tilespmem:s25], [sflag:$0x2] =	stream.strided.gather [hbm4b:s16+s19], $0x400, s20, s19, $0x38;
	[tilespmem:$0x19400] =	vst v63  }
0x2c: {  	s26 =	simm.s32 $0x1800  }
0x2d: {  	[tilespmem:s26], [sflag:$0x2] =	stream.strided.gather [hbm4b:s17+s19], $0x400, s20, s19, $0x38;
	[tilespmem:$0x19400] =	vst v63  }
0x2e: {  	s29 =	simm.s32 $0x1C00;
	s2 =	simm.s32 $0x0  }
0x2f: {  	[tilespmem:s29], [sflag:$0x2] =	stream.strided.gather [hbm4b:s18+s19], $0x400, s20, s19, $0x38;
	[tilespmem:$0x19400] =	vst v63  }
.LBB2_4:
0x30: {  	s22 =	sand.u32 $0x1, s2  }
0x31: {  	s23 =	sshrl.u32 s2, $0x4;
	s24 =	sand.u32 $0x1000, s1;
	s25 =	simm.s32 $0x0  }
0x32: {  	s21 =	sadd.s32 $0x1, s22;
	s22 =	sshll.u32 s22, $0xC;
	s23 =	sadd.s32 s5, s23  }
0x33: {  	s24 =	sshrl.u32 s24, $0x1;
	s25 =	sand.u32 $0x380, s25;
	_ =	swait.ge [sflag:s21], $0x1000  }
0x34: {  	s26 =	smulhi.u32 $0xAAAAAAB, s23;
	s24 =	sadd.s32 s24, s22;
	[sflag:s21] =	ssyncset.done $0x0  }
0x35: {  	s24 =	sadd.s32 s25, s24;
	[sflag:s21] =	ssyncadd.s32 $0xFFFFF000  }
0x36: {  	s29 =	smul.u32 $0x18, s26;
	v6 =	vld [tilespmem:s24+$0x20]  }
0x37: {  	v3 =	vld [tilespmem:s24+$0x40]  }
0x38: {  	v8 =	vld [tilespmem:s24+$0x400];
	s23 =	ssub.s32 s23, s29  }
0x39: {  	p0 =	slt.u32 s23, $0x15;
	s23 =	sshll.u32 s23, $0xB  }
0x3a: {  	s23 =	simm.s32 @!p0 $0x15000  }
0x3b: {  	v10 =	vld [tilespmem:s24+$0x60];
	v1 =	vmov s23;
	v2 =	vand.u32 $0xFFFF, v6  }
0x3c: {  	v11 =	vld [tilespmem:s24+$0x0];
	v4 =	vand.u32 $0xFFFF, v3;
	v7 =	vadd.s32 v1, v2  }
0x3d: {  	v12 =	vld [tilespmem:s24+$0x440];
	v4 =	vadd.s32 v1, v4;
	v2 =	vand.u32 $0xFFFF, v8;
	(xrf1) =	vunique.msk.u32 $0xffff, v7  }
0x3e: {  	v13 =	vld [tilespmem:s24+$0x420];
	v5 =	vshrl.u32 v3, $0x10;
	v9 =	vadd.s32 v1, v2;
	(xrf1) =	vunique.msk.u32 $0xffff, v4  }
0x3f: {  	v14 =	vadd.s32 v1, v5;
	v2 =	vshrl.u32 v8, $0x10;
	(xrf1) =	vunique.msk.u32 $0xffff, v9  }
0x40: {  	v5 =	vshrl.u32 v10, $0x10;
	v18 =	vadd.s32 v1, v2;
	(xrf1) =	vunique.msk.u32 $0xffff, v14  }
0x41: {  	v2 =	vadd.s32 v1, v5;
	v5 =	vand.u32 $0xFFFF, v11;
	(xrf1) =	vunique.msk.u32 $0xffff, v18  }
0x42: {  	v15 =	vand.u32 $0xFFFF, v12;
	v5 =	vadd.s32 v1, v5;
	(xrf1) =	vunique.msk.u32 $0xffff, v2  }
0x43: {  	v16 =	vand.u32 $0xFFFF, v13;
	v15 =	vadd.s32 v1, v15;
	(xrf1) =	vunique.msk.u32 $0xffff, v5  }
0x44: {  	v19 =	vshrl.u32 v13, $0x10;
	v16 =	vadd.s32 v1, v16;
	(xrf1) =	vunique.msk.u32 $0xffff, v15  }
0x45: {  	v17 =	vld [tilespmem:s24+$0x460];
	v20 =	vand.u32 $0xFFFF, v10;
	v25 =	vadd.s32 v1, v19;
	(xrf1) =	vunique.msk.u32 $0xffff, v16  }
0x46: {  	s26 =	simm.s32 $0x1000;
	v19 =	vadd.s32 v1, v20;
	(xrf1) =	vunique.msk.u32 $0xffff, v25  }
0x47: {  	s23 =	sand.u32 $0x1000, s26;
	v21 =	vshrl.u32 v11, $0x10;
	v3 =	vand.u32 $0x7F, v3;
	(xrf1) =	vunique.msk.u32 $0xffff, v19  }
0x48: {  	s29 =	simm.s32 $0x20;
	s23 =	sshrl.u32 s23, $0x1;
	v29 =	vand.u32 $0x7F, v6;
	v30 =	vand.u32 $0x7F, v10;
	v27 =	vadd.s32 v1, v21  }
0x49: {  	s24 =	sand.u32 $0x380, s29;
	s23 =	sadd.s32 s23, s22;
	v22 =	vand.u32 $0x3FF80, v4;
	v20 =	vand.u32 $0x3FF80, v9;
	v4 =	vshrl.u32 v12, $0x10  }
0x4a: {  	s23 =	sadd.s32 s24, s23;
	v22 =	vor.u32 v3, v22;
	v23 =	vand.u32 $0x3FF80, v5;
	v5 =	vand.u32 $0xFFFF, v17  }
0x4b: {  	v3 =	vand.u32 $0x7F, v8;
	v10 =	vld [tilespmem:s23+$0x400];
	v24 =	vadd.s32 v1, v5;
	v5 =	vshrl.u32 v17, $0x10;
	(xrf1) =	vunique.msk.u32 $0xffff, v27;
	_, v34, vm1 =	vpop (xrf1)  }
0x4c: {  	v20 =	vor.u32 v3, v20;
	v3 =	vld [tilespmem:s23+$0x20];
	v15 =	vand.u32 $0x3FF80, v15;
	v5 =	vadd.s32 v1, v5;
	(xrf1) =	vunique.msk.u32 $0xffff, v24;
	_, v28, vm2 =	vpop (xrf1)  }
0x4d: {  	v11 =	vand.u32 $0x7F, v11;
	v9 =	vshrl.u32 v6, $0x10;
	v4 =	vadd.s32 v1, v4;
	v6 =	vld [tilespmem:s23+$0x440];
	(xrf1) =	vunique.msk.u32 $0xffff, v5;
	_, v8, vm5 =	vpop (xrf1)  }
0x4e: {  	v26 =	vand.u32 $0x3FF80, v24;
	v24 =	vand.u32 $0x3FF80, v7;
	v7 =	vadd.s32 v1, v9;
	v9 =	vld [tilespmem:s23+$0x40];
	(xrf1) =	vunique.msk.u32 $0xffff, v4;
	_, v31, vm6 =	vpop (xrf1)  }
0x4f: {  	v21 =	vand.u32 $0x3FF80, v16;
	v12 =	vand.u32 $0x7F, v12;
	v33 =	vor.u32 v11, v23;
	v16 =	vld [tilespmem:s23+$0x60];
	(xrf1) =	vunique.msk.u32 $0xffff, v7;
	_, v32, vm3 =	vpop (xrf1)  }
0x50: {  	v11 =	vld [tilespmem:s23+$0x0];
	v35 =	vor.u32 v12, v15;
	v19 =	vand.u32 $0x3FF80, v19;
	v36 =	vor.u32 v29, v24;
	_, v15, vm0 =	vpop (xrf1)  }
0x51: {  	v13 =	vand.u32 $0x7F, v13;
	v30 =	vor.u32 v30, v19;
	v19 =	vld [tilespmem:s23+$0x420];
	_, v29, vm4 =	vpop (xrf1)  }
0x52: {  	v17 =	vand.u32 $0x7F, v17;
	v12 =	vor.u32 v13, v21;
	[tilespmem:v22+s28+$0x0] =	vst.idx.add.s32.msk vm2, v28;
	_, v37, vm2 =	vpop (xrf1)  }
0x53: {  	v21 =	vor.u32 v17, v26;
	v17 =	vand.u32 $0xFFFF, v3;
	v13 =	vand.u32 $0xFFFF, v9;
	[tilespmem:v20+s28+$0x0] =	vst.idx.add.s32.msk vm5, v8;
	_, v28, vm5 =	vpop (xrf1)  }
0x54: {  	v17 =	vadd.s32 v1, v17;
	v26 =	vadd.s32 v1, v13;
	v13 =	vshrl.u32 v16, $0x10;
	[tilespmem:v14+s28+$0x0] =	vst.idx.add.s32.msk vm6, v31;
	_, v31, vm6 =	vpop (xrf1)  }
0x55: {  	v23 =	vshrl.u32 v9, $0x10;
	[tilespmem:v36+s28+$0x0] =	vst.idx.add.s32.msk vm1, v34;
	v8 =	vadd.s32 v1, v13;
	v13 =	vand.u32 $0xFFFF, v10;
	_, v39, vm7 =	vpop (xrf1)  }
0x56: {  	v20 =	vshrl.u32 v10, $0x10;
	v14 =	vand.u32 $0xFFFF, v16;
	v38 =	vadd.s32 v1, v13;
	[tilespmem:v18+s28+$0x0] =	vst.idx.add.s32.msk vm3, v32  }
0x57: {  	(xrf1) =	vunique.msk.u32 $0xffff, v17;
	v13 =	vadd.s32 v1, v23;
	v23 =	vadd.s32 v1, v14;
	v14 =	vadd.s32 v1, v20;
	v20 =	vld [tilespmem:s23+$0x460]  }
0x58: {  	(xrf1) =	vunique.msk.u32 $0xffff, v26;
	[tilespmem:v33+s28+$0x0] =	vst.idx.add.s32.msk vm4, v29  }
0x59: {  	_, v60, vm8 =	vpop (xrf1);
	(xrf1) =	vunique.msk.u32 $0xffff, v38;
	[tilespmem:v12+s28+$0x0] =	vst.idx.add.s32.msk vm5, v28  }
0x5a: {  	v24 =	vshrl.u32 v3, $0x10;
	(xrf1) =	vunique.msk.u32 $0xffff, v13;
	[tilespmem:v25+s28+$0x0] =	vst.idx.add.s32.msk vm6, v31;
	_, v31, vm4 =	vpop (xrf1)  }
0x5b: {  	v62 =	vshrl.u32 v19, $0x10;
	v18 =	vand.u32 $0xFFFF, v11;
	(xrf1) =	vunique.msk.u32 $0xffff, v14;
	[tilespmem:v30+s28+$0x0] =	vst.idx.add.s32.msk vm7, v39;
	_, v30, vm3 =	vpop (xrf1)  }
0x5c: {  	v61 =	vadd.s32 v1, v18;
	v18 =	vand.u32 $0xFFFF, v6;
	[tilespmem:v35+s28+$0x0] =	vst.idx.add.s32.msk vm2, v37;
	(xrf1) =	vunique.msk.u32 $0xffff, v8;
	_, v29, vm2 =	vpop (xrf1)  }
0x5d: {  	v22 =	vand.u32 $0x3FF80, v38;
	v28 =	vadd.s32 v1, v18;
	v18 =	vand.u32 $0xFFFF, v19;
	(xrf1) =	vunique.msk.u32 $0xffff, v61;
	_, v32, vm5 =	vpop (xrf1)  }
0x5e: {  	v26 =	vand.u32 $0x3FF80, v26;
	v12 =	vshrl.u32 v11, $0x10;
	v63 =	vadd.s32 v1, v18;
	(xrf1) =	vunique.msk.u32 $0xffff, v28  }
0x5f: {  	v33 =	vshrl.u32 v6, $0x10;
	v12 =	vadd.s32 v1, v12;
	v18 =	vadd.s32 v1, v62;
	(xrf1) =	vunique.msk.u32 $0xffff, v63  }
0x60: {  	s24 =	simm.s32 $0x2000;
	s23 =	simm.s32 $0x8;
	v25 =	vand.u32 $0x3FF80, v63;
	[tilespmem:v27+s28+$0x0] =	vst.idx.add.s32.msk vm8, v60;
	v27 =	vand.u32 $0x3FF80, v61;
	(xrf1) =	vunique.msk.u32 $0xffff, v18  }
.LBB2_5:
0x61: {  	s23 =	sadd.s32 $0x8, s23;
	s25 =	sand.u32 $0x1000, s24;
	v28 =	vand.u32 $0x3FF80, v28;
	v34 =	vand.u32 $0xFFFF, v20;
	(xrf1) =	vunique.msk.u32 $0xffff, v23;
	[tilespmem:v21+s28+$0x0] =	vst.idx.add.s32.msk vm4, v31  }
0x62: {  	v31 =	vshrl.u32 v20, $0x10;
	s25 =	sshrl.u32 s25, $0x1;
	s26 =	sshll.u32 s23, $0x2;
	p0 =	slt.u32 s23, $0xF8;
	v21 =	vadd.s32 v1, v34;
	(xrf1) =	vunique.msk.u32 $0xffff, v12;
	[tilespmem:v5+s28+$0x0] =	vst.idx.add.s32.msk vm3, v30  }
0x63: {  	v30 =	vadd.s32 v1, v33;
	v5 =	vadd.s32 v1, v31;
	s25 =	sadd.s32 s25, s22;
	s26 =	sand.u32 $0x380, s26;
	(xrf1) =	vunique.msk.u32 $0xffff, v21;
	[tilespmem:v7+s28+$0x0] =	vst.idx.add.s32.msk vm5, v32  }
0x64: {  	v7 =	vand.u32 $0x7F, v9;
	v21 =	vand.u32 $0x3FF80, v21;
	s25 =	sadd.s32 s26, s25;
	(xrf1) =	vunique.msk.u32 $0xffff, v5;
	[tilespmem:v4+s28+$0x0] =	vst.idx.add.s32.msk vm2, v29;
	v4 =	vmovc v30  }
0x65: {  	v23 =	vand.u32 $0x3FF80, v23;
	v26 =	vor.u32 v7, v26;
	_, v34, vm1 =	vpop (xrf1);
	(xrf1) =	vunique.msk.u32 $0xffff, v4;
	[tilespmem:v2+s28+$0x0] =	vst.idx.add.s32.msk vm0, v15  }
0x66: {  	v17 =	vand.u32 $0x3FF80, v17;
	v10 =	vand.u32 $0x7F, v10;
	v7 =	vadd.s32 v1, v24;
	v32 =	vld [tilespmem:s25+$0x60];
	_, v24, vm6 =	vpop (xrf1)  }
0x67: {  	v22 =	vor.u32 v10, v22;
	v2 =	vmov v8;
	v9 =	vld [tilespmem:s25+$0x40];
	(xrf1) =	vunique.msk.u32 $0xffff, v7;
	_, v29, vm5 =	vpop (xrf1)  }
0x68: {  	v16 =	vand.u32 $0x7F, v16;
	v8 =	vand.u32 $0x7F, v3;
	v3 =	vld [tilespmem:s25+$0x20];
	_, v30, vm4 =	vpop (xrf1)  }
0x69: {  	v11 =	vand.u32 $0x7F, v11;
	v35 =	vand.u32 $0x7F, v6;
	v20 =	vand.u32 $0x7F, v20;
	v10 =	vld [tilespmem:s25+$0x400];
	_, v31, vm3 =	vpop (xrf1)  }
0x6a: {  	v19 =	vand.u32 $0x7F, v19;
	v27 =	vor.u32 v11, v27;
	v33 =	vor.u32 v35, v28;
	v6 =	vld [tilespmem:s25+$0x440];
	_, v15, vm0 =	vpop (xrf1)  }
0x6b: {  	v25 =	vor.u32 v19, v25;
	v21 =	vor.u32 v20, v21;
	v35 =	vor.u32 v8, v17;
	v11 =	vld [tilespmem:s25+$0x0];
	_, v28, vm2 =	vpop (xrf1)  }
0x6c: {  	v36 =	vor.u32 v16, v23;
	v8 =	vand.u32 $0xFFFF, v9;
	v20 =	vshrl.u32 v9, $0x10;
	[tilespmem:v26+s28+$0x0] =	vst.idx.add.s32.msk vm6, v24;
	_, v37, vm6 =	vpop (xrf1)  }
0x6d: {  	v16 =	vand.u32 $0xFFFF, v3;
	v26 =	vadd.s32 v1, v8;
	v8 =	vshrl.u32 v32, $0x10;
	[tilespmem:v22+s28+$0x0] =	vst.idx.add.s32.msk vm5, v29;
	_, v29, vm5 =	vpop (xrf1)  }
0x6e: {  	v17 =	vadd.s32 v1, v16;
	v8 =	vadd.s32 v1, v8;
	v16 =	vand.u32 $0xFFFF, v10;
	[tilespmem:v13+s28+$0x0] =	vst.idx.add.s32.msk vm4, v30;
	_, v38, vm8 =	vpop (xrf1)  }
0x6f: {  	v23 =	vand.u32 $0xFFFF, v32;
	v41 =	vshrl.u32 v10, $0x10;
	v16 =	vadd.s32 v1, v16;
	v19 =	vld [tilespmem:s25+$0x420];
	(xrf1) =	vunique.msk.u32 $0xffff, v17;
	_, v39, vm9 =	vpop (xrf1)  }
0x70: {  	v13 =	vadd.s32 v1, v20;
	v22 =	vand.u32 $0x3FF80, v16;
	(xrf1) =	vunique.msk.u32 $0xffff, v26;
	[tilespmem:v14+s28+$0x0] =	vst.idx.add.s32.msk vm3, v31;
	_, v40, vm7 =	vpop (xrf1)  }
0x71: {  	v23 =	vadd.s32 v1, v23;
	v24 =	vshrl.u32 v3, $0x10;
	v14 =	vadd.s32 v1, v41;
	v20 =	vld [tilespmem:s25+$0x460];
	(xrf1) =	vunique.msk.u32 $0xffff, v16;
	_, v31, vm4 =	vpop (xrf1)  }
0x72: {  	v42 =	vand.u32 $0xFFFF, v11;
	v26 =	vand.u32 $0x3FF80, v26;
	(xrf1) =	vunique.msk.u32 $0xffff, v13;
	[tilespmem:v27+s28+$0x0] =	vst.idx.add.s32.msk vm2, v28;
	_, v30, vm3 =	vpop (xrf1)  }
0x73: {  	v41 =	vand.u32 $0xFFFF, v6;
	v27 =	vadd.s32 v1, v42;
	(xrf1) =	vunique.msk.u32 $0xffff, v14;
	[tilespmem:v25+s28+$0x0] =	vst.idx.add.s32.msk vm5, v29;
	_, v29, vm2 =	vpop (xrf1)  }
.Ltmp1:
0x74: {  	v28 =	vadd.s32 v1, v41;
	v16 =	vmovc v32;
	v25 =	vshrl.u32 v11, $0x10;
	(xrf1) =	vunique.msk.u32 $0xffff, v8;
	[tilespmem:v18+s28+$0x0] =	vst.idx.add.s32.msk vm8, v38;
	(pc) =	sbr.rel @p0 .LBB2_5-.Ltmp1, $4  }
0x75: {  	v18 =	vand.u32 $0xFFFF, v19;
	v38 =	vshrl.u32 v19, $0x10;
	(xrf1) =	vunique.msk.u32 $0xffff, v27;
	[tilespmem:v36+s28+$0x0] =	vst.idx.add.s32.msk vm9, v39;
	_, v32, vm5 =	vpop (xrf1)  }
0x76: {  	v36 =	vadd.s32 v1, v25;
	v39 =	vadd.s32 v1, v18;
	(xrf1) =	vunique.msk.u32 $0xffff, v28;
	[tilespmem:v33+s28+$0x0] =	vst.idx.add.s32.msk vm6, v37  }
0x77: {  	v18 =	vadd.s32 v1, v38;
	v25 =	vand.u32 $0x3FF80, v39;
	(xrf1) =	vunique.msk.u32 $0xffff, v39;
	[tilespmem:v12+s28+$0x0] =	vst.idx.add.s32.msk vm7, v40;
	v12 =	vmovc v36  }
0x78: {  	s24 =	sadd.s32 $0x1000, s24;
	v27 =	vand.u32 $0x3FF80, v27;
	v33 =	vshrl.u32 v6, $0x10;
	(xrf1) =	vunique.msk.u32 $0xffff, v18;
	[tilespmem:v35+s28+$0x0] =	vst.idx.add.s32.msk vm1, v34  }
0x79: {  	(xrf1) =	vunique.msk.u32 $0xffff, v23  }
0x7a: {  	v34 =	vand.u32 $0xFFFF, v20;
	(xrf1) =	vunique.msk.u32 $0xffff, v12  }
0x7b: {  	v35 =	vshrl.u32 v20, $0x10;
	v34 =	vadd.s32 v1, v34  }
0x7c: {  	v35 =	vadd.s32 v1, v35;
	(xrf1) =	vunique.msk.u32 $0xffff, v34  }
0x7d: {  	v33 =	vadd.s32 v1, v33;
	(xrf1) =	vunique.msk.u32 $0xffff, v35;
	_, v36, vm1 =	vpop (xrf1)  }
0x7e: {  	v59 =	vand.u32 $0x3FF80, v17;
	v3 =	vand.u32 $0x7F, v3;
	v1 =	vadd.s32 v1, v24;
	(xrf1) =	vunique.msk.u32 $0xffff, v33;
	_, v50, vm6 =	vpop (xrf1)  }
0x7f: {  	v9 =	vand.u32 $0x7F, v9;
	[tilespmem:v21+s28+$0x0] =	vst.idx.add.s32.msk vm4, v31;
	v3 =	vor.u32 v3, v59;
	(xrf1) =	vunique.msk.u32 $0xffff, v1;
	_, v37, vm7 =	vpop (xrf1)  }
0x80: {  	v10 =	vand.u32 $0x7F, v10;
	[tilespmem:v7+s28+$0x0] =	vst.idx.add.s32.msk vm5, v32;
	v9 =	vor.u32 v9, v26;
	_, v38, vm8 =	vpop (xrf1)  }
0x81: {  	[tilespmem:v4+s28+$0x0] =	vst.idx.add.s32.msk vm2, v29;
	v51 =	vor.u32 v10, v22;
	_, v21, vm4 =	vpop (xrf1)  }
0x82: {  	[tilespmem:v5+s28+$0x0] =	vst.idx.add.s32.msk vm3, v30;
	_, v52, vm3 =	vpop (xrf1)  }
0x83: {  	v53 =	vand.u32 $0x7F, v11;
	[tilespmem:v2+s28+$0x0] =	vst.idx.add.s32.msk vm0, v15;
	_, v7, vm5 =	vpop (xrf1)  }
0x84: {  	v57 =	vand.u32 $0x3FF80, v28;
	v6 =	vand.u32 $0x7F, v6;
	v2 =	vor.u32 v53, v27;
	[tilespmem:v3+s28+$0x0] =	vst.idx.add.s32.msk vm1, v36;
	_, v54, vm2 =	vpop (xrf1)  }
0x85: {  	v55 =	vand.u32 $0x7F, v19;
	v6 =	vor.u32 v6, v57;
	[tilespmem:v9+s28+$0x0] =	vst.idx.add.s32.msk vm6, v50;
	_, v15, vm0 =	vpop (xrf1)  }
0x86: {  	v4 =	vor.u32 v55, v25;
	[tilespmem:v51+s28+$0x0] =	vst.idx.add.s32.msk vm7, v37;
	_, v9, vm6 =	vpop (xrf1)  }
0x87: {  	v56 =	vand.u32 $0x3FF80, v23;
	v16 =	vand.u32 $0x7F, v16;
	[tilespmem:v13+s28+$0x0] =	vst.idx.add.s32.msk vm8, v38;
	_, v5, vm7 =	vpop (xrf1)  }
0x88: {  	v16 =	vor.u32 v16, v56;
	[tilespmem:v14+s28+$0x0] =	vst.idx.add.s32.msk vm4, v21;
	_, v58, vm12 =	vpop (xrf1)  }
0x89: {  	[tilespmem:v2+s28+$0x0] =	vst.idx.add.s32.msk vm5, v7  }
0x8a: {  	v61 =	vand.u32 $0x7F, v20;
	_, v60, vm13 =	vpop (xrf1);
	v2 =	vand.u32 $0x3FF80, v34;
	[tilespmem:v6+s28+$0x0] =	vst.idx.add.s32.msk vm2, v54  }
0x8b: {  	_, v62, vm14 =	vpop (xrf1);
	v2 =	vor.u32 v61, v2;
	[tilespmem:v4+s28+$0x0] =	vst.idx.add.s32.msk vm0, v15  }
0x8c: {  	_, v4, vm0 =	vpop (xrf1);
	[tilespmem:v18+s28+$0x0] =	vst.idx.add.s32.msk vm6, v9  }
0x8d: {  	_, v63, vm15 =	vpop (xrf1);
	[tilespmem:v16+s28+$0x0] =	vst.idx.add.s32.msk vm7, v5  }
0x8e: {  	p0 =	sgt.u32 s2, $0x2D;
	[tilespmem:v12+s28+$0x0] =	vst.idx.add.s32.msk vm12, v58  }
0x8f: {  	s23 =	sadd.s32 @!p0 $0x2, s2;
	[tilespmem:v8+s28+$0x0] =	vst.idx.add.s32.msk vm3, v52  }
0x90: {  	s24 =	sshrl.u32 @!p0 s23, $0x4;
	s23 =	sshll.u32 @!p0 s23, $0x9;
	[tilespmem:v2+s28+$0x0] =	vst.idx.add.s32.msk vm13, v60  }
0x91: {  	s24 =	sadd.s32 @!p0 s5, s24;
	s23 =	sand.u32 @!p0 $0x1E00, s23;
	[tilespmem:v35+s28+$0x0] =	vst.idx.add.s32.msk vm14, v62  }
0x92: {  	s24 =	sshll.u32 @!p0 s24, $0xD;
	s23 =	sadd.s32 @!p0 s3, s23;
	[tilespmem:v33+s28+$0x0] =	vst.idx.add.s32.msk vm0, v4  }
0x93: {  	s25 =	simm.s32 @!p0 $0x800;
	s23 =	sadd.s32 @!p0 s24, s23;
	s24 =	simm.s32 @!p0 $0x200;
	[tilespmem:v1+s28+$0x0] =	vst.idx.add.s32.msk vm15, v63  }
0x94: {  	[tilespmem:s22], [sflag:s21] =	stream.strided.gather @!p0 [hbm4b:s23+s24], $0x400, s25, s24, $0x38;
	[tilespmem:$0x19400] =	vst v63  }
0x95: {  	s29 =	sadd.s32 @!p0 $0x400, s22;
	s26 =	sadd.s32 @!p0 $0x40, s23  }
0x96: {  	[tilespmem:s29], [sflag:s21] =	stream.strided.gather @!p0 [hbm4b:s26+s24], $0x400, s25, s24, $0x38;
	[tilespmem:$0x19400] =	vst v63  }
0x97: {  	s26 =	sadd.s32 @!p0 $0x80, s23;
	s29 =	sadd.s32 @!p0 $0x800, s22  }
0x98: {  	[tilespmem:s29], [sflag:s21] =	stream.strided.gather @!p0 [hbm4b:s26+s24], $0x400, s25, s24, $0x38;
	[tilespmem:$0x19400] =	vst v63  }
0x99: {  	s2 =	sadd.s32 $0x1, s2;
	s23 =	sadd.s32 @!p0 $0xC0, s23;
	s22 =	sadd.s32 @!p0 $0xC00, s22  }
0x9a: {  	[tilespmem:s22], [sflag:s21] =	stream.strided.gather @!p0 [hbm4b:s23+s24], $0x400, s25, s24, $0x38;
	[tilespmem:$0x19400] =	vst v63  }
0x9b: {  	p0 =	sne.s32 s2, $0x30  }
.Ltmp2:
0x9c: {  	_ = 	snop;
	(pc) =	sbr.rel @p0 .LBB2_4-.Ltmp2, $1  }
0x9d: {  	_ =	sdelay $0x3  }
0x9e: {  	s1 =	simm.s32 $0x0;
	s2 =	simm.s32 $0x2000  }
0x9f: {  	[tilespmem:s2], [sflag:$0x1] =	stream.linear.gather [hbm4b:s7+s1], $0x1000, $0x38;
	[tilespmem:$0x19400] =	vst v63  }
0xa0: {  	s2 =	simm.s32 $0x0  }
0xa1: {  	[tilespmem:s30], [sflag:$0x2] =	stream.linear.gather [hbm4b:s9+s1], $0x1000, $0x38;
	[tilespmem:$0x19400] =	vst v63  }
.LBB2_8:
0xa2: {  	s22 =	sand.u32 $0x1, s2  }
0xa3: {  	s21 =	sadd.s32 $0x1, s22;
	s22 =	sshll.u32 s22, $0xC  }
0xa4: {  	s23 =	sand.u32 $0xC00, s1;
	s22 =	sor.u32 $0x2000, s22;
	_ =	swait.ge [sflag:s21], $0x1000  }
0xa5: {  	s24 =	sand.u32 $0x380, s1;
	[sflag:s21] =	ssyncset.done $0x0;
	s23 =	sadd.s32 s23, s22  }
0xa6: {  	[sflag:s21] =	ssyncadd.s32 $0xFFFFF000;
	s23 =	sadd.s32 s24, s23  }
0xa7: {  	v13 =	vld [tilespmem:s23+$0x70]  }
0xa8: {  	v16 =	vld [tilespmem:s23+$0x0];
	_ =	sdelay $0x1  }
0xa9: {  	v17 =	vld [tilespmem:s23+$0x10]  }
0xaa: {  	v18 =	vld [tilespmem:s23+$0x20]  }
0xab: {  	v2 =	vld [tilespmem:s23+$0x30];
	(xrf1) =	vunique.msk.u32 $0xffff, v13  }
0xac: {  	v3 =	vld [tilespmem:s23+$0x40];
	(xrf1) =	vunique.msk.u32 $0xffff, v16  }
0xad: {  	v4 =	vld [tilespmem:s23+$0x50]  }
0xae: {  	(xrf1) =	vunique.msk.u32 $0xffff, v17  }
0xaf: {  	(xrf1) =	vunique.msk.u32 $0xffff, v18  }
0xb0: {  	v1 =	vld [tilespmem:s23+$0x60];
	(xrf1) =	vunique.msk.u32 $0xffff, v2  }
0xb1: {  	(xrf1) =	vunique.msk.u32 $0xffff, v3  }
0xb2: {  	(xrf1) =	vunique.msk.u32 $0xffff, v4  }
0xb3: {  	s26 =	simm.s32 $0x400  }
0xb4: {  	s29 =	sand.u32 $0xC00, s26;
	s23 =	simm.s32 $0x20  }
0xb5: {  	s24 =	sadd.s32 s29, s22;
	s25 =	sand.u32 $0x380, s23;
	(xrf1) =	vunique.msk.u32 $0xffff, v1  }
0xb6: {  	s24 =	sadd.s32 s25, s24  }
0xb7: {  	v8 =	vld [tilespmem:s24+$0x70]  }
0xb8: {  	v7 =	vld [tilespmem:s24+$0x0]  }
0xb9: {  	v5 =	vld [tilespmem:s24+$0x10];
	_, v14, vm0 =	vpop (xrf1)  }
0xba: {  	v6 =	vld [tilespmem:s24+$0x20];
	_, v19, vm3 =	vpop (xrf1)  }
0xbb: {  	v11 =	vld [tilespmem:s24+$0x30]  }
0xbc: {  	v9 =	vld [tilespmem:s24+$0x40];
	(xrf1) =	vunique.msk.u32 $0xffff, v8;
	_, v20, vm4 =	vpop (xrf1)  }
0xbd: {  	v10 =	vld [tilespmem:s24+$0x50];
	(xrf1) =	vunique.msk.u32 $0xffff, v7;
	_, v21, vm5 =	vpop (xrf1)  }
0xbe: {  	v12 =	vld [tilespmem:s24+$0x60];
	(xrf1) =	vunique.msk.u32 $0xffff, v5;
	_, v15, vm2 =	vpop (xrf1)  }
0xbf: {  	(xrf1) =	vunique.msk.u32 $0xffff, v6;
	[tilespmem:v13+s28+$0x0] =	vst.idx.add.s32.msk vm0, v14;
	_, v14, vm1 =	vpop (xrf1)  }
0xc0: {  	(xrf1) =	vunique.msk.u32 $0xffff, v11;
	[tilespmem:v16+s28+$0x0] =	vst.idx.add.s32.msk vm3, v19;
	_, v16, vm3 =	vpop (xrf1)  }
0xc1: {  	(xrf1) =	vunique.msk.u32 $0xffff, v9  }
0xc2: {  	(xrf1) =	vunique.msk.u32 $0xffff, v10;
	[tilespmem:v17+s28+$0x0] =	vst.idx.add.s32.msk vm4, v20  }
0xc3: {  	s25 =	simm.s32 $0x800;
	s24 =	simm.s32 $0x8;
	_, v13, vm0 =	vpop (xrf1);
	(xrf1) =	vunique.msk.u32 $0xffff, v12;
	[tilespmem:v18+s28+$0x0] =	vst.idx.add.s32.msk vm5, v21  }
.LBB2_9:
0xc4: {  	s26 =	sand.u32 $0xC00, s25;
	s24 =	sadd.s32 $0x8, s24;
	s23 =	sadd.s32 $0x20, s23;
	[tilespmem:v2+s28+$0x0] =	vst.idx.add.s32.msk vm2, v15;
	v2 =	vmov v11  }
0xc5: {  	s29 =	sand.u32 $0x380, s23;
	s26 =	sadd.s32 s26, s22;
	p0 =	slt.u32 s24, $0xF8;
	[tilespmem:v3+s28+$0x0] =	vst.idx.add.s32.msk vm1, v14;
	v3 =	vmov v9  }
0xc6: {  	s26 =	sadd.s32 s29, s26;
	[tilespmem:v4+s28+$0x0] =	vst.idx.add.s32.msk vm3, v16;
	v4 =	vmov v10  }
0xc7: {  	v17 =	vld [tilespmem:s26+$0x70]  }
0xc8: {  	v18 =	vld [tilespmem:s26+$0x0]  }
0xc9: {  	v19 =	vld [tilespmem:s26+$0x10]  }
0xca: {  	v20 =	vld [tilespmem:s26+$0x20];
	_, v16, vm3 =	vpop (xrf1)  }
0xcb: {  	v11 =	vld [tilespmem:s26+$0x30];
	_, v21, vm4 =	vpop (xrf1)  }
0xcc: {  	v9 =	vld [tilespmem:s26+$0x40];
	(xrf1) =	vunique.msk.u32 $0xffff, v17;
	_, v22, vm5 =	vpop (xrf1)  }
0xcd: {  	v10 =	vld [tilespmem:s26+$0x50];
	(xrf1) =	vunique.msk.u32 $0xffff, v18;
	_, v23, vm6 =	vpop (xrf1)  }
0xce: {  	v24 =	vld [tilespmem:s26+$0x60];
	(xrf1) =	vunique.msk.u32 $0xffff, v19;
	_, v15, vm2 =	vpop (xrf1)  }
.Ltmp3:
0xcf: {  	(xrf1) =	vunique.msk.u32 $0xffff, v20;
	_, v14, vm1 =	vpop (xrf1);
	[tilespmem:v1+s28+$0x0] =	vst.idx.add.s32.msk vm0, v13;
	v1 =	vmov v12;
	(pc) =	sbr.rel @p0 .LBB2_9-.Ltmp3, $4  }
0xd0: {  	(xrf1) =	vunique.msk.u32 $0xffff, v11;
	[tilespmem:v8+s28+$0x0] =	vst.idx.add.s32.msk vm3, v16;
	_, v16, vm3 =	vpop (xrf1);
	v8 =	vmov v17  }
0xd1: {  	(xrf1) =	vunique.msk.u32 $0xffff, v9;
	[tilespmem:v7+s28+$0x0] =	vst.idx.add.s32.msk vm4, v21;
	_, v13, vm0 =	vpop (xrf1);
	v7 =	vmov v18  }
0xd2: {  	(xrf1) =	vunique.msk.u32 $0xffff, v10;
	[tilespmem:v5+s28+$0x0] =	vst.idx.add.s32.msk vm5, v22;
	v5 =	vmov v19  }
0xd3: {  	s25 =	sadd.s32 $0x400, s25;
	(xrf1) =	vunique.msk.u32 $0xffff, v24;
	[tilespmem:v6+s28+$0x0] =	vst.idx.add.s32.msk vm6, v23;
	v6 =	vmov v20;
	v12 =	vmov v24  }
0xd4: {  	_ =	sdelay $0x5  }
0xd5: {  	_, v17, vm4 =	vpop (xrf1)  }
0xd6: {  	_, v18, vm5 =	vpop (xrf1)  }
0xd7: {  	[tilespmem:v2+s28+$0x0] =	vst.idx.add.s32.msk vm2, v15;
	_, v2, vm2 =	vpop (xrf1)  }
0xd8: {  	[tilespmem:v3+s28+$0x0] =	vst.idx.add.s32.msk vm1, v14;
	_, v3, vm1 =	vpop (xrf1)  }
0xd9: {  	[tilespmem:v4+s28+$0x0] =	vst.idx.add.s32.msk vm3, v16;
	_, v4, vm3 =	vpop (xrf1)  }
0xda: {  	[tilespmem:v1+s28+$0x0] =	vst.idx.add.s32.msk vm0, v13;
	_, v62, vm6 =	vpop (xrf1)  }
0xdb: {  	[tilespmem:v8+s28+$0x0] =	vst.idx.add.s32.msk vm4, v17;
	_, v1, vm0 =	vpop (xrf1)  }
0xdc: {  	[tilespmem:v7+s28+$0x0] =	vst.idx.add.s32.msk vm5, v18;
	_, v63, vm15 =	vpop (xrf1)  }
0xdd: {  	[tilespmem:v5+s28+$0x0] =	vst.idx.add.s32.msk vm2, v2  }
0xde: {  	p0 =	sgt.u32 s2, $0x1;
	[tilespmem:v6+s28+$0x0] =	vst.idx.add.s32.msk vm1, v3  }
0xdf: {  	s23 =	sshll.u32 @!p0 s2, $0xC;
	[tilespmem:v11+s28+$0x0] =	vst.idx.add.s32.msk vm3, v4  }
0xe0: {  	s23 =	sor.u32 @!p0 s10, s23;
	[tilespmem:v9+s28+$0x0] =	vst.idx.add.s32.msk vm6, v62  }
0xe1: {  	s23 =	sshrl.u32 @!p0 s23, $0x3;
	[tilespmem:v10+s28+$0x0] =	vst.idx.add.s32.msk vm0, v1  }
0xe2: {  	s24 =	simm.s32 @!p0 $0x0;
	s2 =	sadd.s32 $0x1, s2;
	s23 =	sadd.s32 @!p0 s4, s23;
	[tilespmem:v12+s28+$0x0] =	vst.idx.add.s32.msk vm15, v63  }
0xe3: {  	[tilespmem:s22], [sflag:s21] =	stream.linear.gather @!p0 [hbm4b:s23+s24], $0x1000, $0x38;
	[tilespmem:$0x19400] =	vst v63  }
0xe4: {  	p0 =	sne.s32 s2, $0x4  }
.Ltmp4:
0xe5: {  	_ = 	snop;
	(pc) =	sbr.rel @p0 .LBB2_8-.Ltmp4, $1  }
0xe6: {  	_ =	sdelay $0x3  }
0xe7: {  	s0 =	sadd.s32 $0x1, s0  }
0xe8: {  	p0 =	sne.s32 s0, s12  }
.Ltmp5:
0xe9: {  	s1 =	simm.s32 $0x0;
	(pc) =	sbr.rel @p0 .LBB2_1-.Ltmp5, $4  }
0xea: {  	[hbm4b:s11+s1] =	stream.linear.scatter [tilespmem:s28], [sflag:$0x3], $0x15000, $0x38;
	[tilespmem:$0x19400] =	vst v63  }
0xeb: {  	_ =	swait.ge [sflag:s31], $0x15000  }
0xec: {  	[sflag:s31] =	ssyncset.done $0x0  }
0xed: {  	[sflag:s31] =	ssyncadd.s32 $0xFFFEB000  }
0xee: {  	_ =	sfence.sel $0x180000  }
0xef: {  	[bflag:$0x0] =	sbarrier.arrive $0xFFFF  }
0xf0: {  	_ =	strace $0x90000047  }
0xf1: {  	s0 =	stileid.u32;
	[bflag:$0x2] =	sbarrier.arrive $0xFFFF  }
0xf2: {  	p0 =	sne.s32 s0, $0x0;
	s0 =	rddreg [dreg:$0x1]  }
0xf3: {  	s0 =	sadd.s32 @!p0 $0x100000, s0  }
0xf4: {  	[sflag:s0] =	ssyncadd.tile.s32 @!p0 $0x1;
	_ =	shalt  }
.Lfunc_end2:
_tile_overlayer_lowered:
.L_overlay_start_2:
0xf5: {  	(tag) =	ssettag $0x2  }
0xf6: {  	s0 =	rddreg [dreg:$0x0];
	s2 =	stileid.u32  }
0xf7: {  	s1 =	rddreg [dreg:$0x1];
	p0 =	sne.s32 s2, $0x0  }
0xf8: {  	s3 =	rddreg [dreg:$0x2];
	[bflag:$0x3] =	sbarrier.arrive $0xFFFF;
	s2 =	simm.s32 @!p0 $0x1C03  }
0xf9: {  	[timem:s3], [sflag:s2] =	dma.local @!p0 [hbm:s0], s1  }
0xfa: {  	s0 =	simm.s32 @!p0 $0x3  }
0xfb: {  	_ =	swait.ge @!p0 [sflag:s0], s1  }
0xfc: {  	s1 =	ssub.s32 @!p0 $0x0, s1;
	[sflag:s0] =	ssyncset.done @!p0 $0x0  }
0xfd: {  	[sflag:s0] =	ssyncadd.s32 @!p0 s1  }
0xfe: {  	[bflag:$0x3] =	sbarrier.arrive $0xFFFF  }
0xff: {  	_ =	shalt  }

// kernel: kernel.7.cloned.1.call-start
scs
__scs_entry_jumppad:
0x0: {  	(pc) =	sbr.rel $0x88, $3  }
0x1: {  	(tag) =	ssettag $0x0;
	lr =	simm.s32 $0x1  }
0x2: {  	[smem:$0x3F9F] =	sst lr;
	_ =	strace $0xD0000000  }
0x3: {  	_ = 	snop  }
0x4: {  	_ = 	snop  }
0x5: {  	_ = 	snop  }
0x6: {  	_ = 	snop  }
0x7: {  	_ = 	snop  }
__scs_overlays_trampoline_lowered:
0x8: {  	[smem:$0x3FAE] =	sst s0  }
0x9: {  	[smem:$0x3FAF] =	sst s1  }
0xa: {  	[smem:$0x3FB0] =	sst s2  }
0xb: {  	[smem:$0x3FB1] =	sst s3  }
0xc: {  	[smem:$0x3FB2] =	sst s4  }
0xd: {  	[smem:$0x3FB3] =	sst s5  }
0xe: {  	[smem:$0x3FB4] =	sst s6  }
0xf: {  	[smem:$0x3FB5] =	sst s7  }
0x10: {  	[smem:$0x3FB6] =	sst s8  }
0x11: {  	[smem:$0x3FB7] =	sst s9;
	s0 =	simm.s32 @!p0 $0x0  }
0x12: {  	s1 =	sld [smem:$0x3F9D];
	s0 =	simm.s32 @p0 $0x1  }
0x13: {  	[smem:$0x3FB8] =	sst s0;
	s0 =	simm.s32 @!p1 $0x0  }
0x14: {  	s2 =	sld [smem:$0x3F9C];
	s0 =	simm.s32 @p1 $0x1  }
0x15: {  	[smem:$0x3FB9] =	sst s0;
	s0 =	simm.s32 @!p2 $0x0  }
0x16: {  	s3 =	sld [smem:$0x3FDB];
	s0 =	simm.s32 @p2 $0x1  }
0x17: {  	s4 =	simm.s32 $0x1BF5;
	[smem:$0x3FBB] =	sst s0  }
0x18: {  	s0 =	sld [smem:$0x3F9E];
	_ =	swait.ge [sflag:s4], $0x0  }
0x19: {  	s7 =	sld [smem:$0x3F9F]  }
0x1a: {  	s8 =	sadd.s32 $0xFFFFE003, lr  }
0x1b: {  	s9 =	sadd.s32 $0xFFFFFEF7, lr;
	s5 =	simm.s32 $0xFFFFFFFF;
	p2 =	slt.u32 s8, $0xFFFFF086  }
0x1c: {  	p1 =	slt.u32 s9, $0xF7A;
	s5 =	simm.s32 @!p2 $0x0  }
0x1d: {  	s5 =	simm.s32 @p1 $0x1;
	p0 =	seq.s32 s7, s2  }
0x1e: {  	s7 =	smul.u32 @!p0 $0xF7A, s2;
	p2 =	seq.s32 @!p0 s5, $0x0  }
0x1f: {  	s9 =	smul.u32 $0xF7A, s1;
	s8 =	simm.s32 @!p0 $0x1BF5;
	p2 =	por !p2, p0  }
0x20: {  	[sflag:s8] =	ssyncset.s32 @!p0 $0xFFFFF086;
	s6 =	sadd.s32 @!p0 s3, s7;
	s7 =	simm.s32 @!p0 $0x108  }
0x21: {  	s3 =	sadd.s32 s3, s9;
	s6 =	sadd.s32 @!p0 $0x88, s6;
	s7 =	simm.s32 @p2 $0x1082  }
0x22: {  	[simem:s7], [sflag:s8] =	dma.local @!p0 [hbm:s6], $0xF7A  }
0x23: {  	s9 =	sor.u32 $0xD0000000, s2;
	s6 =	simm.s32 $0x108;
	_ =	swait.ge @!p0 [sflag:s8], $0x0  }
0x24: {  	s3 =	sadd.s32 $0x88, s3;
	s6 =	simm.s32 @!p1 $0x1082;
	[sflag:s4] =	ssyncset.s32 $0xFFFFF086  }
0x25: {  	[simem:s6], [sflag:s4] =	dma.local [hbm:s3], $0xF7A  }
0x26: {  	[smem:$0x3F9F] =	sst s1;
	(tag) =	ssettag s2;
	_ =	strace s9  }
0x27: {  	s1 =	sld [smem:$0x3FAF]  }
0x28: {  	s2 =	sld [smem:$0x3FB0]  }
0x29: {  	s4 =	sld [smem:$0x3FB2]  }
0x2a: {  	p0 =	seq.s32 s5, $0x0;
	s5 =	sld [smem:$0x3FB3]  }
0x2b: {  	s6 =	sld [smem:$0x3FB4]  }
0x2c: {  	s7 =	sld [smem:$0x3FB5]  }
0x2d: {  	s3 =	simm.s32 $0x108;
	s8 =	sld [smem:$0x3FB6]  }
0x2e: {  	s3 =	simm.s32 @!p0 $0x1082;
	s9 =	sld [smem:$0x3FB7]  }
0x2f: {  	lr =	sadd.s32 s0, s3;
	s0 =	sld [smem:$0x3FAE]  }
0x30: {  	s3 =	sld [smem:$0x3FB1]  }
0x31: {  	[smem:$0x3FBA] =	sst s10  }
0x32: {  	s10 =	sld [smem:$0x3FB8];
	_ =	sdelay $0x3  }
0x33: {  	p0 =	seq.s32 s10, $0x1;
	s10 =	sld [smem:$0x3FBA];
	_ =	sdelay $0x3  }
0x34: {  	[smem:$0x3FBA] =	sst s10  }
0x35: {  	s10 =	sld [smem:$0x3FB9];
	_ =	sdelay $0x3  }
0x36: {  	p1 =	seq.s32 s10, $0x1;
	s10 =	sld [smem:$0x3FBA];
	_ =	sdelay $0x3  }
0x37: {  	[smem:$0x3FBA] =	sst s10  }
0x38: {  	s10 =	sld [smem:$0x3FBB]  }
0x39: {  	_ = 	snop;
	(pc) =	sbr.ind lr, $3  }
0x3a: {  	_ = 	snop  }
0x3b: {  	_ = 	snop  }
0x3c: {  	p2 =	seq.s32 s10, $0x1;
	s10 =	sld [smem:$0x3FBA]  }
0x3d: {  	_ =	shalt  }
0x3e: {  	_ =	shalt  }
0x3f: {  	_ =	shalt  }
0x40: {  	_ =	shalt  }
0x41: {  	_ =	shalt  }
0x42: {  	_ =	shalt  }
0x43: {  	_ =	shalt  }
0x44: {  	_ =	shalt  }
0x45: {  	_ =	shalt  }
0x46: {  	_ =	shalt  }
0x47: {  	_ =	shalt  }
0x48: {  	_ =	shalt  }
0x49: {  	_ =	shalt  }
0x4a: {  	_ =	shalt  }
0x4b: {  	_ =	shalt  }
0x4c: {  	_ =	shalt  }
0x4d: {  	_ =	shalt  }
0x4e: {  	_ =	shalt  }
0x4f: {  	_ =	shalt  }
0x50: {  	_ =	shalt  }
0x51: {  	_ =	shalt  }
0x52: {  	_ =	shalt  }
0x53: {  	_ =	shalt  }
0x54: {  	_ =	shalt  }
0x55: {  	_ =	shalt  }
0x56: {  	_ =	shalt  }
0x57: {  	_ =	shalt  }
0x58: {  	_ =	shalt  }
0x59: {  	_ =	shalt  }
0x5a: {  	_ =	shalt  }
0x5b: {  	_ =	shalt  }
0x5c: {  	_ =	shalt  }
0x5d: {  	_ =	shalt  }
0x5e: {  	_ =	shalt  }
0x5f: {  	_ =	shalt  }
0x60: {  	_ =	shalt  }
0x61: {  	_ =	shalt  }
0x62: {  	_ =	shalt  }
0x63: {  	_ =	shalt  }
0x64: {  	_ =	shalt  }
0x65: {  	_ =	shalt  }
0x66: {  	_ =	shalt  }
0x67: {  	_ =	shalt  }
0x68: {  	_ =	shalt  }
0x69: {  	_ =	shalt  }
0x6a: {  	_ =	shalt  }
0x6b: {  	_ =	shalt  }
0x6c: {  	_ =	shalt  }
0x6d: {  	_ =	shalt  }
0x6e: {  	_ =	shalt  }
0x6f: {  	_ =	shalt  }
0x70: {  	_ =	shalt  }
0x71: {  	_ =	shalt  }
0x72: {  	_ =	shalt  }
0x73: {  	_ =	shalt  }
0x74: {  	_ =	shalt  }
0x75: {  	_ =	shalt  }
0x76: {  	_ =	shalt  }
0x77: {  	_ =	shalt  }
0x78: {  	_ =	shalt  }
0x79: {  	_ =	shalt  }
0x7a: {  	_ =	shalt  }
0x7b: {  	_ =	shalt  }
0x7c: {  	_ =	shalt  }
0x7d: {  	_ =	shalt  }
0x7e: {  	_ =	shalt  }
0x7f: {  	_ =	shalt  }
0x80: {  	_ =	shalt  }
0x81: {  	_ =	shalt  }
0x82: {  	_ =	shalt  }
0x83: {  	_ =	shalt  }
0x84: {  	_ =	shalt  }
0x85: {  	_ =	shalt  }
0x86: {  	_ =	shalt  }
0x87: {  	_ =	shalt  }
.Lfunc_end0:
.L_simem_size_0:
called_computation_lowered:
.L_overlay_start_0:
0x88: {  	s2 =	sld [smem:$0x3FD9]  }
0x89: {  	s3 =	sld [smem:$0x3FFE];
	_ =	sdelay $0x1  }
0x8a: {  	s1 =	srdreg.scid  }
0x8b: {  	s0 =	sand.u32 $0x1, s1  }
0x8c: {  	s17 =	sshll.u32 s0, $0xA;
	s2 =	sadd.s32 s3, s2  }
0x8d: {  	s2 =	sadd.s32 s2, s17  }
0x8e: {  	[smem:$0x3FC6] =	sst s2  }
0x8f: {  	_ = 	snop  }
0x90: {  	(tm) =	ssettm $0x1  }
0x91: {  	s18 =	sld [smem:$0x3FFB];
	_ =	sdelay $0x3  }
0x92: {  	_ =	strace s18  }
0x93: {  	s2 =	sld [smem:$0x3FFC];
	_ =	sdelay $0x3  }
0x94: {  	_ =	strace s2  }
0x95: {  	s2 =	sld [smem:$0x3FFD];
	_ =	sdelay $0x3  }
0x96: {  	_ =	strace s2  }
0x97: {  	_ =	strace $0x8FFFFFFF  }
0x98: {  	s19 =	sld [smem:$0x3FDB];
	_ =	sdelay $0x1  }
0x99: {  	s20 =	simm.s32 $_scs_section_size  }
0x9a: {  	s4 =	simm.s32 $_size__tile_overlayer_lowered;
	s5 =	simm.s32 $_tile_overlayer_lowered  }
0x9b: {  	s6 =	simm.s32 $0x1BFF;
	s21 =	sshll.u32 s5, $0x1;
	s3 =	sadd.s32 s20, s19  }
0x9c: {  	s22 =	simm.s32 $0x0;
	s4 =	sshll.u32 s4, $0x1;
	s5 =	sadd.s32 s21, s3  }
0x9d: {  	[timem:s22], [sflag:s6] =	dma.local [hbm:s5], s4  }
0x9e: {  	_ =	swait.ge [sflag:s6], s4  }
0x9f: {  	s4 =	ssub.s32 $0x0, s4;
	[sflag:s6] =	ssyncset.done $0x0  }
0xa0: {  	[sflag:s6] =	ssyncadd.s32 s4;
	_ =	sdelay $0x1  }
0xa1: {  	s23 =	simm.s32 $0x1B8B  }
0xa2: {  	_ =	swait.ge [sflag:s23], $0x1  }
0xa3: {  	[sflag:s23] =	ssyncset.done $0x0  }
0xa4: {  	[sflag:s23] =	ssyncadd.s32 $0xFFFFFFFF  }
0xa5: {  	s4 =	sld [smem:$0x0]  }
0xa6: {  	s5 =	sand.u32 $0xFFFFFFFE, s1  }
0xa7: {  	p0 =	sne.s32 s1, s5  }
0xa8: {  	s5 =	sshll.u32 @p0 s5, $0xE  }
0xa9: {  	s5 =	sadd.s32 @p0 $0x11B8D, s5;
	s6 =	sshll.u32 @p0 s4, $0x11  }
0xaa: {  	s5 =	sor.u32 @p0 s6, s5  }
0xab: {  	[sflag:s5] =	ssyncadd.remote.s32 @p0 $0x1;
	_ =	sdelay $0x1  }
0xac: {  	s5 =	simm.s32 @p0 $0x1B8D  }
0xad: {  	_ =	swait.eq @p0 [sflag:s5], $0x1  }
0xae: {  	[sflag:s5] =	ssyncadd.s32 @p0 $0xFFFFFFFF  }
0xaf: {  	s6 =	sshll.u32 @!p0 s1, $0xE  }
0xb0: {  	s6 =	sor.u32 @!p0 $0x4000, s6;
	s5 =	simm.s32 @!p0 $0x1B8D  }
0xb1: {  	s4 =	sshll.u32 @!p0 s4, $0x11;
	s6 =	sadd.s32 @!p0 $0x11B8D, s6;
	_ =	swait.eq @!p0 [sflag:s5], $0x1  }
0xb2: {  	s4 =	sor.u32 @!p0 s4, s6;
	[sflag:s5] =	ssyncadd.s32 @!p0 $0xFFFFFFFF  }
0xb3: {  	s25 =	simm.s32 $0x1B8E;
	s24 =	sld [smem:$0x3FFE];
	[sflag:s4] =	ssyncadd.remote.s32 @!p0 $0x1  }
0xb4: {  	s26 =	simm.s32 $execute0_lowered;
	[smem:$0x3FD2] =	sst s25  }
0xb5: {  	s5 =	sshll.u32 s26, $0x1;
	_ =	strace $0x80000049;
	[dreg:$0x1] =	wrdreg $0xFFFFFFFF  }
0xb6: {  	s28 =	simm.s32 $_size_execute0_lowered;
	s3 =	sadd.s32 s3, s5;
	[dreg:$0x0] =	wrdreg $0x0  }
0xb7: {  	s5 =	sshll.u32 s28, $0x1;
	[dreg:$0x2] =	wrdreg s3  }
0xb8: {  	[dreg:$0x3] =	wrdreg s5  }
0xb9: {  	[dreg:$0x4] =	wrdreg $0xC0  }
0xba: {  	_ =	task [dreg:s22], $0x5FFFF  }
0xbb: {  	[dreg:$0x1] =	wrdreg $0xFFFFFFFF  }
0xbc: {  	[dreg:$0x0] =	wrdreg $0x60  }
0xbd: {  	[dreg:$0x2] =	wrdreg s24  }
0xbe: {  	[dreg:$0x3] =	wrdreg $0x9  }
0xbf: {  	_ =	task.clear_ibuf [dreg:s22], $0x4FFFF;
	_ =	strace $0x90000049  }
0xc0: {  	s29 =	simm.s32 $0x9;
	_ =	strace $0x8000004B  }
0xc1: {  	_ =	swait.ge [sflag:s29], $0x1  }
0xc2: {  	[sflag:s29] =	ssyncadd.s32 $0xFFFFFFFF  }
0xc3: {  	_ =	strace $0x9000004B  }
0xc4: {  	_ =	sfence  }
0xc5: {  	s30 =	sld [smem:$0x0];
	_ =	sdelay $0x2  }
0xc6: {  	s31 =	sshll.u32 s1, $0xD;
	s1 =	sshrl.u32 s1, $0x2  }
0xc7: {  	s4 =	sand.u32 $0x4000, s31;
	s1 =	sadd.s32 s1, s30  }
0xc8: {  	s0 =	sor.u32 s4, s0;
	s1 =	sshll.u32 s1, $0x11  }
0xc9: {  	s0 =	sor.u32 s1, s0  }
0xca: {  	s0 =	sadd.s32 $0x8F2B, s0  }
0xcb: {  	[sflag:s0] =	ssyncadd.remote.s32 $0x1  }
0xcc: {  	_ =	sfence.sel $0xFFFF  }
0xcd: {  	[dreg:$0x0] =	wrdreg $0xFFFFFFFF;
	(pc) =	sbr.abs _section_cstart, $3  }
0xce: {  	[dreg:$0x1] =	wrdreg $0xFFFFFFFF  }
0xcf: {  	_ =	task.clear_ibuf [dreg:s22], $0x2FFFF;
	_ =	strace $0x9FFFFFFF  }
0xd0: {  	(tm) =	ssettm $0x7FFFFFFF  }
0xd1: {  	_ =	shalt  }
tec
execute0_lowered:
.L_overlay_start_1:
0x0: {  	(tag) =	ssettag $0x1  }
0x1: {  	s0 =	rddreg [dreg:$0x0]  }
0x2: {  	s1 =	simm.s32 $0x0;
	s29 =	srdreg.scid;
	s6 =	stileid.u32  }
0x3: {  	s19 =	simm.s32 $0x200;
	s20 =	simm.s32 $0x800;
	s28 =	simm.s32 $0x4000  }
0x4: {  	s30 =	simm.s32 $0x3000;
	s31 =	simm.s32 $0x3;
	[smem:$0x7FF] =	sst s1  }
0x5: {  	s1 =	sand.u32 $0x1, s29;
	s3 =	sadd.s32 $0x125600, s0;
	s4 =	sadd.s32 $0x1E5600, s0  }
0x6: {  	s2 =	sshll.u32 s6, $0x1;
	s6 =	sshll.u32 s6, $0xF;
	_ =	strace $0x8000004A  }
0x7: {  	s2 =	sor.u32 s1, s2;
	s1 =	ssub.s32 $0x2, s1;
	s6 =	sand.u32 $0x60000, s6  }
0x8: {  	s5 =	smul.u32 $0x2A00, s2;
	s7 =	sshll.u32 s2, $0xE;
	s8 =	sshrl.u32 s1, $0x1  }
0x9: {  	s9 =	smul.u32 $0x6000, s2;
	s7 =	sand.u32 $0x1C000, s7;
	s1 =	ssub.s32 s1, s8  }
0xa: {  	s10 =	sor.u32 s6, s7;
	s0 =	sadd.s32 s5, s0;
	s5 =	smul.u32 $0x3, s2  }
0xb: {  	s6 =	sadd.s32 s3, s9;
	s12 =	smax.u32 s1, $0x1;
	s7 =	sshrl.u32 s10, $0x3  }
0xc: {  	s8 =	sadd.s32 $0x200, s6;
	s10 =	sor.u32 $0x2000, s10;
	s11 =	sadd.s32 $0x1F5600, s0  }
0xd: {  	s13 =	sadd.s32 $0x40, s6;
	s14 =	sadd.s32 $0x80, s6;
	s15 =	sadd.s32 $0xC0, s6  }
0xe: {  	s16 =	sadd.s32 $0x240, s6;
	s17 =	sadd.s32 $0x280, s6;
	s7 =	sadd.s32 s4, s7  }
0xf: {  	v0 =	vimm.s32 $0x0;
	s18 =	sadd.s32 $0x2C0, s6;
	s0 =	simm.s32 $0x0;
	s9 =	sadd.s32 $0x200, s7  }
.LBB2_1:
0x10: {  	s1 =	simm.s32 $0x4040  }
0x11: {  	[tilespmem:s1+$0xFFFFFFC0] =	vst v0  }
0x12: {  	[tilespmem:s1+$0x30] =	vst v0  }
0x13: {  	[tilespmem:s1+$0x20] =	vst v0  }
0x14: {  	[tilespmem:s1+$0x10] =	vst v0  }
0x15: {  	[tilespmem:s1+$0x0] =	vst v0  }
0x16: {  	[tilespmem:s1+$0xFFFFFFF0] =	vst v0  }
0x17: {  	s2 =	simm.s32 $0x0;
	[tilespmem:s1+$0xFFFFFFE0] =	vst v0  }
.LBB2_2:
0x18: {  	s2 =	sadd.s32 $0x8, s2;
	[tilespmem:s1+$0xFFFFFFD0] =	vst v0;
	s1 =	sadd.s32 $0x80, s1  }
0x19: {  	[tilespmem:s1+$0xFFFFFFC0] =	vst v0;
	p0 =	slt.u32 s2, $0x1538  }
0x1a: {  	[tilespmem:s1+$0x30] =	vst v0  }
.Ltmp0:
0x1b: {  	[tilespmem:s1+$0x20] =	vst v0;
	(pc) =	sbr.rel @p0 .LBB2_2-.Ltmp0, $4  }
0x1c: {  	[tilespmem:s1+$0x10] =	vst v0  }
0x1d: {  	[tilespmem:s1+$0x0] =	vst v0  }
0x1e: {  	[tilespmem:s1+$0xFFFFFFF0] =	vst v0  }
0x1f: {  	[tilespmem:s1+$0xFFFFFFE0] =	vst v0  }
0x20: {  	[tilespmem:s1+$0xFFFFFFD0] =	vst v0;
	s1 =	simm.s32 $0x0  }
0x21: {  	[tilespmem:s1], [sflag:$0x1] =	stream.strided.gather [hbm4b:s6+s19], $0x400, s20, s19, $0x38;
	[tilespmem:$0x19400] =	vst v63  }
0x22: {  	s2 =	simm.s32 $0x400  }
0x23: {  	[tilespmem:s2], [sflag:$0x1] =	stream.strided.gather [hbm4b:s13+s19], $0x400, s20, s19, $0x38;
	[tilespmem:$0x19400] =	vst v63  }
0x24: {  	_ = 	snop  }
0x25: {  	[tilespmem:s20], [sflag:$0x1] =	stream.strided.gather [hbm4b:s14+s19], $0x400, s20, s19, $0x38;
	[tilespmem:$0x19400] =	vst v63  }
0x26: {  	s23 =	simm.s32 $0xC00  }
0x27: {  	[tilespmem:s23], [sflag:$0x1] =	stream.strided.gather [hbm4b:s15+s19], $0x400, s20, s19, $0x38;
	[tilespmem:$0x19400] =	vst v63  }
0x28: {  	s24 =	simm.s32 $0x1000  }
0x29: {  	[tilespmem:s24], [sflag:$0x2] =	stream.strided.gather [hbm4b:s8+s19], $0x400, s20, s19, $0x38;
	[tilespmem:$0x19400] =	vst v63  }
0x2a: {  	s25 =	simm.s32 $0x1400  }
0x2b: {  	[tilespmem:s25], [sflag:$0x2] =	stream.strided.gather [hbm4b:s16+s19], $0x400, s20, s19, $0x38;
	[tilespmem:$0x19400] =	vst v63  }
0x2c: {  	s26 =	simm.s32 $0x1800  }
0x2d: {  	[tilespmem:s26], [sflag:$0x2] =	stream.strided.gather [hbm4b:s17+s19], $0x400, s20, s19, $0x38;
	[tilespmem:$0x19400] =	vst v63  }
0x2e: {  	s29 =	simm.s32 $0x1C00;
	s2 =	simm.s32 $0x0  }
0x2f: {  	[tilespmem:s29], [sflag:$0x2] =	stream.strided.gather [hbm4b:s18+s19], $0x400, s20, s19, $0x38;
	[tilespmem:$0x19400] =	vst v63  }
.LBB2_4:
0x30: {  	s22 =	sand.u32 $0x1, s2  }
0x31: {  	s23 =	sshrl.u32 s2, $0x4;
	s24 =	sand.u32 $0x1000, s1;
	s25 =	simm.s32 $0x0  }
0x32: {  	s21 =	sadd.s32 $0x1, s22;
	s22 =	sshll.u32 s22, $0xC;
	s23 =	sadd.s32 s5, s23  }
0x33: {  	s24 =	sshrl.u32 s24, $0x1;
	s25 =	sand.u32 $0x380, s25;
	_ =	swait.ge [sflag:s21], $0x1000  }
0x34: {  	s26 =	smulhi.u32 $0xAAAAAAB, s23;
	s24 =	sadd.s32 s24, s22;
	[sflag:s21] =	ssyncset.done $0x0  }
0x35: {  	s24 =	sadd.s32 s25, s24;
	[sflag:s21] =	ssyncadd.s32 $0xFFFFF000  }
0x36: {  	s29 =	smul.u32 $0x18, s26;
	v6 =	vld [tilespmem:s24+$0x20]  }
0x37: {  	v3 =	vld [tilespmem:s24+$0x40]  }
0x38: {  	v8 =	vld [tilespmem:s24+$0x400];
	s23 =	ssub.s32 s23, s29  }
0x39: {  	p0 =	slt.u32 s23, $0x15;
	s23 =	sshll.u32 s23, $0xB  }
0x3a: {  	s23 =	simm.s32 @!p0 $0x15000  }
0x3b: {  	v10 =	vld [tilespmem:s24+$0x60];
	v1 =	vmov s23;
	v2 =	vand.u32 $0xFFFF, v6  }
0x3c: {  	v11 =	vld [tilespmem:s24+$0x0];
	v4 =	vand.u32 $0xFFFF, v3;
	v7 =	vadd.s32 v1, v2  }
0x3d: {  	v12 =	vld [tilespmem:s24+$0x440];
	v4 =	vadd.s32 v1, v4;
	v2 =	vand.u32 $0xFFFF, v8;
	(xrf1) =	vunique.msk.u32 $0xffff, v7  }
0x3e: {  	v13 =	vld [tilespmem:s24+$0x420];
	v5 =	vshrl.u32 v3, $0x10;
	v9 =	vadd.s32 v1, v2;
	(xrf1) =	vunique.msk.u32 $0xffff, v4  }
0x3f: {  	v14 =	vadd.s32 v1, v5;
	v2 =	vshrl.u32 v8, $0x10;
	(xrf1) =	vunique.msk.u32 $0xffff, v9  }
0x40: {  	v5 =	vshrl.u32 v10, $0x10;
	v18 =	vadd.s32 v1, v2;
	(xrf1) =	vunique.msk.u32 $0xffff, v14  }
0x41: {  	v2 =	vadd.s32 v1, v5;
	v5 =	vand.u32 $0xFFFF, v11;
	(xrf1) =	vunique.msk.u32 $0xffff, v18  }
0x42: {  	v15 =	vand.u32 $0xFFFF, v12;
	v5 =	vadd.s32 v1, v5;
	(xrf1) =	vunique.msk.u32 $0xffff, v2  }
0x43: {  	v16 =	vand.u32 $0xFFFF, v13;
	v15 =	vadd.s32 v1, v15;
	(xrf1) =	vunique.msk.u32 $0xffff, v5  }
0x44: {  	v19 =	vshrl.u32 v13, $0x10;
	v16 =	vadd.s32 v1, v16;
	(xrf1) =	vunique.msk.u32 $0xffff, v15  }
0x45: {  	v17 =	vld [tilespmem:s24+$0x460];
	v20 =	vand.u32 $0xFFFF, v10;
	v25 =	vadd.s32 v1, v19;
	(xrf1) =	vunique.msk.u32 $0xffff, v16  }
0x46: {  	s26 =	simm.s32 $0x1000;
	v19 =	vadd.s32 v1, v20;
	(xrf1) =	vunique.msk.u32 $0xffff, v25  }
0x47: {  	s23 =	sand.u32 $0x1000, s26;
	v21 =	vshrl.u32 v11, $0x10;
	v3 =	vand.u32 $0x7F, v3;
	(xrf1) =	vunique.msk.u32 $0xffff, v19  }
0x48: {  	s29 =	simm.s32 $0x20;
	s23 =	sshrl.u32 s23, $0x1;
	v29 =	vand.u32 $0x7F, v6;
	v30 =	vand.u32 $0x7F, v10;
	v27 =	vadd.s32 v1, v21  }
0x49: {  	s24 =	sand.u32 $0x380, s29;
	s23 =	sadd.s32 s23, s22;
	v22 =	vand.u32 $0x3FF80, v4;
	v20 =	vand.u32 $0x3FF80, v9;
	v4 =	vshrl.u32 v12, $0x10  }
0x4a: {  	s23 =	sadd.s32 s24, s23;
	v22 =	vor.u32 v3, v22;
	v23 =	vand.u32 $0x3FF80, v5;
	v5 =	vand.u32 $0xFFFF, v17  }
0x4b: {  	v3 =	vand.u32 $0x7F, v8;
	v10 =	vld [tilespmem:s23+$0x400];
	v24 =	vadd.s32 v1, v5;
	v5 =	vshrl.u32 v17, $0x10;
	(xrf1) =	vunique.msk.u32 $0xffff, v27;
	_, v34, vm1 =	vpop (xrf1)  }
0x4c: {  	v20 =	vor.u32 v3, v20;
	v3 =	vld [tilespmem:s23+$0x20];
	v15 =	vand.u32 $0x3FF80, v15;
	v5 =	vadd.s32 v1, v5;
	(xrf1) =	vunique.msk.u32 $0xffff, v24;
	_, v28, vm2 =	vpop (xrf1)  }
0x4d: {  	v11 =	vand.u32 $0x7F, v11;
	v9 =	vshrl.u32 v6, $0x10;
	v4 =	vadd.s32 v1, v4;
	v6 =	vld [tilespmem:s23+$0x440];
	(xrf1) =	vunique.msk.u32 $0xffff, v5;
	_, v8, vm5 =	vpop (xrf1)  }
0x4e: {  	v26 =	vand.u32 $0x3FF80, v24;
	v24 =	vand.u32 $0x3FF80, v7;
	v7 =	vadd.s32 v1, v9;
	v9 =	vld [tilespmem:s23+$0x40];
	(xrf1) =	vunique.msk.u32 $0xffff, v4;
	_, v31, vm6 =	vpop (xrf1)  }
0x4f: {  	v21 =	vand.u32 $0x3FF80, v16;
	v12 =	vand.u32 $0x7F, v12;
	v33 =	vor.u32 v11, v23;
	v16 =	vld [tilespmem:s23+$0x60];
	(xrf1) =	vunique.msk.u32 $0xffff, v7;
	_, v32, vm3 =	vpop (xrf1)  }
0x50: {  	v11 =	vld [tilespmem:s23+$0x0];
	v35 =	vor.u32 v12, v15;
	v19 =	vand.u32 $0x3FF80, v19;
	v36 =	vor.u32 v29, v24;
	_, v15, vm0 =	vpop (xrf1)  }
0x51: {  	v13 =	vand.u32 $0x7F, v13;
	v30 =	vor.u32 v30, v19;
	v19 =	vld [tilespmem:s23+$0x420];
	_, v29, vm4 =	vpop (xrf1)  }
0x52: {  	v17 =	vand.u32 $0x7F, v17;
	v12 =	vor.u32 v13, v21;
	[tilespmem:v22+s28+$0x0] =	vst.idx.add.s32.msk vm2, v28;
	_, v37, vm2 =	vpop (xrf1)  }
0x53: {  	v21 =	vor.u32 v17, v26;
	v17 =	vand.u32 $0xFFFF, v3;
	v13 =	vand.u32 $0xFFFF, v9;
	[tilespmem:v20+s28+$0x0] =	vst.idx.add.s32.msk vm5, v8;
	_, v28, vm5 =	vpop (xrf1)  }
0x54: {  	v17 =	vadd.s32 v1, v17;
	v26 =	vadd.s32 v1, v13;
	v13 =	vshrl.u32 v16, $0x10;
	[tilespmem:v14+s28+$0x0] =	vst.idx.add.s32.msk vm6, v31;
	_, v31, vm6 =	vpop (xrf1)  }
0x55: {  	v23 =	vshrl.u32 v9, $0x10;
	[tilespmem:v36+s28+$0x0] =	vst.idx.add.s32.msk vm1, v34;
	v8 =	vadd.s32 v1, v13;
	v13 =	vand.u32 $0xFFFF, v10;
	_, v39, vm7 =	vpop (xrf1)  }
0x56: {  	v20 =	vshrl.u32 v10, $0x10;
	v14 =	vand.u32 $0xFFFF, v16;
	v38 =	vadd.s32 v1, v13;
	[tilespmem:v18+s28+$0x0] =	vst.idx.add.s32.msk vm3, v32  }
0x57: {  	(xrf1) =	vunique.msk.u32 $0xffff, v17;
	v13 =	vadd.s32 v1, v23;
	v23 =	vadd.s32 v1, v14;
	v14 =	vadd.s32 v1, v20;
	v20 =	vld [tilespmem:s23+$0x460]  }
0x58: {  	(xrf1) =	vunique.msk.u32 $0xffff, v26;
	[tilespmem:v33+s28+$0x0] =	vst.idx.add.s32.msk vm4, v29  }
0x59: {  	_, v60, vm8 =	vpop (xrf1);
	(xrf1) =	vunique.msk.u32 $0xffff, v38;
	[tilespmem:v12+s28+$0x0] =	vst.idx.add.s32.msk vm5, v28  }
0x5a: {  	v24 =	vshrl.u32 v3, $0x10;
	(xrf1) =	vunique.msk.u32 $0xffff, v13;
	[tilespmem:v25+s28+$0x0] =	vst.idx.add.s32.msk vm6, v31;
	_, v31, vm4 =	vpop (xrf1)  }
0x5b: {  	v62 =	vshrl.u32 v19, $0x10;
	v18 =	vand.u32 $0xFFFF, v11;
	(xrf1) =	vunique.msk.u32 $0xffff, v14;
	[tilespmem:v30+s28+$0x0] =	vst.idx.add.s32.msk vm7, v39;
	_, v30, vm3 =	vpop (xrf1)  }
0x5c: {  	v61 =	vadd.s32 v1, v18;
	v18 =	vand.u32 $0xFFFF, v6;
	[tilespmem:v35+s28+$0x0] =	vst.idx.add.s32.msk vm2, v37;
	(xrf1) =	vunique.msk.u32 $0xffff, v8;
	_, v29, vm2 =	vpop (xrf1)  }
0x5d: {  	v22 =	vand.u32 $0x3FF80, v38;
	v28 =	vadd.s32 v1, v18;
	v18 =	vand.u32 $0xFFFF, v19;
	(xrf1) =	vunique.msk.u32 $0xffff, v61;
	_, v32, vm5 =	vpop (xrf1)  }
0x5e: {  	v26 =	vand.u32 $0x3FF80, v26;
	v12 =	vshrl.u32 v11, $0x10;
	v63 =	vadd.s32 v1, v18;
	(xrf1) =	vunique.msk.u32 $0xffff, v28  }
0x5f: {  	v33 =	vshrl.u32 v6, $0x10;
	v12 =	vadd.s32 v1, v12;
	v18 =	vadd.s32 v1, v62;
	(xrf1) =	vunique.msk.u32 $0xffff, v63  }
0x60: {  	s24 =	simm.s32 $0x2000;
	s23 =	simm.s32 $0x8;
	v25 =	vand.u32 $0x3FF80, v63;
	[tilespmem:v27+s28+$0x0] =	vst.idx.add.s32.msk vm8, v60;
	v27 =	vand.u32 $0x3FF80, v61;
	(xrf1) =	vunique.msk.u32 $0xffff, v18  }
.LBB2_5:
0x61: {  	s23 =	sadd.s32 $0x8, s23;
	s25 =	sand.u32 $0x1000, s24;
	v28 =	vand.u32 $0x3FF80, v28;
	v34 =	vand.u32 $0xFFFF, v20;
	(xrf1) =	vunique.msk.u32 $0xffff, v23;
	[tilespmem:v21+s28+$0x0] =	vst.idx.add.s32.msk vm4, v31  }
0x62: {  	v31 =	vshrl.u32 v20, $0x10;
	s25 =	sshrl.u32 s25, $0x1;
	s26 =	sshll.u32 s23, $0x2;
	p0 =	slt.u32 s23, $0xF8;
	v21 =	vadd.s32 v1, v34;
	(xrf1) =	vunique.msk.u32 $0xffff, v12;
	[tilespmem:v5+s28+$0x0] =	vst.idx.add.s32.msk vm3, v30  }
0x63: {  	v30 =	vadd.s32 v1, v33;
	v5 =	vadd.s32 v1, v31;
	s25 =	sadd.s32 s25, s22;
	s26 =	sand.u32 $0x380, s26;
	(xrf1) =	vunique.msk.u32 $0xffff, v21;
	[tilespmem:v7+s28+$0x0] =	vst.idx.add.s32.msk vm5, v32  }
0x64: {  	v7 =	vand.u32 $0x7F, v9;
	v21 =	vand.u32 $0x3FF80, v21;
	s25 =	sadd.s32 s26, s25;
	(xrf1) =	vunique.msk.u32 $0xffff, v5;
	[tilespmem:v4+s28+$0x0] =	vst.idx.add.s32.msk vm2, v29;
	v4 =	vmovc v30  }
0x65: {  	v23 =	vand.u32 $0x3FF80, v23;
	v26 =	vor.u32 v7, v26;
	_, v34, vm1 =	vpop (xrf1);
	(xrf1) =	vunique.msk.u32 $0xffff, v4;
	[tilespmem:v2+s28+$0x0] =	vst.idx.add.s32.msk vm0, v15  }
0x66: {  	v17 =	vand.u32 $0x3FF80, v17;
	v10 =	vand.u32 $0x7F, v10;
	v7 =	vadd.s32 v1, v24;
	v32 =	vld [tilespmem:s25+$0x60];
	_, v24, vm6 =	vpop (xrf1)  }
0x67: {  	v22 =	vor.u32 v10, v22;
	v2 =	vmov v8;
	v9 =	vld [tilespmem:s25+$0x40];
	(xrf1) =	vunique.msk.u32 $0xffff, v7;
	_, v29, vm5 =	vpop (xrf1)  }
0x68: {  	v16 =	vand.u32 $0x7F, v16;
	v8 =	vand.u32 $0x7F, v3;
	v3 =	vld [tilespmem:s25+$0x20];
	_, v30, vm4 =	vpop (xrf1)  }
0x69: {  	v11 =	vand.u32 $0x7F, v11;
	v35 =	vand.u32 $0x7F, v6;
	v20 =	vand.u32 $0x7F, v20;
	v10 =	vld [tilespmem:s25+$0x400];
	_, v31, vm3 =	vpop (xrf1)  }
0x6a: {  	v19 =	vand.u32 $0x7F, v19;
	v27 =	vor.u32 v11, v27;
	v33 =	vor.u32 v35, v28;
	v6 =	vld [tilespmem:s25+$0x440];
	_, v15, vm0 =	vpop (xrf1)  }
0x6b: {  	v25 =	vor.u32 v19, v25;
	v21 =	vor.u32 v20, v21;
	v35 =	vor.u32 v8, v17;
	v11 =	vld [tilespmem:s25+$0x0];
	_, v28, vm2 =	vpop (xrf1)  }
0x6c: {  	v36 =	vor.u32 v16, v23;
	v8 =	vand.u32 $0xFFFF, v9;
	v20 =	vshrl.u32 v9, $0x10;
	[tilespmem:v26+s28+$0x0] =	vst.idx.add.s32.msk vm6, v24;
	_, v37, vm6 =	vpop (xrf1)  }
0x6d: {  	v16 =	vand.u32 $0xFFFF, v3;
	v26 =	vadd.s32 v1, v8;
	v8 =	vshrl.u32 v32, $0x10;
	[tilespmem:v22+s28+$0x0] =	vst.idx.add.s32.msk vm5, v29;
	_, v29, vm5 =	vpop (xrf1)  }
0x6e: {  	v17 =	vadd.s32 v1, v16;
	v8 =	vadd.s32 v1, v8;
	v16 =	vand.u32 $0xFFFF, v10;
	[tilespmem:v13+s28+$0x0] =	vst.idx.add.s32.msk vm4, v30;
	_, v38, vm8 =	vpop (xrf1)  }
0x6f: {  	v23 =	vand.u32 $0xFFFF, v32;
	v41 =	vshrl.u32 v10, $0x10;
	v16 =	vadd.s32 v1, v16;
	v19 =	vld [tilespmem:s25+$0x420];
	(xrf1) =	vunique.msk.u32 $0xffff, v17;
	_, v39, vm9 =	vpop (xrf1)  }
0x70: {  	v13 =	vadd.s32 v1, v20;
	v22 =	vand.u32 $0x3FF80, v16;
	(xrf1) =	vunique.msk.u32 $0xffff, v26;
	[tilespmem:v14+s28+$0x0] =	vst.idx.add.s32.msk vm3, v31;
	_, v40, vm7 =	vpop (xrf1)  }
0x71: {  	v23 =	vadd.s32 v1, v23;
	v24 =	vshrl.u32 v3, $0x10;
	v14 =	vadd.s32 v1, v41;
	v20 =	vld [tilespmem:s25+$0x460];
	(xrf1) =	vunique.msk.u32 $0xffff, v16;
	_, v31, vm4 =	vpop (xrf1)  }
0x72: {  	v42 =	vand.u32 $0xFFFF, v11;
	v26 =	vand.u32 $0x3FF80, v26;
	(xrf1) =	vunique.msk.u32 $0xffff, v13;
	[tilespmem:v27+s28+$0x0] =	vst.idx.add.s32.msk vm2, v28;
	_, v30, vm3 =	vpop (xrf1)  }
0x73: {  	v41 =	vand.u32 $0xFFFF, v6;
	v27 =	vadd.s32 v1, v42;
	(xrf1) =	vunique.msk.u32 $0xffff, v14;
	[tilespmem:v25+s28+$0x0] =	vst.idx.add.s32.msk vm5, v29;
	_, v29, vm2 =	vpop (xrf1)  }
.Ltmp1:
0x74: {  	v28 =	vadd.s32 v1, v41;
	v16 =	vmovc v32;
	v25 =	vshrl.u32 v11, $0x10;
	(xrf1) =	vunique.msk.u32 $0xffff, v8;
	[tilespmem:v18+s28+$0x0] =	vst.idx.add.s32.msk vm8, v38;
	(pc) =	sbr.rel @p0 .LBB2_5-.Ltmp1, $4  }
0x75: {  	v18 =	vand.u32 $0xFFFF, v19;
	v38 =	vshrl.u32 v19, $0x10;
	(xrf1) =	vunique.msk.u32 $0xffff, v27;
	[tilespmem:v36+s28+$0x0] =	vst.idx.add.s32.msk vm9, v39;
	_, v32, vm5 =	vpop (xrf1)  }
0x76: {  	v36 =	vadd.s32 v1, v25;
	v39 =	vadd.s32 v1, v18;
	(xrf1) =	vunique.msk.u32 $0xffff, v28;
	[tilespmem:v33+s28+$0x0] =	vst.idx.add.s32.msk vm6, v37  }
0x77: {  	v18 =	vadd.s32 v1, v38;
	v25 =	vand.u32 $0x3FF80, v39;
	(xrf1) =	vunique.msk.u32 $0xffff, v39;
	[tilespmem:v12+s28+$0x0] =	vst.idx.add.s32.msk vm7, v40;
	v12 =	vmovc v36  }
0x78: {  	s24 =	sadd.s32 $0x1000, s24;
	v27 =	vand.u32 $0x3FF80, v27;
	v33 =	vshrl.u32 v6, $0x10;
	(xrf1) =	vunique.msk.u32 $0xffff, v18;
	[tilespmem:v35+s28+$0x0] =	vst.idx.add.s32.msk vm1, v34  }
0x79: {  	(xrf1) =	vunique.msk.u32 $0xffff, v23  }
0x7a: {  	v34 =	vand.u32 $0xFFFF, v20;
	(xrf1) =	vunique.msk.u32 $0xffff, v12  }
0x7b: {  	v35 =	vshrl.u32 v20, $0x10;
	v34 =	vadd.s32 v1, v34  }
0x7c: {  	v35 =	vadd.s32 v1, v35;
	(xrf1) =	vunique.msk.u32 $0xffff, v34  }
0x7d: {  	v33 =	vadd.s32 v1, v33;
	(xrf1) =	vunique.msk.u32 $0xffff, v35;
	_, v36, vm1 =	vpop (xrf1)  }
0x7e: {  	v59 =	vand.u32 $0x3FF80, v17;
	v3 =	vand.u32 $0x7F, v3;
	v1 =	vadd.s32 v1, v24;
	(xrf1) =	vunique.msk.u32 $0xffff, v33;
	_, v50, vm6 =	vpop (xrf1)  }
0x7f: {  	v9 =	vand.u32 $0x7F, v9;
	[tilespmem:v21+s28+$0x0] =	vst.idx.add.s32.msk vm4, v31;
	v3 =	vor.u32 v3, v59;
	(xrf1) =	vunique.msk.u32 $0xffff, v1;
	_, v37, vm7 =	vpop (xrf1)  }
0x80: {  	v10 =	vand.u32 $0x7F, v10;
	[tilespmem:v7+s28+$0x0] =	vst.idx.add.s32.msk vm5, v32;
	v9 =	vor.u32 v9, v26;
	_, v38, vm8 =	vpop (xrf1)  }
0x81: {  	[tilespmem:v4+s28+$0x0] =	vst.idx.add.s32.msk vm2, v29;
	v51 =	vor.u32 v10, v22;
	_, v21, vm4 =	vpop (xrf1)  }
0x82: {  	[tilespmem:v5+s28+$0x0] =	vst.idx.add.s32.msk vm3, v30;
	_, v52, vm3 =	vpop (xrf1)  }
0x83: {  	v53 =	vand.u32 $0x7F, v11;
	[tilespmem:v2+s28+$0x0] =	vst.idx.add.s32.msk vm0, v15;
	_, v7, vm5 =	vpop (xrf1)  }
0x84: {  	v57 =	vand.u32 $0x3FF80, v28;
	v6 =	vand.u32 $0x7F, v6;
	v2 =	vor.u32 v53, v27;
	[tilespmem:v3+s28+$0x0] =	vst.idx.add.s32.msk vm1, v36;
	_, v54, vm2 =	vpop (xrf1)  }
0x85: {  	v55 =	vand.u32 $0x7F, v19;
	v6 =	vor.u32 v6, v57;
	[tilespmem:v9+s28+$0x0] =	vst.idx.add.s32.msk vm6, v50;
	_, v15, vm0 =	vpop (xrf1)  }
0x86: {  	v4 =	vor.u32 v55, v25;
	[tilespmem:v51+s28+$0x0] =	vst.idx.add.s32.msk vm7, v37;
	_, v9, vm6 =	vpop (xrf1)  }
0x87: {  	v56 =	vand.u32 $0x3FF80, v23;
	v16 =	vand.u32 $0x7F, v16;
	[tilespmem:v13+s28+$0x0] =	vst.idx.add.s32.msk vm8, v38;
	_, v5, vm7 =	vpop (xrf1)  }
0x88: {  	v16 =	vor.u32 v16, v56;
	[tilespmem:v14+s28+$0x0] =	vst.idx.add.s32.msk vm4, v21;
	_, v58, vm12 =	vpop (xrf1)  }
0x89: {  	[tilespmem:v2+s28+$0x0] =	vst.idx.add.s32.msk vm5, v7  }
0x8a: {  	v61 =	vand.u32 $0x7F, v20;
	_, v60, vm13 =	vpop (xrf1);
	v2 =	vand.u32 $0x3FF80, v34;
	[tilespmem:v6+s28+$0x0] =	vst.idx.add.s32.msk vm2, v54  }
0x8b: {  	_, v62, vm14 =	vpop (xrf1);
	v2 =	vor.u32 v61, v2;
	[tilespmem:v4+s28+$0x0] =	vst.idx.add.s32.msk vm0, v15  }
0x8c: {  	_, v4, vm0 =	vpop (xrf1);
	[tilespmem:v18+s28+$0x0] =	vst.idx.add.s32.msk vm6, v9  }
0x8d: {  	_, v63, vm15 =	vpop (xrf1);
	[tilespmem:v16+s28+$0x0] =	vst.idx.add.s32.msk vm7, v5  }
0x8e: {  	p0 =	sgt.u32 s2, $0x2D;
	[tilespmem:v12+s28+$0x0] =	vst.idx.add.s32.msk vm12, v58  }
0x8f: {  	s23 =	sadd.s32 @!p0 $0x2, s2;
	[tilespmem:v8+s28+$0x0] =	vst.idx.add.s32.msk vm3, v52  }
0x90: {  	s24 =	sshrl.u32 @!p0 s23, $0x4;
	s23 =	sshll.u32 @!p0 s23, $0x9;
	[tilespmem:v2+s28+$0x0] =	vst.idx.add.s32.msk vm13, v60  }
0x91: {  	s24 =	sadd.s32 @!p0 s5, s24;
	s23 =	sand.u32 @!p0 $0x1E00, s23;
	[tilespmem:v35+s28+$0x0] =	vst.idx.add.s32.msk vm14, v62  }
0x92: {  	s24 =	sshll.u32 @!p0 s24, $0xD;
	s23 =	sadd.s32 @!p0 s3, s23;
	[tilespmem:v33+s28+$0x0] =	vst.idx.add.s32.msk vm0, v4  }
0x93: {  	s25 =	simm.s32 @!p0 $0x800;
	s23 =	sadd.s32 @!p0 s24, s23;
	s24 =	simm.s32 @!p0 $0x200;
	[tilespmem:v1+s28+$0x0] =	vst.idx.add.s32.msk vm15, v63  }
0x94: {  	[tilespmem:s22], [sflag:s21] =	stream.strided.gather @!p0 [hbm4b:s23+s24], $0x400, s25, s24, $0x38;
	[tilespmem:$0x19400] =	vst v63  }
0x95: {  	s29 =	sadd.s32 @!p0 $0x400, s22;
	s26 =	sadd.s32 @!p0 $0x40, s23  }
0x96: {  	[tilespmem:s29], [sflag:s21] =	stream.strided.gather @!p0 [hbm4b:s26+s24], $0x400, s25, s24, $0x38;
	[tilespmem:$0x19400] =	vst v63  }
0x97: {  	s26 =	sadd.s32 @!p0 $0x80, s23;
	s29 =	sadd.s32 @!p0 $0x800, s22  }
0x98: {  	[tilespmem:s29], [sflag:s21] =	stream.strided.gather @!p0 [hbm4b:s26+s24], $0x400, s25, s24, $0x38;
	[tilespmem:$0x19400] =	vst v63  }
0x99: {  	s2 =	sadd.s32 $0x1, s2;
	s23 =	sadd.s32 @!p0 $0xC0, s23;
	s22 =	sadd.s32 @!p0 $0xC00, s22  }
0x9a: {  	[tilespmem:s22], [sflag:s21] =	stream.strided.gather @!p0 [hbm4b:s23+s24], $0x400, s25, s24, $0x38;
	[tilespmem:$0x19400] =	vst v63  }
0x9b: {  	p0 =	sne.s32 s2, $0x30  }
.Ltmp2:
0x9c: {  	_ = 	snop;
	(pc) =	sbr.rel @p0 .LBB2_4-.Ltmp2, $1  }
0x9d: {  	_ =	sdelay $0x3  }
0x9e: {  	s1 =	simm.s32 $0x0;
	s2 =	simm.s32 $0x2000  }
0x9f: {  	[tilespmem:s2], [sflag:$0x1] =	stream.linear.gather [hbm4b:s7+s1], $0x1000, $0x38;
	[tilespmem:$0x19400] =	vst v63  }
0xa0: {  	s2 =	simm.s32 $0x0  }
0xa1: {  	[tilespmem:s30], [sflag:$0x2] =	stream.linear.gather [hbm4b:s9+s1], $0x1000, $0x38;
	[tilespmem:$0x19400] =	vst v63  }
.LBB2_8:
0xa2: {  	s22 =	sand.u32 $0x1, s2  }
0xa3: {  	s21 =	sadd.s32 $0x1, s22;
	s22 =	sshll.u32 s22, $0xC  }
0xa4: {  	s23 =	sand.u32 $0xC00, s1;
	s22 =	sor.u32 $0x2000, s22;
	_ =	swait.ge [sflag:s21], $0x1000  }
0xa5: {  	s24 =	sand.u32 $0x380, s1;
	[sflag:s21] =	ssyncset.done $0x0;
	s23 =	sadd.s32 s23, s22  }
0xa6: {  	[sflag:s21] =	ssyncadd.s32 $0xFFFFF000;
	s23 =	sadd.s32 s24, s23  }
0xa7: {  	v13 =	vld [tilespmem:s23+$0x70]  }
0xa8: {  	v16 =	vld [tilespmem:s23+$0x0];
	_ =	sdelay $0x1  }
0xa9: {  	v17 =	vld [tilespmem:s23+$0x10]  }
0xaa: {  	v18 =	vld [tilespmem:s23+$0x20]  }
0xab: {  	v2 =	vld [tilespmem:s23+$0x30];
	(xrf1) =	vunique.msk.u32 $0xffff, v13  }
0xac: {  	v3 =	vld [tilespmem:s23+$0x40];
	(xrf1) =	vunique.msk.u32 $0xffff, v16  }
0xad: {  	v4 =	vld [tilespmem:s23+$0x50]  }
0xae: {  	(xrf1) =	vunique.msk.u32 $0xffff, v17  }
0xaf: {  	(xrf1) =	vunique.msk.u32 $0xffff, v18  }
0xb0: {  	v1 =	vld [tilespmem:s23+$0x60];
	(xrf1) =	vunique.msk.u32 $0xffff, v2  }
0xb1: {  	(xrf1) =	vunique.msk.u32 $0xffff, v3  }
0xb2: {  	(xrf1) =	vunique.msk.u32 $0xffff, v4  }
0xb3: {  	s26 =	simm.s32 $0x400  }
0xb4: {  	s29 =	sand.u32 $0xC00, s26;
	s23 =	simm.s32 $0x20  }
0xb5: {  	s24 =	sadd.s32 s29, s22;
	s25 =	sand.u32 $0x380, s23;
	(xrf1) =	vunique.msk.u32 $0xffff, v1  }
0xb6: {  	s24 =	sadd.s32 s25, s24  }
0xb7: {  	v8 =	vld [tilespmem:s24+$0x70]  }
0xb8: {  	v7 =	vld [tilespmem:s24+$0x0]  }
0xb9: {  	v5 =	vld [tilespmem:s24+$0x10];
	_, v14, vm0 =	vpop (xrf1)  }
0xba: {  	v6 =	vld [tilespmem:s24+$0x20];
	_, v19, vm3 =	vpop (xrf1)  }
0xbb: {  	v11 =	vld [tilespmem:s24+$0x30]  }
0xbc: {  	v9 =	vld [tilespmem:s24+$0x40];
	(xrf1) =	vunique.msk.u32 $0xffff, v8;
	_, v20, vm4 =	vpop (xrf1)  }
0xbd: {  	v10 =	vld [tilespmem:s24+$0x50];
	(xrf1) =	vunique.msk.u32 $0xffff, v7;
	_, v21, vm5 =	vpop (xrf1)  }
0xbe: {  	v12 =	vld [tilespmem:s24+$0x60];
	(xrf1) =	vunique.msk.u32 $0xffff, v5;
	_, v15, vm2 =	vpop (xrf1)  }
0xbf: {  	(xrf1) =	vunique.msk.u32 $0xffff, v6;
	[tilespmem:v13+s28+$0x0] =	vst.idx.add.s32.msk vm0, v14;
	_, v14, vm1 =	vpop (xrf1)  }
0xc0: {  	(xrf1) =	vunique.msk.u32 $0xffff, v11;
	[tilespmem:v16+s28+$0x0] =	vst.idx.add.s32.msk vm3, v19;
	_, v16, vm3 =	vpop (xrf1)  }
0xc1: {  	(xrf1) =	vunique.msk.u32 $0xffff, v9  }
0xc2: {  	(xrf1) =	vunique.msk.u32 $0xffff, v10;
	[tilespmem:v17+s28+$0x0] =	vst.idx.add.s32.msk vm4, v20  }
0xc3: {  	s25 =	simm.s32 $0x800;
	s24 =	simm.s32 $0x8;
	_, v13, vm0 =	vpop (xrf1);
	(xrf1) =	vunique.msk.u32 $0xffff, v12;
	[tilespmem:v18+s28+$0x0] =	vst.idx.add.s32.msk vm5, v21  }
.LBB2_9:
0xc4: {  	s26 =	sand.u32 $0xC00, s25;
	s24 =	sadd.s32 $0x8, s24;
	s23 =	sadd.s32 $0x20, s23;
	[tilespmem:v2+s28+$0x0] =	vst.idx.add.s32.msk vm2, v15;
	v2 =	vmov v11  }
0xc5: {  	s29 =	sand.u32 $0x380, s23;
	s26 =	sadd.s32 s26, s22;
	p0 =	slt.u32 s24, $0xF8;
	[tilespmem:v3+s28+$0x0] =	vst.idx.add.s32.msk vm1, v14;
	v3 =	vmov v9  }
0xc6: {  	s26 =	sadd.s32 s29, s26;
	[tilespmem:v4+s28+$0x0] =	vst.idx.add.s32.msk vm3, v16;
	v4 =	vmov v10  }
0xc7: {  	v17 =	vld [tilespmem:s26+$0x70]  }
0xc8: {  	v18 =	vld [tilespmem:s26+$0x0]  }
0xc9: {  	v19 =	vld [tilespmem:s26+$0x10]  }
0xca: {  	v20 =	vld [tilespmem:s26+$0x20];
	_, v16, vm3 =	vpop (xrf1)  }
0xcb: {  	v11 =	vld [tilespmem:s26+$0x30];
	_, v21, vm4 =	vpop (xrf1)  }
0xcc: {  	v9 =	vld [tilespmem:s26+$0x40];
	(xrf1) =	vunique.msk.u32 $0xffff, v17;
	_, v22, vm5 =	vpop (xrf1)  }
0xcd: {  	v10 =	vld [tilespmem:s26+$0x50];
	(xrf1) =	vunique.msk.u32 $0xffff, v18;
	_, v23, vm6 =	vpop (xrf1)  }
0xce: {  	v24 =	vld [tilespmem:s26+$0x60];
	(xrf1) =	vunique.msk.u32 $0xffff, v19;
	_, v15, vm2 =	vpop (xrf1)  }
.Ltmp3:
0xcf: {  	(xrf1) =	vunique.msk.u32 $0xffff, v20;
	_, v14, vm1 =	vpop (xrf1);
	[tilespmem:v1+s28+$0x0] =	vst.idx.add.s32.msk vm0, v13;
	v1 =	vmov v12;
	(pc) =	sbr.rel @p0 .LBB2_9-.Ltmp3, $4  }
0xd0: {  	(xrf1) =	vunique.msk.u32 $0xffff, v11;
	[tilespmem:v8+s28+$0x0] =	vst.idx.add.s32.msk vm3, v16;
	_, v16, vm3 =	vpop (xrf1);
	v8 =	vmov v17  }
0xd1: {  	(xrf1) =	vunique.msk.u32 $0xffff, v9;
	[tilespmem:v7+s28+$0x0] =	vst.idx.add.s32.msk vm4, v21;
	_, v13, vm0 =	vpop (xrf1);
	v7 =	vmov v18  }
0xd2: {  	(xrf1) =	vunique.msk.u32 $0xffff, v10;
	[tilespmem:v5+s28+$0x0] =	vst.idx.add.s32.msk vm5, v22;
	v5 =	vmov v19  }
0xd3: {  	s25 =	sadd.s32 $0x400, s25;
	(xrf1) =	vunique.msk.u32 $0xffff, v24;
	[tilespmem:v6+s28+$0x0] =	vst.idx.add.s32.msk vm6, v23;
	v6 =	vmov v20;
	v12 =	vmov v24  }
0xd4: {  	_ =	sdelay $0x5  }
0xd5: {  	_, v17, vm4 =	vpop (xrf1)  }
0xd6: {  	_, v18, vm5 =	vpop (xrf1)  }
0xd7: {  	[tilespmem:v2+s28+$0x0] =	vst.idx.add.s32.msk vm2, v15;
	_, v2, vm2 =	vpop (xrf1)  }
0xd8: {  	[tilespmem:v3+s28+$0x0] =	vst.idx.add.s32.msk vm1, v14;
	_, v3, vm1 =	vpop (xrf1)  }
0xd9: {  	[tilespmem:v4+s28+$0x0] =	vst.idx.add.s32.msk vm3, v16;
	_, v4, vm3 =	vpop (xrf1)  }
0xda: {  	[tilespmem:v1+s28+$0x0] =	vst.idx.add.s32.msk vm0, v13;
	_, v62, vm6 =	vpop (xrf1)  }
0xdb: {  	[tilespmem:v8+s28+$0x0] =	vst.idx.add.s32.msk vm4, v17;
	_, v1, vm0 =	vpop (xrf1)  }
0xdc: {  	[tilespmem:v7+s28+$0x0] =	vst.idx.add.s32.msk vm5, v18;
	_, v63, vm15 =	vpop (xrf1)  }
0xdd: {  	[tilespmem:v5+s28+$0x0] =	vst.idx.add.s32.msk vm2, v2  }
0xde: {  	p0 =	sgt.u32 s2, $0x1;
	[tilespmem:v6+s28+$0x0] =	vst.idx.add.s32.msk vm1, v3  }
0xdf: {  	s23 =	sshll.u32 @!p0 s2, $0xC;
	[tilespmem:v11+s28+$0x0] =	vst.idx.add.s32.msk vm3, v4  }
0xe0: {  	s23 =	sor.u32 @!p0 s10, s23;
	[tilespmem:v9+s28+$0x0] =	vst.idx.add.s32.msk vm6, v62  }
0xe1: {  	s23 =	sshrl.u32 @!p0 s23, $0x3;
	[tilespmem:v10+s28+$0x0] =	vst.idx.add.s32.msk vm0, v1  }
0xe2: {  	s24 =	simm.s32 @!p0 $0x0;
	s2 =	sadd.s32 $0x1, s2;
	s23 =	sadd.s32 @!p0 s4, s23;
	[tilespmem:v12+s28+$0x0] =	vst.idx.add.s32.msk vm15, v63  }
0xe3: {  	[tilespmem:s22], [sflag:s21] =	stream.linear.gather @!p0 [hbm4b:s23+s24], $0x1000, $0x38;
	[tilespmem:$0x19400] =	vst v63  }
0xe4: {  	p0 =	sne.s32 s2, $0x4  }
.Ltmp4:
0xe5: {  	_ = 	snop;
	(pc) =	sbr.rel @p0 .LBB2_8-.Ltmp4, $1  }
0xe6: {  	_ =	sdelay $0x3  }
0xe7: {  	s0 =	sadd.s32 $0x1, s0  }
0xe8: {  	p0 =	sne.s32 s0, s12  }
.Ltmp5:
0xe9: {  	s1 =	simm.s32 $0x0;
	(pc) =	sbr.rel @p0 .LBB2_1-.Ltmp5, $4  }
0xea: {  	[hbm4b:s11+s1] =	stream.linear.scatter [tilespmem:s28], [sflag:$0x3], $0x15000, $0x38;
	[tilespmem:$0x19400] =	vst v63  }
0xeb: {  	_ =	swait.ge [sflag:s31], $0x15000  }
0xec: {  	[sflag:s31] =	ssyncset.done $0x0  }
0xed: {  	[sflag:s31] =	ssyncadd.s32 $0xFFFEB000  }
0xee: {  	_ =	sfence.sel $0x180000  }
0xef: {  	[bflag:$0x0] =	sbarrier.arrive $0xFFFF  }
0xf0: {  	_ =	strace $0x9000004A  }
0xf1: {  	s0 =	stileid.u32;
	[bflag:$0x2] =	sbarrier.arrive $0xFFFF  }
0xf2: {  	p0 =	sne.s32 s0, $0x0;
	s0 =	rddreg [dreg:$0x1]  }
0xf3: {  	s0 =	sadd.s32 @!p0 $0x100000, s0  }
0xf4: {  	[sflag:s0] =	ssyncadd.tile.s32 @!p0 $0x1;
	_ =	shalt  }
.Lfunc_end2:
_tile_overlayer_lowered:
.L_overlay_start_2:
0xf5: {  	(tag) =	ssettag $0x2  }
0xf6: {  	s0 =	rddreg [dreg:$0x0];
	s2 =	stileid.u32  }
0xf7: {  	s1 =	rddreg [dreg:$0x1];
	p0 =	sne.s32 s2, $0x0  }
0xf8: {  	s3 =	rddreg [dreg:$0x2];
	[bflag:$0x3] =	sbarrier.arrive $0xFFFF;
	s2 =	simm.s32 @!p0 $0x1C03  }
0xf9: {  	[timem:s3], [sflag:s2] =	dma.local @!p0 [hbm:s0], s1  }
0xfa: {  	s0 =	simm.s32 @!p0 $0x3  }
0xfb: {  	_ =	swait.ge @!p0 [sflag:s0], s1  }
0xfc: {  	s1 =	ssub.s32 @!p0 $0x0, s1;
	[sflag:s0] =	ssyncset.done @!p0 $0x0  }
0xfd: {  	[sflag:s0] =	ssyncadd.s32 @!p0 s1  }
0xfe: {  	[bflag:$0x3] =	sbarrier.arrive $0xFFFF  }
0xff: {  	_ =	shalt  }

</sc_bundles>
